<compile_context>
chip_gen: v7x
topology: tpu7x:2x2x1
jax: 0.10.2.dev20260603
libtpu: 0.0.44.dev20260713+nightly
codegen_flags: <defaults>
</compile_context>

<pallas_src>
import dataclasses
import functools

import jax
import jax.numpy as jnp
from jax import lax
from jax.experimental import pallas as pl
from jax.experimental.pallas import tpu as pltpu
from jax.experimental.pallas import tpu_sc as plsc

_SIDE = 128
_N = 2097152
_NW = 32
_CHUNK = 1024
_NSUB = 8
_GSUB = (_CHUNK // _NSUB) // 16
_PER_TILE = _N // _NW
_N_CHUNKS = _PER_TILE // _CHUNK
_ROWS_PER_TILE = _SIDE * _SIDE // _NW


def _compiler_params():
    cp = pltpu.CompilerParams()
    fields = pltpu.CompilerParams.__dataclass_fields__
    if "needs_layout_passes" in fields:
        cp = dataclasses.replace(cp, needs_layout_passes=False)
    if "use_tc_tiling_on_sc" in fields:
        cp = dataclasses.replace(cp, use_tc_tiling_on_sc=False)
    return cp


_MESH = plsc.VectorSubcoreMesh(core_axis_name="c", subcore_axis_name="s")


def _sc_build(vox2d):

    @functools.partial(
        pl.kernel,
        out_type=jax.ShapeDtypeStruct((_SIDE * _SIDE * _SIDE * 32,),
                                      jnp.float32),
        mesh=_MESH,
        compiler_params=_compiler_params(),
        scratch_types=[
            pltpu.VMEM((32, 128), jnp.float32),
            pltpu.VMEM((2 * 4096,), jnp.float32),
            pltpu.SemaphoreType.DMA,
            pltpu.SemaphoreType.DMA,
            pltpu.SemaphoreType.DMA,
        ],
    )
    def k(vox_hbm, tab_hbm, src_v, out_v, sem_in, sem_oa, sem_ob):
        wid = lax.axis_index("s") * 2 + lax.axis_index("c")
        row0 = wid * _ROWS_PER_TILE
        lane = lax.iota(jnp.int32, 16)
        osems = (sem_oa, sem_ob)
        rr_h, xx_h = [], []
        for h in range(2):
            m = h * 16 + lane
            zz = (m >> 4) & 1
            yy = (m >> 3) & 1
            xx = (m >> 2) & 1
            c = m & 3
            rr_h.append((zz * 2 + yy) * 4 + c)
            xx_h.append(xx)

        def fire_in(gr, par):
            z = gr >> 7
            y = gr & (_SIDE - 1)
            for zz in range(2):
                zc = jnp.minimum(z + zz, _SIDE - 1)
                for yy in range(2):
                    yc = jnp.minimum(y + yy, _SIDE - 1)
                    pltpu.async_copy(
                        vox_hbm.at[:, pl.ds((zc * _SIDE + yc) * _SIDE, _SIDE)],
                        src_v.at[pl.ds(par * 16 + (zz * 2 + yy) * 4, 4), :],
                        sem_in,
                    )

        def drain_in(par):
            for q in range(4):
                pltpu.make_async_copy(
                    vox_hbm.at[:, pl.ds(0, _SIDE)],
                    src_v.at[pl.ds(par * 16 + q * 4, 4), :],
                    sem_in,
                ).wait()

        def emit(gr, par):
            ob = par * 4096
            rows0 = par * 16 + rr_h[0]
            rows1 = par * 16 + rr_h[1]

            @pl.loop(0, _SIDE)
            def _(x):
                col0 = jnp.minimum(x + xx_h[0], _SIDE - 1)
                col1 = jnp.minimum(x + xx_h[1], _SIDE - 1)
                out_v[pl.ds(ob + x * 32, 16)] = plsc.load_gather(
                    src_v, [rows0, col0])
                out_v[pl.ds(ob + x * 32 + 16, 16)] = plsc.load_gather(
                    src_v, [rows1, col1])

            pltpu.async_copy(
                out_v.at[pl.ds(ob, 4096)],
                tab_hbm.at[pl.ds(gr * 4096, 4096)],
                osems[par],
            )

        def drain_out(par):
            pltpu.make_async_copy(
                out_v.at[pl.ds(par * 4096, 4096)],
                tab_hbm.at[pl.ds(0, 4096)],
                osems[par],
            ).wait()

        fire_in(row0, 0)

        @pl.loop(0, _ROWS_PER_TILE // 2)
        def _(t):
            r0 = row0 + t * 2
            drain_in(0)
            fire_in(r0 + 1, 1)

            @pl.when(t >= 1)
            def _():
                drain_out(0)

            emit(r0, 0)
            drain_in(1)

            @pl.when(t + 1 < _ROWS_PER_TILE // 2)
            def _():
                fire_in(r0 + 2, 0)

            @pl.when(t >= 1)
            def _():
                drain_out(1)

            emit(r0 + 1, 1)

        drain_out(0)
        drain_out(1)

    return k(vox2d)


def _sc_interp(px, py, pz, table, bias16):
    @functools.partial(
        pl.kernel,
        out_type=jax.ShapeDtypeStruct((_N * 4,), jnp.float32),
        mesh=_MESH,
        compiler_params=_compiler_params(),
        scratch_types=[
            pltpu.VMEM((2 * _CHUNK,), jnp.float32),
            pltpu.VMEM((2 * _CHUNK,), jnp.float32),
            pltpu.VMEM((2 * _CHUNK,), jnp.float32),
            pltpu.VMEM((2 * 3 * _CHUNK,), jnp.float32),
            pltpu.VMEM((2 * _NSUB, 128), jnp.int32),
            pltpu.VMEM((2 * _CHUNK, 32), jnp.float32),
            pltpu.VMEM((2 * _CHUNK * 4,), jnp.float32),
            pltpu.VMEM((16,), jnp.float32),
            pltpu.SemaphoreType.DMA,
            pltpu.SemaphoreType.DMA,
            pltpu.SemaphoreType.DMA,
            pltpu.SemaphoreType.DMA,
            pltpu.SemaphoreType.DMA,
        ],
    )
    def k(px_hbm, py_hbm, pz_hbm, tab_hbm, bias_hbm, out_hbm,
          px_v, py_v, pz_v, frac_v, idx_v, rows_v, out_v, bias_v,
          sem_pos, sem_ga, sem_gb, sem_oa, sem_ob):
        wid = lax.axis_index("s") * 2 + lax.axis_index("c")
        base0 = wid * _PER_TILE
        pltpu.sync_copy(bias_hbm, bias_v)
        lane = lax.iota(jnp.int32, 16)
        b_splat = [
            plsc.load_gather(bias_v, [jnp.full((16,), c + 1, jnp.int32)])
            for c in range(4)
        ]
        half = jnp.float32(_SIDE // 2)
        top = jnp.float32(_SIDE - 1)
        gsems = (sem_ga, sem_gb)
        osems = (sem_oa, sem_ob)
        coord_bufs = ((px_hbm, px_v), (py_hbm, py_v), (pz_hbm, pz_v))

        def fire_pos(ch_next, par):
            base = base0 + ch_next * _CHUNK
            for hbm, vmem in coord_bufs:
                pltpu.async_copy(
                    hbm.at[pl.ds(base, _CHUNK)],
                    vmem.at[pl.ds(par * _CHUNK, _CHUNK)],
                    sem_pos,
                )

        def drain_pos(par):
            for hbm, vmem in coord_bufs:
                pltpu.make_async_copy(
                    hbm.at[pl.ds(0, _CHUNK)],
                    vmem.at[pl.ds(par * _CHUNK, _CHUNK)],
                    sem_pos,
                ).wait()

        def index_phase(par):
            pb = par * _CHUNK
            fb = par * 3 * _CHUNK
            sem_g = gsems[par]

            @pl.loop(0, _NSUB)
            def _(j):
                @pl.loop(0, _GSUB)
                def _(g2):
                    s0 = j * (_CHUNK // _NSUB) + g2 * 16
                    x = px_v[pl.ds(pb + s0, 16)]
                    y = py_v[pl.ds(pb + s0, 16)]
                    z = pz_v[pl.ds(pb + s0, 16)]
                    ix = jnp.clip((x + 1.0) * half - 0.5, 0.0, top)
                    iy = jnp.clip((y + 1.0) * half - 0.5, 0.0, top)
                    iz = jnp.clip((z + 1.0) * half - 0.5, 0.0, top)
                    ix0 = ix.astype(jnp.int32)
                    iy0 = iy.astype(jnp.int32)
                    iz0 = iz.astype(jnp.int32)
                    fx = ix - ix0.astype(jnp.float32)
                    fy = iy - iy0.astype(jnp.float32)
                    fz = iz - iz0.astype(jnp.float32)
                    lin = (iz0 * _SIDE + iy0) * _SIDE + ix0
                    idx_v[par * _NSUB + j, pl.ds(g2 * 16, 16)] = lin
                    frac_v[pl.ds(fb + s0, 16)] = fx
                    frac_v[pl.ds(fb + _CHUNK + s0, 16)] = fy
                    frac_v[pl.ds(fb + 2 * _CHUNK + s0, 16)] = fz

                pltpu.async_copy(
                    tab_hbm.at[idx_v.at[par * _NSUB + j]],
                    rows_v.at[pl.ds(par * _CHUNK + j * (_CHUNK // _NSUB),
                                    _CHUNK // _NSUB)],
                    sem_g,
                )

        def combine(c, par):
            sem_g = gsems[par]
            sem_o = osems[par]
            pltpu.make_async_copy(
                tab_hbm.at[pl.ds(0, _CHUNK)],
                rows_v.at[pl.ds(par * _CHUNK, _CHUNK)],
                sem_g,
            ).wait()

            @pl.when(c >= 2)
            def _():
                pltpu.make_async_copy(
                    out_v.at[pl.ds(par * _CHUNK * 4, _CHUNK * 4)],
                    out_hbm.at[pl.ds(0, _CHUNK * 4)],
                    sem_o,
                ).wait()

            fb = par * 3 * _CHUNK
            ob = par * _CHUNK * 4
            rb = par * _CHUNK

            @pl.loop(0, _CHUNK // 16)
            def _(g):
                s0 = g * 16
                fx = frac_v[pl.ds(fb + s0, 16)]
                fy = frac_v[pl.ds(fb + _CHUNK + s0, 16)]
                fz = frac_v[pl.ds(fb + 2 * _CHUNK + s0, 16)]
                rowvec = rb + s0 + lane
                gx = (1.0 - fx, fx)
                gy = (1.0 - fy, fy)
                gz = (1.0 - fz, fz)
                a = [[gz[zz] * gy[yy] for yy in range(2)] for zz in range(2)]
                w = [a[k8 >> 2][(k8 >> 1) & 1] * gx[k8 & 1] for k8 in range(8)]
                blk = ob + (s0 >> 7) * 512 + (s0 & 127)
                for c4 in range(4):
                    acc = b_splat[c4]
                    for k8 in range(8):
                        val = plsc.load_gather(
                            rows_v,
                            [rowvec, jnp.full((16,), k8 * 4 + c4, jnp.int32)],
                        )
                        acc = acc + w[k8] * val
                    out_v[pl.ds(blk + c4 * 128, 16)] = acc

            pltpu.async_copy(
                out_v.at[pl.ds(ob, _CHUNK * 4)],
                out_hbm.at[pl.ds((base0 + c * _CHUNK) * 4, _CHUNK * 4)],
                sem_o,
            )

        fire_pos(0, 0)

        @pl.loop(0, _N_CHUNKS // 2)
        def _(t):
            ch0 = t * 2
            ch1 = ch0 + 1
            drain_pos(0)
            fire_pos(ch1, 1)
            index_phase(0)

            @pl.when(ch0 > 0)
            def _():
                combine(ch0 - 1, 1)

            drain_pos(1)

            @pl.when(ch1 + 1 < _N_CHUNKS)
            def _():
                fire_pos(ch1 + 1, 0)

            index_phase(1)
            combine(ch0, 0)

        combine(_N_CHUNKS - 1, 1)
        pltpu.make_async_copy(
            out_v.at[pl.ds(0, _CHUNK * 4)],
            out_hbm.at[pl.ds(0, _CHUNK * 4)], sem_oa,
        ).wait()
        pltpu.make_async_copy(
            out_v.at[pl.ds(_CHUNK * 4, _CHUNK * 4)],
            out_hbm.at[pl.ds(0, _CHUNK * 4)], sem_ob,
        ).wait()

    return k(px, py, pz, table, bias16)


def kernel(positions, voxels, bias):
    vox2d = voxels.reshape(4, _SIDE * _SIDE * _SIDE)
    table = _sc_build(vox2d).reshape(_SIDE * _SIDE * _SIDE, 32)
    px = positions[:, 0]
    py = positions[:, 1]
    pz = positions[:, 2]
    bias16 = jnp.pad(bias.reshape(4), (1, 11))
    out = _sc_interp(px, py, pz, table, bias16)
    g = out.reshape(_N // 128, 4, 128)
    return jnp.swapaxes(g, 1, 2).reshape(_N, 4)

# --- scband reference (transcript-rebuilt; emitter-appended) ---
"""Pipeline reference for scband-voxels-5669356833119 (READ-ONLY COPY).

The authoritative reference and input builder live on the scoring server;
editing this copy changes nothing except your own understanding.
"""

import jax, jax.numpy as jnp
import numpy as np

SIDE = 128
SCALE = 1.0
N = 2097152


def setup_inputs(seed: int = 0) -> dict:
    key = jax.random.key(seed)
    k1, k2 = jax.random.split(key)
    # positions span the voxel volume [-scale, scale]
    positions = jax.random.uniform(k1, (N, 3), dtype=jnp.float32, minval=-1.0, maxval=1.0)
    # learned voxel grid parameter: (C=4, D, H, W). (Initialized randn here instead of
    # zeros so the gather/interp is nontrivial; math is identical.)
    voxels = jax.random.normal(k2, (4, SIDE, SIDE, SIDE), dtype=jnp.float32) * 0.1
    logit_eps = float(np.log(1e-05) - np.log1p(-1e-05))
    bias = jnp.array([[logit_eps, logit_eps, logit_eps, -2.0]], dtype=jnp.float32)
    return {"positions": positions, "voxels": voxels, "bias": bias}


def _grid_sample_3d_border(vox, pos):
    # vox: [C, D, H, W]; pos: [M, 3] normalized coords in [-1, 1], last dim = (x, y, z)
    # matches torch F.grid_sample(mode='bilinear', padding_mode='border', align_corners=False)
    C, D, H, W = vox.shape
    x = pos[:, 0]
    y = pos[:, 1]
    z = pos[:, 2]
    # unnormalize (align_corners=False)
    ix = ((x + 1.0) * W - 1.0) / 2.0
    iy = ((y + 1.0) * H - 1.0) / 2.0
    iz = ((z + 1.0) * D - 1.0) / 2.0
    # border padding: clip coordinates to [0, size-1]
    ix = jnp.clip(ix, 0.0, W - 1.0)
    iy = jnp.clip(iy, 0.0, H - 1.0)
    iz = jnp.clip(iz, 0.0, D - 1.0)
    ix0f = jnp.floor(ix)
    iy0f = jnp.floor(iy)
    iz0f = jnp.floor(iz)
    fx = ix - ix0f
    fy = iy - iy0f
    fz = iz - iz0f
    ix0 = ix0f.astype(jnp.int32)
    iy0 = iy0f.astype(jnp.int32)
    iz0 = iz0f.astype(jnp.int32)
    ix1 = jnp.minimum(ix0 + 1, W - 1)
    iy1 = jnp.minimum(iy0 + 1, H - 1)
    iz1 = jnp.minimum(iz0 + 1, D - 1)

    def g(zi, yi, xi):
        return vox[:, zi, yi, xi]  # [C, M] gather

    c000 = g(iz0, iy0, ix0)
    c001 = g(iz0, iy0, ix1)
    c010 = g(iz0, iy1, ix0)
    c011 = g(iz0, iy1, ix1)
    c100 = g(iz1, iy0, ix0)
    c101 = g(iz1, iy0, ix1)
    c110 = g(iz1, iy1, ix0)
    c111 = g(iz1, iy1, ix1)
    w000 = (1 - fz) * (1 - fy) * (1 - fx)
    w001 = (1 - fz) * (1 - fy) * fx
    w010 = (1 - fz) * fy * (1 - fx)
    w011 = (1 - fz) * fy * fx
    w100 = fz * (1 - fy) * (1 - fx)
    w101 = fz * (1 - fy) * fx
    w110 = fz * fy * (1 - fx)
    w111 = fz * fy * fx
    out = (c000 * w000 + c001 * w001 + c010 * w010 + c011 * w011
           + c100 * w100 + c101 * w101 + c110 * w110 + c111 * w111)
    return out  # [C, M]


def reference(positions, voxels, bias):
    p = positions.reshape(-1, 3) / SCALE
    out = _grid_sample_3d_border(voxels, p)  # [4, M]
    out = out.T.reshape(-1, 4)
    out = out + bias
    return out

if __name__ == "__main__":
    import jax
    _d = setup_inputs()
    print(jax.jit(kernel)(*tuple(_d.values())))

</pallas_src>

<mosaic_0001>
#map = affine_map<(d0, d1) -> (0, 0)>
#map1 = affine_map<(d0, d1) -> (0)>
module attributes {stable_mosaic.version = 14 : i64} {
  func.func @k(%arg0: i32, %arg1: i32, %arg2: memref<4x2097152xf32, #tpu.memory_space<hbm>>, %arg3: memref<67108864xf32, #tpu.memory_space<hbm>>, %arg4: memref<32x128xf32, #tpu.memory_space<vmem>>, %arg5: memref<8192xf32, #tpu.memory_space<vmem>>, %arg6: memref<!tpu.dma_semaphore, #tpu.memory_space<semaphore_mem>>, %arg7: memref<!tpu.dma_semaphore, #tpu.memory_space<semaphore_mem>>, %arg8: memref<!tpu.dma_semaphore, #tpu.memory_space<semaphore_mem>>) attributes {dimension_semantics = [#tpu.dimension_semantics<core_parallel>, #tpu.dimension_semantics<subcore_parallel>], iteration_bounds = array<i64: 2, 16>, scalar_prefetch = 0 : i64, scratch_operands = 5 : i64, tpu.core_type = #tpu.core_type<sc_vector_subcore>, window_params = [{transform_indices = #map}, {transform_indices = #map1}]} {
    %mul3A = arith.constant 2 : i32
    %mul3A_0 = arith.muli %arg1, %mul3A : i32
    %add3A = arith.addi %mul3A_0, %arg0 : i32
    %mul3A_1 = arith.constant 512 : i32
    %mul3A_2 = arith.muli %add3A, %mul3A_1 : i32
    %iota3A = tpu.iota {dimensions = array<i32: 0>} : vector<16xi32>
    %add3A_3 = arith.constant 0 : i32
    %add3A_4 = vector.broadcast %add3A_3 : i32 to vector<16xi32>
    %add3A_5 = arith.addi %add3A_4, %iota3A : vector<16xi32>
    %shift_right_arithmetic3A = arith.constant 4 : i32
    %shift_right_arithmetic3A_6 = vector.broadcast %shift_right_arithmetic3A : i32 to vector<16xi32>
    %shift_right_arithmetic3A_7 = arith.shrsi %add3A_5, %shift_right_arithmetic3A_6 : vector<16xi32>
    %and3A = arith.constant 1 : i32
    %and3A_8 = vector.broadcast %and3A : i32 to vector<16xi32>
    %and3A_9 = arith.andi %shift_right_arithmetic3A_7, %and3A_8 : vector<16xi32>
    %shift_right_arithmetic3A_10 = arith.constant 3 : i32
    %shift_right_arithmetic3A_11 = vector.broadcast %shift_right_arithmetic3A_10 : i32 to vector<16xi32>
    %shift_right_arithmetic3A_12 = arith.shrsi %add3A_5, %shift_right_arithmetic3A_11 : vector<16xi32>
    %and3A_13 = arith.constant 1 : i32
    %and3A_14 = vector.broadcast %and3A_13 : i32 to vector<16xi32>
    %and3A_15 = arith.andi %shift_right_arithmetic3A_12, %and3A_14 : vector<16xi32>
    %shift_right_arithmetic3A_16 = arith.constant 2 : i32
    %shift_right_arithmetic3A_17 = vector.broadcast %shift_right_arithmetic3A_16 : i32 to vector<16xi32>
    %shift_right_arithmetic3A_18 = arith.shrsi %add3A_5, %shift_right_arithmetic3A_17 : vector<16xi32>
    %and3A_19 = arith.constant 1 : i32
    %and3A_20 = vector.broadcast %and3A_19 : i32 to vector<16xi32>
    %and3A_21 = arith.andi %shift_right_arithmetic3A_18, %and3A_20 : vector<16xi32>
    %and3A_22 = arith.constant 3 : i32
    %and3A_23 = vector.broadcast %and3A_22 : i32 to vector<16xi32>
    %and3A_24 = arith.andi %add3A_5, %and3A_23 : vector<16xi32>
    %mul3A_25 = arith.constant 2 : i32
    %mul3A_26 = vector.broadcast %mul3A_25 : i32 to vector<16xi32>
    %mul3A_27 = arith.muli %and3A_9, %mul3A_26 : vector<16xi32>
    %add3A_28 = arith.addi %mul3A_27, %and3A_15 : vector<16xi32>
    %mul3A_29 = arith.constant 4 : i32
    %mul3A_30 = vector.broadcast %mul3A_29 : i32 to vector<16xi32>
    %mul3A_31 = arith.muli %add3A_28, %mul3A_30 : vector<16xi32>
    %add3A_32 = arith.addi %mul3A_31, %and3A_24 : vector<16xi32>
    %add3A_33 = arith.constant 16 : i32
    %add3A_34 = vector.broadcast %add3A_33 : i32 to vector<16xi32>
    %add3A_35 = arith.addi %add3A_34, %iota3A : vector<16xi32>
    %shift_right_arithmetic3A_36 = arith.constant 4 : i32
    %shift_right_arithmetic3A_37 = vector.broadcast %shift_right_arithmetic3A_36 : i32 to vector<16xi32>
    %shift_right_arithmetic3A_38 = arith.shrsi %add3A_35, %shift_right_arithmetic3A_37 : vector<16xi32>
    %and3A_39 = arith.constant 1 : i32
    %and3A_40 = vector.broadcast %and3A_39 : i32 to vector<16xi32>
    %and3A_41 = arith.andi %shift_right_arithmetic3A_38, %and3A_40 : vector<16xi32>
    %shift_right_arithmetic3A_42 = arith.constant 3 : i32
    %shift_right_arithmetic3A_43 = vector.broadcast %shift_right_arithmetic3A_42 : i32 to vector<16xi32>
    %shift_right_arithmetic3A_44 = arith.shrsi %add3A_35, %shift_right_arithmetic3A_43 : vector<16xi32>
    %and3A_45 = arith.constant 1 : i32
    %and3A_46 = vector.broadcast %and3A_45 : i32 to vector<16xi32>
    %and3A_47 = arith.andi %shift_right_arithmetic3A_44, %and3A_46 : vector<16xi32>
    %shift_right_arithmetic3A_48 = arith.constant 2 : i32
    %shift_right_arithmetic3A_49 = vector.broadcast %shift_right_arithmetic3A_48 : i32 to vector<16xi32>
    %shift_right_arithmetic3A_50 = arith.shrsi %add3A_35, %shift_right_arithmetic3A_49 : vector<16xi32>
    %and3A_51 = arith.constant 1 : i32
    %and3A_52 = vector.broadcast %and3A_51 : i32 to vector<16xi32>
    %and3A_53 = arith.andi %shift_right_arithmetic3A_50, %and3A_52 : vector<16xi32>
    %and3A_54 = arith.constant 3 : i32
    %and3A_55 = vector.broadcast %and3A_54 : i32 to vector<16xi32>
    %and3A_56 = arith.andi %add3A_35, %and3A_55 : vector<16xi32>
    %mul3A_57 = arith.constant 2 : i32
    %mul3A_58 = vector.broadcast %mul3A_57 : i32 to vector<16xi32>
    %mul3A_59 = arith.muli %and3A_41, %mul3A_58 : vector<16xi32>
    %add3A_60 = arith.addi %mul3A_59, %and3A_47 : vector<16xi32>
    %mul3A_61 = arith.constant 4 : i32
    %mul3A_62 = vector.broadcast %mul3A_61 : i32 to vector<16xi32>
    %mul3A_63 = arith.muli %add3A_60, %mul3A_62 : vector<16xi32>
    %add3A_64 = arith.addi %mul3A_63, %and3A_56 : vector<16xi32>
    %shift_right_arithmetic3A_65 = arith.constant 7 : i32
    %shift_right_arithmetic3A_66 = arith.shrsi %mul3A_2, %shift_right_arithmetic3A_65 : i32
    %and3A_67 = arith.constant 127 : i32
    %and3A_68 = arith.andi %mul3A_2, %and3A_67 : i32
    %add3A_69 = arith.constant 0 : i32
    %add3A_70 = arith.addi %shift_right_arithmetic3A_66, %add3A_69 : i32
    %min3A = arith.constant 127 : i32
    %min3A_71 = arith.minsi %add3A_70, %min3A : i32
    %add3A_72 = arith.constant 0 : i32
    %add3A_73 = arith.addi %and3A_68, %add3A_72 : i32
    %min3A_74 = arith.constant 127 : i32
    %min3A_75 = arith.minsi %add3A_73, %min3A_74 : i32
    %mul3A_76 = arith.constant 128 : i32
    %mul3A_77 = arith.muli %min3A_71, %mul3A_76 : i32
    %add3A_78 = arith.addi %mul3A_77, %min3A_75 : i32
    %mul3A_79 = arith.constant 128 : i32
    %mul3A_80 = arith.muli %add3A_78, %mul3A_79 : i32
    %dma_start3A = arith.constant 0 : i32
    %dma_start3A_81 = arith.constant 0 : i32
    %dma_start3A_82 = tpu.memref_slice %arg4[%dma_start3A, %dma_start3A_81] : memref<32x128xf32, #tpu.memory_space<vmem>> -> memref<4x128xf32, #tpu.memory_space<vmem>>
    %dma_start3A_83 = arith.constant 0 : i32
    %dma_start3A_84 = tpu.memref_slice %arg2[%dma_start3A_83, %mul3A_80] : memref<4x2097152xf32, #tpu.memory_space<hbm>> -> memref<4x128xf32, #tpu.memory_space<hbm>>
    %dma_start3A_85 = arith.constant 0 : i32
    %dma_start3A_86 = arith.constant 0 : i32
    %dma_start3A_87 = tpu.memref_slice %arg4[%dma_start3A_85, %dma_start3A_86] : memref<32x128xf32, #tpu.memory_space<vmem>> -> memref<4x128xf32, #tpu.memory_space<vmem>>
    %dma_start3A_88 = arith.constant 0 : i32
    %dma_start3A_89 = tpu.memref_slice %arg2[%dma_start3A_88, %mul3A_80] : memref<4x2097152xf32, #tpu.memory_space<hbm>> -> memref<4x128xf32, #tpu.memory_space<hbm>>
    tpu.enqueue_dma source(%dma_start3A_89 : memref<4x128xf32, #tpu.memory_space<hbm>>) target(%dma_start3A_87 : memref<4x128xf32, #tpu.memory_space<vmem>>) target_semaphore(%arg6 : memref<!tpu.dma_semaphore, #tpu.memory_space<semaphore_mem>>)
    %add3A_90 = arith.constant 1 : i32
    %add3A_91 = arith.addi %and3A_68, %add3A_90 : i32
    %min3A_92 = arith.constant 127 : i32
    %min3A_93 = arith.minsi %add3A_91, %min3A_92 : i32
    %mul3A_94 = arith.constant 128 : i32
    %mul3A_95 = arith.muli %min3A_71, %mul3A_94 : i32
    %add3A_96 = arith.addi %mul3A_95, %min3A_93 : i32
    %mul3A_97 = arith.constant 128 : i32
    %mul3A_98 = arith.muli %add3A_96, %mul3A_97 : i32
    %dma_start3A_99 = arith.constant 4 : i32
    %dma_start3A_100 = arith.constant 0 : i32
    %dma_start3A_101 = tpu.memref_slice %arg4[%dma_start3A_99, %dma_start3A_100] : memref<32x128xf32, #tpu.memory_space<vmem>> -> memref<4x128xf32, #tpu.memory_space<vmem>>
    %dma_start3A_102 = arith.constant 0 : i32
    %dma_start3A_103 = tpu.memref_slice %arg2[%dma_start3A_102, %mul3A_98] : memref<4x2097152xf32, #tpu.memory_space<hbm>> -> memref<4x128xf32, #tpu.memory_space<hbm>>
    %dma_start3A_104 = arith.constant 4 : i32
    %dma_start3A_105 = arith.constant 0 : i32
    %dma_start3A_106 = tpu.memref_slice %arg4[%dma_start3A_104, %dma_start3A_105] : memref<32x128xf32, #tpu.memory_space<vmem>> -> memref<4x128xf32, #tpu.memory_space<vmem>>
    %dma_start3A_107 = arith.constant 0 : i32
    %dma_start3A_108 = tpu.memref_slice %arg2[%dma_start3A_107, %mul3A_98] : memref<4x2097152xf32, #tpu.memory_space<hbm>> -> memref<4x128xf32, #tpu.memory_space<hbm>>
    tpu.enqueue_dma source(%dma_start3A_108 : memref<4x128xf32, #tpu.memory_space<hbm>>) target(%dma_start3A_106 : memref<4x128xf32, #tpu.memory_space<vmem>>) target_semaphore(%arg6 : memref<!tpu.dma_semaphore, #tpu.memory_space<semaphore_mem>>)
    %add3A_109 = arith.constant 1 : i32
    %add3A_110 = arith.addi %shift_right_arithmetic3A_66, %add3A_109 : i32
    %min3A_111 = arith.constant 127 : i32
    %min3A_112 = arith.minsi %add3A_110, %min3A_111 : i32
    %add3A_113 = arith.constant 0 : i32
    %add3A_114 = arith.addi %and3A_68, %add3A_113 : i32
    %min3A_115 = arith.constant 127 : i32
    %min3A_116 = arith.minsi %add3A_114, %min3A_115 : i32
    %mul3A_117 = arith.constant 128 : i32
    %mul3A_118 = arith.muli %min3A_112, %mul3A_117 : i32
    %add3A_119 = arith.addi %mul3A_118, %min3A_116 : i32
    %mul3A_120 = arith.constant 128 : i32
    %mul3A_121 = arith.muli %add3A_119, %mul3A_120 : i32
    %dma_start3A_122 = arith.constant 8 : i32
    %dma_start3A_123 = arith.constant 0 : i32
    %dma_start3A_124 = tpu.memref_slice %arg4[%dma_start3A_122, %dma_start3A_123] : memref<32x128xf32, #tpu.memory_space<vmem>> -> memref<4x128xf32, #tpu.memory_space<vmem>>
    %dma_start3A_125 = arith.constant 0 : i32
    %dma_start3A_126 = tpu.memref_slice %arg2[%dma_start3A_125, %mul3A_121] : memref<4x2097152xf32, #tpu.memory_space<hbm>> -> memref<4x128xf32, #tpu.memory_space<hbm>>
    %dma_start3A_127 = arith.constant 8 : i32
    %dma_start3A_128 = arith.constant 0 : i32
    %dma_start3A_129 = tpu.memref_slice %arg4[%dma_start3A_127, %dma_start3A_128] : memref<32x128xf32, #tpu.memory_space<vmem>> -> memref<4x128xf32, #tpu.memory_space<vmem>>
    %dma_start3A_130 = arith.constant 0 : i32
    %dma_start3A_131 = tpu.memref_slice %arg2[%dma_start3A_130, %mul3A_121] : memref<4x2097152xf32, #tpu.memory_space<hbm>> -> memref<4x128xf32, #tpu.memory_space<hbm>>
    tpu.enqueue_dma source(%dma_start3A_131 : memref<4x128xf32, #tpu.memory_space<hbm>>) target(%dma_start3A_129 : memref<4x128xf32, #tpu.memory_space<vmem>>) target_semaphore(%arg6 : memref<!tpu.dma_semaphore, #tpu.memory_space<semaphore_mem>>)
    %add3A_132 = arith.constant 1 : i32
    %add3A_133 = arith.addi %and3A_68, %add3A_132 : i32
    %min3A_134 = arith.constant 127 : i32
    %min3A_135 = arith.minsi %add3A_133, %min3A_134 : i32
    %mul3A_136 = arith.constant 128 : i32
    %mul3A_137 = arith.muli %min3A_112, %mul3A_136 : i32
    %add3A_138 = arith.addi %mul3A_137, %min3A_135 : i32
    %mul3A_139 = arith.constant 128 : i32
    %mul3A_140 = arith.muli %add3A_138, %mul3A_139 : i32
    %dma_start3A_141 = arith.constant 12 : i32
    %dma_start3A_142 = arith.constant 0 : i32
    %dma_start3A_143 = tpu.memref_slice %arg4[%dma_start3A_141, %dma_start3A_142] : memref<32x128xf32, #tpu.memory_space<vmem>> -> memref<4x128xf32, #tpu.memory_space<vmem>>
    %dma_start3A_144 = arith.constant 0 : i32
    %dma_start3A_145 = tpu.memref_slice %arg2[%dma_start3A_144, %mul3A_140] : memref<4x2097152xf32, #tpu.memory_space<hbm>> -> memref<4x128xf32, #tpu.memory_space<hbm>>
    %dma_start3A_146 = arith.constant 12 : i32
    %dma_start3A_147 = arith.constant 0 : i32
    %dma_start3A_148 = tpu.memref_slice %arg4[%dma_start3A_146, %dma_start3A_147] : memref<32x128xf32, #tpu.memory_space<vmem>> -> memref<4x128xf32, #tpu.memory_space<vmem>>
    %dma_start3A_149 = arith.constant 0 : i32
    %dma_start3A_150 = tpu.memref_slice %arg2[%dma_start3A_149, %mul3A_140] : memref<4x2097152xf32, #tpu.memory_space<hbm>> -> memref<4x128xf32, #tpu.memory_space<hbm>>
    tpu.enqueue_dma source(%dma_start3A_150 : memref<4x128xf32, #tpu.memory_space<hbm>>) target(%dma_start3A_148 : memref<4x128xf32, #tpu.memory_space<vmem>>) target_semaphore(%arg6 : memref<!tpu.dma_semaphore, #tpu.memory_space<semaphore_mem>>)
    %scan3A = arith.constant 0 : i32
    %scan3A_151 = arith.constant 256 : i32
    %scan3A_152 = arith.addi %scan3A, %scan3A_151 : i32
    %scan3A_153 = arith.constant 1 : i32
    scf.for %scan3A_170 = %scan3A to %scan3A_152 step %scan3A_153  : i32 {
      %mul3A_171 = arith.constant 1 : i32
      %mul3A_172 = arith.muli %scan3A_170, %mul3A_171 : i32
      %add3A_173 = arith.constant 0 : i32
      %add3A_174 = arith.addi %add3A_173, %mul3A_172 : i32
      %mul3A_175 = arith.constant 2 : i32
      %mul3A_176 = arith.muli %add3A_174, %mul3A_175 : i32
      %add3A_177 = arith.addi %mul3A_2, %mul3A_176 : i32
      %dma_wait3A_178 = arith.constant 0 : i32
      %dma_wait3A_179 = arith.constant 0 : i32
      %dma_wait3A_180 = tpu.memref_slice %arg4[%dma_wait3A_178, %dma_wait3A_179] : memref<32x128xf32, #tpu.memory_space<vmem>> -> memref<4x128xf32, #tpu.memory_space<vmem>>
      %dma_wait3A_181 = arith.constant 0 : i32
      %dma_wait3A_182 = arith.constant 0 : i32
      %dma_wait3A_183 = tpu.memref_slice %arg2[%dma_wait3A_181, %dma_wait3A_182] : memref<4x2097152xf32, #tpu.memory_space<hbm>> -> memref<4x128xf32, #tpu.memory_space<hbm>>
      %dma_wait3A_184 = arith.constant 0 : i32
      %dma_wait3A_185 = arith.constant 0 : i32
      %dma_wait3A_186 = tpu.memref_slice %arg4[%dma_wait3A_184, %dma_wait3A_185] : memref<32x128xf32, #tpu.memory_space<vmem>> -> memref<4x128xf32, #tpu.memory_space<vmem>>
      %dma_wait3A_187 = arith.constant 0 : i32
      %dma_wait3A_188 = arith.constant 0 : i32
      %dma_wait3A_189 = tpu.memref_slice %arg2[%dma_wait3A_187, %dma_wait3A_188] : memref<4x2097152xf32, #tpu.memory_space<hbm>> -> memref<4x128xf32, #tpu.memory_space<hbm>>
      tpu.wait_dma2 semaphore(%arg6 : memref<!tpu.dma_semaphore, #tpu.memory_space<semaphore_mem>>) src(%dma_wait3A_189 : memref<4x128xf32, #tpu.memory_space<hbm>>) dst(%dma_wait3A_186 : memref<4x128xf32, #tpu.memory_space<vmem>>)
      %dma_wait3A_190 = arith.constant 4 : i32
      %dma_wait3A_191 = arith.constant 0 : i32
      %dma_wait3A_192 = tpu.memref_slice %arg4[%dma_wait3A_190, %dma_wait3A_191] : memref<32x128xf32, #tpu.memory_space<vmem>> -> memref<4x128xf32, #tpu.memory_space<vmem>>
      %dma_wait3A_193 = arith.constant 0 : i32
      %dma_wait3A_194 = arith.constant 0 : i32
      %dma_wait3A_195 = tpu.memref_slice %arg2[%dma_wait3A_193, %dma_wait3A_194] : memref<4x2097152xf32, #tpu.memory_space<hbm>> -> memref<4x128xf32, #tpu.memory_space<hbm>>
      %dma_wait3A_196 = arith.constant 4 : i32
      %dma_wait3A_197 = arith.constant 0 : i32
      %dma_wait3A_198 = tpu.memref_slice %arg4[%dma_wait3A_196, %dma_wait3A_197] : memref<32x128xf32, #tpu.memory_space<vmem>> -> memref<4x128xf32, #tpu.memory_space<vmem>>
      %dma_wait3A_199 = arith.constant 0 : i32
      %dma_wait3A_200 = arith.constant 0 : i32
      %dma_wait3A_201 = tpu.memref_slice %arg2[%dma_wait3A_199, %dma_wait3A_200] : memref<4x2097152xf32, #tpu.memory_space<hbm>> -> memref<4x128xf32, #tpu.memory_space<hbm>>
      tpu.wait_dma2 semaphore(%arg6 : memref<!tpu.dma_semaphore, #tpu.memory_space<semaphore_mem>>) src(%dma_wait3A_201 : memref<4x128xf32, #tpu.memory_space<hbm>>) dst(%dma_wait3A_198 : memref<4x128xf32, #tpu.memory_space<vmem>>)
      %dma_wait3A_202 = arith.constant 8 : i32
      %dma_wait3A_203 = arith.constant 0 : i32
      %dma_wait3A_204 = tpu.memref_slice %arg4[%dma_wait3A_202, %dma_wait3A_203] : memref<32x128xf32, #tpu.memory_space<vmem>> -> memref<4x128xf32, #tpu.memory_space<vmem>>
      %dma_wait3A_205 = arith.constant 0 : i32
      %dma_wait3A_206 = arith.constant 0 : i32
      %dma_wait3A_207 = tpu.memref_slice %arg2[%dma_wait3A_205, %dma_wait3A_206] : memref<4x2097152xf32, #tpu.memory_space<hbm>> -> memref<4x128xf32, #tpu.memory_space<hbm>>
      %dma_wait3A_208 = arith.constant 8 : i32
      %dma_wait3A_209 = arith.constant 0 : i32
      %dma_wait3A_210 = tpu.memref_slice %arg4[%dma_wait3A_208, %dma_wait3A_209] : memref<32x128xf32, #tpu.memory_space<vmem>> -> memref<4x128xf32, #tpu.memory_space<vmem>>
      %dma_wait3A_211 = arith.constant 0 : i32
      %dma_wait3A_212 = arith.constant 0 : i32
      %dma_wait3A_213 = tpu.memref_slice %arg2[%dma_wait3A_211, %dma_wait3A_212] : memref<4x2097152xf32, #tpu.memory_space<hbm>> -> memref<4x128xf32, #tpu.memory_space<hbm>>
      tpu.wait_dma2 semaphore(%arg6 : memref<!tpu.dma_semaphore, #tpu.memory_space<semaphore_mem>>) src(%dma_wait3A_213 : memref<4x128xf32, #tpu.memory_space<hbm>>) dst(%dma_wait3A_210 : memref<4x128xf32, #tpu.memory_space<vmem>>)
      %dma_wait3A_214 = arith.constant 12 : i32
      %dma_wait3A_215 = arith.constant 0 : i32
      %dma_wait3A_216 = tpu.memref_slice %arg4[%dma_wait3A_214, %dma_wait3A_215] : memref<32x128xf32, #tpu.memory_space<vmem>> -> memref<4x128xf32, #tpu.memory_space<vmem>>
      %dma_wait3A_217 = arith.constant 0 : i32
      %dma_wait3A_218 = arith.constant 0 : i32
      %dma_wait3A_219 = tpu.memref_slice %arg2[%dma_wait3A_217, %dma_wait3A_218] : memref<4x2097152xf32, #tpu.memory_space<hbm>> -> memref<4x128xf32, #tpu.memory_space<hbm>>
      %dma_wait3A_220 = arith.constant 12 : i32
      %dma_wait3A_221 = arith.constant 0 : i32
      %dma_wait3A_222 = tpu.memref_slice %arg4[%dma_wait3A_220, %dma_wait3A_221] : memref<32x128xf32, #tpu.memory_space<vmem>> -> memref<4x128xf32, #tpu.memory_space<vmem>>
      %dma_wait3A_223 = arith.constant 0 : i32
      %dma_wait3A_224 = arith.constant 0 : i32
      %dma_wait3A_225 = tpu.memref_slice %arg2[%dma_wait3A_223, %dma_wait3A_224] : memref<4x2097152xf32, #tpu.memory_space<hbm>> -> memref<4x128xf32, #tpu.memory_space<hbm>>
      tpu.wait_dma2 semaphore(%arg6 : memref<!tpu.dma_semaphore, #tpu.memory_space<semaphore_mem>>) src(%dma_wait3A_225 : memref<4x128xf32, #tpu.memory_space<hbm>>) dst(%dma_wait3A_222 : memref<4x128xf32, #tpu.memory_space<vmem>>)
      %add3A_226 = arith.constant 1 : i32
      %add3A_227 = arith.addi %add3A_177, %add3A_226 : i32
      %shift_right_arithmetic3A_228 = arith.constant 7 : i32
      %shift_right_arithmetic3A_229 = arith.shrsi %add3A_227, %shift_right_arithmetic3A_228 : i32
      %and3A_230 = arith.constant 127 : i32
      %and3A_231 = arith.andi %add3A_227, %and3A_230 : i32
      %add3A_232 = arith.constant 0 : i32
      %add3A_233 = arith.addi %shift_right_arithmetic3A_229, %add3A_232 : i32
      %min3A_234 = arith.constant 127 : i32
      %min3A_235 = arith.minsi %add3A_233, %min3A_234 : i32
      %add3A_236 = arith.constant 0 : i32
      %add3A_237 = arith.addi %and3A_231, %add3A_236 : i32
      %min3A_238 = arith.constant 127 : i32
      %min3A_239 = arith.minsi %add3A_237, %min3A_238 : i32
      %mul3A_240 = arith.constant 128 : i32
      %mul3A_241 = arith.muli %min3A_235, %mul3A_240 : i32
      %add3A_242 = arith.addi %mul3A_241, %min3A_239 : i32
      %mul3A_243 = arith.constant 128 : i32
      %mul3A_244 = arith.muli %add3A_242, %mul3A_243 : i32
      %dma_start3A_245 = arith.constant 16 : i32
      %dma_start3A_246 = arith.constant 0 : i32
      %dma_start3A_247 = tpu.memref_slice %arg4[%dma_start3A_245, %dma_start3A_246] : memref<32x128xf32, #tpu.memory_space<vmem>> -> memref<4x128xf32, #tpu.memory_space<vmem>>
      %dma_start3A_248 = arith.constant 0 : i32
      %dma_start3A_249 = tpu.memref_slice %arg2[%dma_start3A_248, %mul3A_244] : memref<4x2097152xf32, #tpu.memory_space<hbm>> -> memref<4x128xf32, #tpu.memory_space<hbm>>
      %dma_start3A_250 = arith.constant 16 : i32
      %dma_start3A_251 = arith.constant 0 : i32
      %dma_start3A_252 = tpu.memref_slice %arg4[%dma_start3A_250, %dma_start3A_251] : memref<32x128xf32, #tpu.memory_space<vmem>> -> memref<4x128xf32, #tpu.memory_space<vmem>>
      %dma_start3A_253 = arith.constant 0 : i32
      %dma_start3A_254 = tpu.memref_slice %arg2[%dma_start3A_253, %mul3A_244] : memref<4x2097152xf32, #tpu.memory_space<hbm>> -> memref<4x128xf32, #tpu.memory_space<hbm>>
      tpu.enqueue_dma source(%dma_start3A_254 : memref<4x128xf32, #tpu.memory_space<hbm>>) target(%dma_start3A_252 : memref<4x128xf32, #tpu.memory_space<vmem>>) target_semaphore(%arg6 : memref<!tpu.dma_semaphore, #tpu.memory_space<semaphore_mem>>)
      %add3A_255 = arith.constant 1 : i32
      %add3A_256 = arith.addi %and3A_231, %add3A_255 : i32
      %min3A_257 = arith.constant 127 : i32
      %min3A_258 = arith.minsi %add3A_256, %min3A_257 : i32
      %mul3A_259 = arith.constant 128 : i32
      %mul3A_260 = arith.muli %min3A_235, %mul3A_259 : i32
      %add3A_261 = arith.addi %mul3A_260, %min3A_258 : i32
      %mul3A_262 = arith.constant 128 : i32
      %mul3A_263 = arith.muli %add3A_261, %mul3A_262 : i32
      %dma_start3A_264 = arith.constant 20 : i32
      %dma_start3A_265 = arith.constant 0 : i32
      %dma_start3A_266 = tpu.memref_slice %arg4[%dma_start3A_264, %dma_start3A_265] : memref<32x128xf32, #tpu.memory_space<vmem>> -> memref<4x128xf32, #tpu.memory_space<vmem>>
      %dma_start3A_267 = arith.constant 0 : i32
      %dma_start3A_268 = tpu.memref_slice %arg2[%dma_start3A_267, %mul3A_263] : memref<4x2097152xf32, #tpu.memory_space<hbm>> -> memref<4x128xf32, #tpu.memory_space<hbm>>
      %dma_start3A_269 = arith.constant 20 : i32
      %dma_start3A_270 = arith.constant 0 : i32
      %dma_start3A_271 = tpu.memref_slice %arg4[%dma_start3A_269, %dma_start3A_270] : memref<32x128xf32, #tpu.memory_space<vmem>> -> memref<4x128xf32, #tpu.memory_space<vmem>>
      %dma_start3A_272 = arith.constant 0 : i32
      %dma_start3A_273 = tpu.memref_slice %arg2[%dma_start3A_272, %mul3A_263] : memref<4x2097152xf32, #tpu.memory_space<hbm>> -> memref<4x128xf32, #tpu.memory_space<hbm>>
      tpu.enqueue_dma source(%dma_start3A_273 : memref<4x128xf32, #tpu.memory_space<hbm>>) target(%dma_start3A_271 : memref<4x128xf32, #tpu.memory_space<vmem>>) target_semaphore(%arg6 : memref<!tpu.dma_semaphore, #tpu.memory_space<semaphore_mem>>)
      %add3A_274 = arith.constant 1 : i32
      %add3A_275 = arith.addi %shift_right_arithmetic3A_229, %add3A_274 : i32
      %min3A_276 = arith.constant 127 : i32
      %min3A_277 = arith.minsi %add3A_275, %min3A_276 : i32
      %add3A_278 = arith.constant 0 : i32
      %add3A_279 = arith.addi %and3A_231, %add3A_278 : i32
      %min3A_280 = arith.constant 127 : i32
      %min3A_281 = arith.minsi %add3A_279, %min3A_280 : i32
      %mul3A_282 = arith.constant 128 : i32
      %mul3A_283 = arith.muli %min3A_277, %mul3A_282 : i32
      %add3A_284 = arith.addi %mul3A_283, %min3A_281 : i32
      %mul3A_285 = arith.constant 128 : i32
      %mul3A_286 = arith.muli %add3A_284, %mul3A_285 : i32
      %dma_start3A_287 = arith.constant 24 : i32
      %dma_start3A_288 = arith.constant 0 : i32
      %dma_start3A_289 = tpu.memref_slice %arg4[%dma_start3A_287, %dma_start3A_288] : memref<32x128xf32, #tpu.memory_space<vmem>> -> memref<4x128xf32, #tpu.memory_space<vmem>>
      %dma_start3A_290 = arith.constant 0 : i32
      %dma_start3A_291 = tpu.memref_slice %arg2[%dma_start3A_290, %mul3A_286] : memref<4x2097152xf32, #tpu.memory_space<hbm>> -> memref<4x128xf32, #tpu.memory_space<hbm>>
      %dma_start3A_292 = arith.constant 24 : i32
      %dma_start3A_293 = arith.constant 0 : i32
      %dma_start3A_294 = tpu.memref_slice %arg4[%dma_start3A_292, %dma_start3A_293] : memref<32x128xf32, #tpu.memory_space<vmem>> -> memref<4x128xf32, #tpu.memory_space<vmem>>
      %dma_start3A_295 = arith.constant 0 : i32
      %dma_start3A_296 = tpu.memref_slice %arg2[%dma_start3A_295, %mul3A_286] : memref<4x2097152xf32, #tpu.memory_space<hbm>> -> memref<4x128xf32, #tpu.memory_space<hbm>>
      tpu.enqueue_dma source(%dma_start3A_296 : memref<4x128xf32, #tpu.memory_space<hbm>>) target(%dma_start3A_294 : memref<4x128xf32, #tpu.memory_space<vmem>>) target_semaphore(%arg6 : memref<!tpu.dma_semaphore, #tpu.memory_space<semaphore_mem>>)
      %add3A_297 = arith.constant 1 : i32
      %add3A_298 = arith.addi %and3A_231, %add3A_297 : i32
      %min3A_299 = arith.constant 127 : i32
      %min3A_300 = arith.minsi %add3A_298, %min3A_299 : i32
      %mul3A_301 = arith.constant 128 : i32
      %mul3A_302 = arith.muli %min3A_277, %mul3A_301 : i32
      %add3A_303 = arith.addi %mul3A_302, %min3A_300 : i32
      %mul3A_304 = arith.constant 128 : i32
      %mul3A_305 = arith.muli %add3A_303, %mul3A_304 : i32
      %dma_start3A_306 = arith.constant 28 : i32
      %dma_start3A_307 = arith.constant 0 : i32
      %dma_start3A_308 = tpu.memref_slice %arg4[%dma_start3A_306, %dma_start3A_307] : memref<32x128xf32, #tpu.memory_space<vmem>> -> memref<4x128xf32, #tpu.memory_space<vmem>>
      %dma_start3A_309 = arith.constant 0 : i32
      %dma_start3A_310 = tpu.memref_slice %arg2[%dma_start3A_309, %mul3A_305] : memref<4x2097152xf32, #tpu.memory_space<hbm>> -> memref<4x128xf32, #tpu.memory_space<hbm>>
      %dma_start3A_311 = arith.constant 28 : i32
      %dma_start3A_312 = arith.constant 0 : i32
      %dma_start3A_313 = tpu.memref_slice %arg4[%dma_start3A_311, %dma_start3A_312] : memref<32x128xf32, #tpu.memory_space<vmem>> -> memref<4x128xf32, #tpu.memory_space<vmem>>
      %dma_start3A_314 = arith.constant 0 : i32
      %dma_start3A_315 = tpu.memref_slice %arg2[%dma_start3A_314, %mul3A_305] : memref<4x2097152xf32, #tpu.memory_space<hbm>> -> memref<4x128xf32, #tpu.memory_space<hbm>>
      tpu.enqueue_dma source(%dma_start3A_315 : memref<4x128xf32, #tpu.memory_space<hbm>>) target(%dma_start3A_313 : memref<4x128xf32, #tpu.memory_space<vmem>>) target_semaphore(%arg6 : memref<!tpu.dma_semaphore, #tpu.memory_space<semaphore_mem>>)
      %ge3A = arith.constant 1 : i32
      %ge3A_316 = arith.cmpi sge, %add3A_174, %ge3A : i32
      %convert_element_type3A = arith.extui %ge3A_316 : i1 to i32
      %cond3A = arith.constant 0 : i32
      %cond3A_317 = arith.cmpi ne, %convert_element_type3A, %cond3A : i32
      scf.if %cond3A_317 {
        %dma_wait3A_417 = arith.constant 0 : i32
        %dma_wait3A_418 = tpu.memref_slice %arg5[%dma_wait3A_417] : memref<8192xf32, #tpu.memory_space<vmem>> -> memref<4096xf32, #tpu.memory_space<vmem>>
        %dma_wait3A_419 = arith.constant 0 : i32
        %dma_wait3A_420 = tpu.memref_slice %arg3[%dma_wait3A_419] : memref<67108864xf32, #tpu.memory_space<hbm>> -> memref<4096xf32, #tpu.memory_space<hbm>>
        %dma_wait3A_421 = arith.constant 0 : i32
        %dma_wait3A_422 = tpu.memref_slice %arg3[%dma_wait3A_421] : memref<67108864xf32, #tpu.memory_space<hbm>> -> memref<4096xf32, #tpu.memory_space<hbm>>
        %dma_wait3A_423 = arith.constant 0 : i32
        %dma_wait3A_424 = tpu.memref_slice %arg5[%dma_wait3A_423] : memref<8192xf32, #tpu.memory_space<vmem>> -> memref<4096xf32, #tpu.memory_space<vmem>>
        tpu.wait_dma2 semaphore(%arg7 : memref<!tpu.dma_semaphore, #tpu.memory_space<semaphore_mem>>) src(%dma_wait3A_424 : memref<4096xf32, #tpu.memory_space<vmem>>) dst(%dma_wait3A_422 : memref<4096xf32, #tpu.memory_space<hbm>>)
      } else {
      }
      %add3A_318 = arith.constant 0 : i32
      %add3A_319 = vector.broadcast %add3A_318 : i32 to vector<16xi32>
      %add3A_320 = arith.addi %add3A_319, %add3A_32 : vector<16xi32>
      %add3A_321 = arith.constant 0 : i32
      %add3A_322 = vector.broadcast %add3A_321 : i32 to vector<16xi32>
      %add3A_323 = arith.addi %add3A_322, %add3A_64 : vector<16xi32>
      %scan3A_324 = arith.constant 0 : i32
      %scan3A_325 = arith.constant 128 : i32
      %scan3A_326 = arith.addi %scan3A_324, %scan3A_325 : i32
      %scan3A_327 = arith.constant 1 : i32
      scf.for %scan3A_417 = %scan3A_324 to %scan3A_326 step %scan3A_327  : i32 {
        %mul3A_418 = arith.constant 1 : i32
        %mul3A_419 = arith.muli %scan3A_417, %mul3A_418 : i32
        %add3A_420 = arith.constant 0 : i32
        %add3A_421 = arith.addi %add3A_420, %mul3A_419 : i32
        %add3A_422 = vector.broadcast %add3A_421 : i32 to vector<16xi32>
        %add3A_423 = arith.addi %add3A_422, %and3A_21 : vector<16xi32>
        %min3A_424 = arith.constant 127 : i32
        %min3A_425 = vector.broadcast %min3A_424 : i32 to vector<16xi32>
        %min3A_426 = arith.minsi %add3A_423, %min3A_425 : vector<16xi32>
        %add3A_427 = vector.broadcast %add3A_421 : i32 to vector<16xi32>
        %add3A_428 = arith.addi %add3A_427, %and3A_53 : vector<16xi32>
        %min3A_429 = arith.constant 127 : i32
        %min3A_430 = vector.broadcast %min3A_429 : i32 to vector<16xi32>
        %min3A_431 = arith.minsi %add3A_428, %min3A_430 : vector<16xi32>
        %gather3A = tpu.vector_load_idx %arg4[%add3A_320, %min3A_426] : memref<32x128xf32, #tpu.memory_space<vmem>>[vector<16xi32>, vector<16xi32>], vector<16xf32>,
        %mul3A_432 = arith.constant 32 : i32
        %mul3A_433 = arith.muli %add3A_421, %mul3A_432 : i32
        %add3A_434 = arith.constant 0 : i32
        %add3A_435 = arith.addi %add3A_434, %mul3A_433 : i32
        %swap3A = arith.index_cast %add3A_435 : i32 to index
        %swap3A_436 = tpu.vector_load %arg5[%swap3A] {strides = array<i32>} : memref<8192xf32, #tpu.memory_space<vmem>>, vector<16xf32>,
        tpu.vector_store %arg5[%swap3A], %gather3A {strides = array<i32>} : memref<8192xf32, #tpu.memory_space<vmem>>, vector<16xf32>,
        %gather3A_437 = tpu.vector_load_idx %arg4[%add3A_323, %min3A_431] : memref<32x128xf32, #tpu.memory_space<vmem>>[vector<16xi32>, vector<16xi32>], vector<16xf32>,
        %mul3A_438 = arith.constant 32 : i32
        %mul3A_439 = arith.muli %add3A_421, %mul3A_438 : i32
        %add3A_440 = arith.constant 0 : i32
        %add3A_441 = arith.addi %add3A_440, %mul3A_439 : i32
        %add3A_442 = arith.constant 16 : i32
        %add3A_443 = arith.addi %add3A_441, %add3A_442 : i32
        %swap3A_444 = arith.index_cast %add3A_443 : i32 to index
        %swap3A_445 = tpu.vector_load %arg5[%swap3A_444] {strides = array<i32>} : memref<8192xf32, #tpu.memory_space<vmem>>, vector<16xf32>,
        tpu.vector_store %arg5[%swap3A_444], %gather3A_437 {strides = array<i32>} : memref<8192xf32, #tpu.memory_space<vmem>>, vector<16xf32>,
      }
      %scan3A_328 = arith.constant 128 : i32
      %mul3A_329 = arith.constant 4096 : i32
      %mul3A_330 = arith.muli %add3A_177, %mul3A_329 : i32
      %dma_start3A_331 = arith.constant 0 : i32
      %dma_start3A_332 = tpu.memref_slice %arg5[%dma_start3A_331] : memref<8192xf32, #tpu.memory_space<vmem>> -> memref<4096xf32, #tpu.memory_space<vmem>>
      %dma_start3A_333 = tpu.memref_slice %arg3[%mul3A_330] : memref<67108864xf32, #tpu.memory_space<hbm>> -> memref<4096xf32, #tpu.memory_space<hbm>>
      %dma_start3A_334 = tpu.memref_slice %arg3[%mul3A_330] : memref<67108864xf32, #tpu.memory_space<hbm>> -> memref<4096xf32, #tpu.memory_space<hbm>>
      %dma_start3A_335 = arith.constant 0 : i32
      %dma_start3A_336 = tpu.memref_slice %arg5[%dma_start3A_335] : memref<8192xf32, #tpu.memory_space<vmem>> -> memref<4096xf32, #tpu.memory_space<vmem>>
      tpu.enqueue_dma source(%dma_start3A_336 : memref<4096xf32, #tpu.memory_space<vmem>>) target(%dma_start3A_334 : memref<4096xf32, #tpu.memory_space<hbm>>) target_semaphore(%arg7 : memref<!tpu.dma_semaphore, #tpu.memory_space<semaphore_mem>>)
      %dma_wait3A_337 = arith.constant 16 : i32
      %dma_wait3A_338 = arith.constant 0 : i32
      %dma_wait3A_339 = tpu.memref_slice %arg4[%dma_wait3A_337, %dma_wait3A_338] : memref<32x128xf32, #tpu.memory_space<vmem>> -> memref<4x128xf32, #tpu.memory_space<vmem>>
      %dma_wait3A_340 = arith.constant 0 : i32
      %dma_wait3A_341 = arith.constant 0 : i32
      %dma_wait3A_342 = tpu.memref_slice %arg2[%dma_wait3A_340, %dma_wait3A_341] : memref<4x2097152xf32, #tpu.memory_space<hbm>> -> memref<4x128xf32, #tpu.memory_space<hbm>>
      %dma_wait3A_343 = arith.constant 16 : i32
      %dma_wait3A_344 = arith.constant 0 : i32
      %dma_wait3A_345 = tpu.memref_slice %arg4[%dma_wait3A_343, %dma_wait3A_344] : memref<32x128xf32, #tpu.memory_space<vmem>> -> memref<4x128xf32, #tpu.memory_space<vmem>>
      %dma_wait3A_346 = arith.constant 0 : i32
      %dma_wait3A_347 = arith.constant 0 : i32
      %dma_wait3A_348 = tpu.memref_slice %arg2[%dma_wait3A_346, %dma_wait3A_347] : memref<4x2097152xf32, #tpu.memory_space<hbm>> -> memref<4x128xf32, #tpu.memory_space<hbm>>
      tpu.wait_dma2 semaphore(%arg6 : memref<!tpu.dma_semaphore, #tpu.memory_space<semaphore_mem>>) src(%dma_wait3A_348 : memref<4x128xf32, #tpu.memory_space<hbm>>) dst(%dma_wait3A_345 : memref<4x128xf32, #tpu.memory_space<vmem>>)
      %dma_wait3A_349 = arith.constant 20 : i32
      %dma_wait3A_350 = arith.constant 0 : i32
      %dma_wait3A_351 = tpu.memref_slice %arg4[%dma_wait3A_349, %dma_wait3A_350] : memref<32x128xf32, #tpu.memory_space<vmem>> -> memref<4x128xf32, #tpu.memory_space<vmem>>
      %dma_wait3A_352 = arith.constant 0 : i32
      %dma_wait3A_353 = arith.constant 0 : i32
      %dma_wait3A_354 = tpu.memref_slice %arg2[%dma_wait3A_352, %dma_wait3A_353] : memref<4x2097152xf32, #tpu.memory_space<hbm>> -> memref<4x128xf32, #tpu.memory_space<hbm>>
      %dma_wait3A_355 = arith.constant 20 : i32
      %dma_wait3A_356 = arith.constant 0 : i32
      %dma_wait3A_357 = tpu.memref_slice %arg4[%dma_wait3A_355, %dma_wait3A_356] : memref<32x128xf32, #tpu.memory_space<vmem>> -> memref<4x128xf32, #tpu.memory_space<vmem>>
      %dma_wait3A_358 = arith.constant 0 : i32
      %dma_wait3A_359 = arith.constant 0 : i32
      %dma_wait3A_360 = tpu.memref_slice %arg2[%dma_wait3A_358, %dma_wait3A_359] : memref<4x2097152xf32, #tpu.memory_space<hbm>> -> memref<4x128xf32, #tpu.memory_space<hbm>>
      tpu.wait_dma2 semaphore(%arg6 : memref<!tpu.dma_semaphore, #tpu.memory_space<semaphore_mem>>) src(%dma_wait3A_360 : memref<4x128xf32, #tpu.memory_space<hbm>>) dst(%dma_wait3A_357 : memref<4x128xf32, #tpu.memory_space<vmem>>)
      %dma_wait3A_361 = arith.constant 24 : i32
      %dma_wait3A_362 = arith.constant 0 : i32
      %dma_wait3A_363 = tpu.memref_slice %arg4[%dma_wait3A_361, %dma_wait3A_362] : memref<32x128xf32, #tpu.memory_space<vmem>> -> memref<4x128xf32, #tpu.memory_space<vmem>>
      %dma_wait3A_364 = arith.constant 0 : i32
      %dma_wait3A_365 = arith.constant 0 : i32
      %dma_wait3A_366 = tpu.memref_slice %arg2[%dma_wait3A_364, %dma_wait3A_365] : memref<4x2097152xf32, #tpu.memory_space<hbm>> -> memref<4x128xf32, #tpu.memory_space<hbm>>
      %dma_wait3A_367 = arith.constant 24 : i32
      %dma_wait3A_368 = arith.constant 0 : i32
      %dma_wait3A_369 = tpu.memref_slice %arg4[%dma_wait3A_367, %dma_wait3A_368] : memref<32x128xf32, #tpu.memory_space<vmem>> -> memref<4x128xf32, #tpu.memory_space<vmem>>
      %dma_wait3A_370 = arith.constant 0 : i32
      %dma_wait3A_371 = arith.constant 0 : i32
      %dma_wait3A_372 = tpu.memref_slice %arg2[%dma_wait3A_370, %dma_wait3A_371] : memref<4x2097152xf32, #tpu.memory_space<hbm>> -> memref<4x128xf32, #tpu.memory_space<hbm>>
      tpu.wait_dma2 semaphore(%arg6 : memref<!tpu.dma_semaphore, #tpu.memory_space<semaphore_mem>>) src(%dma_wait3A_372 : memref<4x128xf32, #tpu.memory_space<hbm>>) dst(%dma_wait3A_369 : memref<4x128xf32, #tpu.memory_space<vmem>>)
      %dma_wait3A_373 = arith.constant 28 : i32
      %dma_wait3A_374 = arith.constant 0 : i32
      %dma_wait3A_375 = tpu.memref_slice %arg4[%dma_wait3A_373, %dma_wait3A_374] : memref<32x128xf32, #tpu.memory_space<vmem>> -> memref<4x128xf32, #tpu.memory_space<vmem>>
      %dma_wait3A_376 = arith.constant 0 : i32
      %dma_wait3A_377 = arith.constant 0 : i32
      %dma_wait3A_378 = tpu.memref_slice %arg2[%dma_wait3A_376, %dma_wait3A_377] : memref<4x2097152xf32, #tpu.memory_space<hbm>> -> memref<4x128xf32, #tpu.memory_space<hbm>>
      %dma_wait3A_379 = arith.constant 28 : i32
      %dma_wait3A_380 = arith.constant 0 : i32
      %dma_wait3A_381 = tpu.memref_slice %arg4[%dma_wait3A_379, %dma_wait3A_380] : memref<32x128xf32, #tpu.memory_space<vmem>> -> memref<4x128xf32, #tpu.memory_space<vmem>>
      %dma_wait3A_382 = arith.constant 0 : i32
      %dma_wait3A_383 = arith.constant 0 : i32
      %dma_wait3A_384 = tpu.memref_slice %arg2[%dma_wait3A_382, %dma_wait3A_383] : memref<4x2097152xf32, #tpu.memory_space<hbm>> -> memref<4x128xf32, #tpu.memory_space<hbm>>
      tpu.wait_dma2 semaphore(%arg6 : memref<!tpu.dma_semaphore, #tpu.memory_space<semaphore_mem>>) src(%dma_wait3A_384 : memref<4x128xf32, #tpu.memory_space<hbm>>) dst(%dma_wait3A_381 : memref<4x128xf32, #tpu.memory_space<vmem>>)
      %add3A_385 = arith.constant 1 : i32
      %add3A_386 = arith.addi %add3A_174, %add3A_385 : i32
      %lt3A = arith.constant 256 : i32
      %lt3A_387 = arith.cmpi slt, %add3A_386, %lt3A : i32
      %convert_element_type3A_388 = arith.extui %lt3A_387 : i1 to i32
      %cond3A_389 = arith.constant 0 : i32
      %cond3A_390 = arith.cmpi ne, %convert_element_type3A_388, %cond3A_389 : i32
      scf.if %cond3A_390 {
        %add3A_417 = arith.constant 2 : i32
        %add3A_418 = arith.addi %add3A_177, %add3A_417 : i32
        %shift_right_arithmetic3A_419 = arith.constant 7 : i32
        %shift_right_arithmetic3A_420 = arith.shrsi %add3A_418, %shift_right_arithmetic3A_419 : i32
        %and3A_421 = arith.constant 127 : i32
        %and3A_422 = arith.andi %add3A_418, %and3A_421 : i32
        %add3A_423 = arith.constant 0 : i32
        %add3A_424 = arith.addi %shift_right_arithmetic3A_420, %add3A_423 : i32
        %min3A_425 = arith.constant 127 : i32
        %min3A_426 = arith.minsi %add3A_424, %min3A_425 : i32
        %add3A_427 = arith.constant 0 : i32
        %add3A_428 = arith.addi %and3A_422, %add3A_427 : i32
        %min3A_429 = arith.constant 127 : i32
        %min3A_430 = arith.minsi %add3A_428, %min3A_429 : i32
        %mul3A_431 = arith.constant 128 : i32
        %mul3A_432 = arith.muli %min3A_426, %mul3A_431 : i32
        %add3A_433 = arith.addi %mul3A_432, %min3A_430 : i32
        %mul3A_434 = arith.constant 128 : i32
        %mul3A_435 = arith.muli %add3A_433, %mul3A_434 : i32
        %dma_start3A_436 = arith.constant 0 : i32
        %dma_start3A_437 = arith.constant 0 : i32
        %dma_start3A_438 = tpu.memref_slice %arg4[%dma_start3A_436, %dma_start3A_437] : memref<32x128xf32, #tpu.memory_space<vmem>> -> memref<4x128xf32, #tpu.memory_space<vmem>>
        %dma_start3A_439 = arith.constant 0 : i32
        %dma_start3A_440 = tpu.memref_slice %arg2[%dma_start3A_439, %mul3A_435] : memref<4x2097152xf32, #tpu.memory_space<hbm>> -> memref<4x128xf32, #tpu.memory_space<hbm>>
        %dma_start3A_441 = arith.constant 0 : i32
        %dma_start3A_442 = arith.constant 0 : i32
        %dma_start3A_443 = tpu.memref_slice %arg4[%dma_start3A_441, %dma_start3A_442] : memref<32x128xf32, #tpu.memory_space<vmem>> -> memref<4x128xf32, #tpu.memory_space<vmem>>
        %dma_start3A_444 = arith.constant 0 : i32
        %dma_start3A_445 = tpu.memref_slice %arg2[%dma_start3A_444, %mul3A_435] : memref<4x2097152xf32, #tpu.memory_space<hbm>> -> memref<4x128xf32, #tpu.memory_space<hbm>>
        tpu.enqueue_dma source(%dma_start3A_445 : memref<4x128xf32, #tpu.memory_space<hbm>>) target(%dma_start3A_443 : memref<4x128xf32, #tpu.memory_space<vmem>>) target_semaphore(%arg6 : memref<!tpu.dma_semaphore, #tpu.memory_space<semaphore_mem>>)
        %add3A_446 = arith.constant 1 : i32
        %add3A_447 = arith.addi %and3A_422, %add3A_446 : i32
        %min3A_448 = arith.constant 127 : i32
        %min3A_449 = arith.minsi %add3A_447, %min3A_448 : i32
        %mul3A_450 = arith.constant 128 : i32
        %mul3A_451 = arith.muli %min3A_426, %mul3A_450 : i32
        %add3A_452 = arith.addi %mul3A_451, %min3A_449 : i32
        %mul3A_453 = arith.constant 128 : i32
        %mul3A_454 = arith.muli %add3A_452, %mul3A_453 : i32
        %dma_start3A_455 = arith.constant 4 : i32
        %dma_start3A_456 = arith.constant 0 : i32
        %dma_start3A_457 = tpu.memref_slice %arg4[%dma_start3A_455, %dma_start3A_456] : memref<32x128xf32, #tpu.memory_space<vmem>> -> memref<4x128xf32, #tpu.memory_space<vmem>>
        %dma_start3A_458 = arith.constant 0 : i32
        %dma_start3A_459 = tpu.memref_slice %arg2[%dma_start3A_458, %mul3A_454] : memref<4x2097152xf32, #tpu.memory_space<hbm>> -> memref<4x128xf32, #tpu.memory_space<hbm>>
        %dma_start3A_460 = arith.constant 4 : i32
        %dma_start3A_461 = arith.constant 0 : i32
        %dma_start3A_462 = tpu.memref_slice %arg4[%dma_start3A_460, %dma_start3A_461] : memref<32x128xf32, #tpu.memory_space<vmem>> -> memref<4x128xf32, #tpu.memory_space<vmem>>
        %dma_start3A_463 = arith.constant 0 : i32
        %dma_start3A_464 = tpu.memref_slice %arg2[%dma_start3A_463, %mul3A_454] : memref<4x2097152xf32, #tpu.memory_space<hbm>> -> memref<4x128xf32, #tpu.memory_space<hbm>>
        tpu.enqueue_dma source(%dma_start3A_464 : memref<4x128xf32, #tpu.memory_space<hbm>>) target(%dma_start3A_462 : memref<4x128xf32, #tpu.memory_space<vmem>>) target_semaphore(%arg6 : memref<!tpu.dma_semaphore, #tpu.memory_space<semaphore_mem>>)
        %add3A_465 = arith.constant 1 : i32
        %add3A_466 = arith.addi %shift_right_arithmetic3A_420, %add3A_465 : i32
        %min3A_467 = arith.constant 127 : i32
        %min3A_468 = arith.minsi %add3A_466, %min3A_467 : i32
        %add3A_469 = arith.constant 0 : i32
        %add3A_470 = arith.addi %and3A_422, %add3A_469 : i32
        %min3A_471 = arith.constant 127 : i32
        %min3A_472 = arith.minsi %add3A_470, %min3A_471 : i32
        %mul3A_473 = arith.constant 128 : i32
        %mul3A_474 = arith.muli %min3A_468, %mul3A_473 : i32
        %add3A_475 = arith.addi %mul3A_474, %min3A_472 : i32
        %mul3A_476 = arith.constant 128 : i32
        %mul3A_477 = arith.muli %add3A_475, %mul3A_476 : i32
        %dma_start3A_478 = arith.constant 8 : i32
        %dma_start3A_479 = arith.constant 0 : i32
        %dma_start3A_480 = tpu.memref_slice %arg4[%dma_start3A_478, %dma_start3A_479] : memref<32x128xf32, #tpu.memory_space<vmem>> -> memref<4x128xf32, #tpu.memory_space<vmem>>
        %dma_start3A_481 = arith.constant 0 : i32
        %dma_start3A_482 = tpu.memref_slice %arg2[%dma_start3A_481, %mul3A_477] : memref<4x2097152xf32, #tpu.memory_space<hbm>> -> memref<4x128xf32, #tpu.memory_space<hbm>>
        %dma_start3A_483 = arith.constant 8 : i32
        %dma_start3A_484 = arith.constant 0 : i32
        %dma_start3A_485 = tpu.memref_slice %arg4[%dma_start3A_483, %dma_start3A_484] : memref<32x128xf32, #tpu.memory_space<vmem>> -> memref<4x128xf32, #tpu.memory_space<vmem>>
        %dma_start3A_486 = arith.constant 0 : i32
        %dma_start3A_487 = tpu.memref_slice %arg2[%dma_start3A_486, %mul3A_477] : memref<4x2097152xf32, #tpu.memory_space<hbm>> -> memref<4x128xf32, #tpu.memory_space<hbm>>
        tpu.enqueue_dma source(%dma_start3A_487 : memref<4x128xf32, #tpu.memory_space<hbm>>) target(%dma_start3A_485 : memref<4x128xf32, #tpu.memory_space<vmem>>) target_semaphore(%arg6 : memref<!tpu.dma_semaphore, #tpu.memory_space<semaphore_mem>>)
        %add3A_488 = arith.constant 1 : i32
        %add3A_489 = arith.addi %and3A_422, %add3A_488 : i32
        %min3A_490 = arith.constant 127 : i32
        %min3A_491 = arith.minsi %add3A_489, %min3A_490 : i32
        %mul3A_492 = arith.constant 128 : i32
        %mul3A_493 = arith.muli %min3A_468, %mul3A_492 : i32
        %add3A_494 = arith.addi %mul3A_493, %min3A_491 : i32
        %mul3A_495 = arith.constant 128 : i32
        %mul3A_496 = arith.muli %add3A_494, %mul3A_495 : i32
        %dma_start3A_497 = arith.constant 12 : i32
        %dma_start3A_498 = arith.constant 0 : i32
        %dma_start3A_499 = tpu.memref_slice %arg4[%dma_start3A_497, %dma_start3A_498] : memref<32x128xf32, #tpu.memory_space<vmem>> -> memref<4x128xf32, #tpu.memory_space<vmem>>
        %dma_start3A_500 = arith.constant 0 : i32
        %dma_start3A_501 = tpu.memref_slice %arg2[%dma_start3A_500, %mul3A_496] : memref<4x2097152xf32, #tpu.memory_space<hbm>> -> memref<4x128xf32, #tpu.memory_space<hbm>>
        %dma_start3A_502 = arith.constant 12 : i32
        %dma_start3A_503 = arith.constant 0 : i32
        %dma_start3A_504 = tpu.memref_slice %arg4[%dma_start3A_502, %dma_start3A_503] : memref<32x128xf32, #tpu.memory_space<vmem>> -> memref<4x128xf32, #tpu.memory_space<vmem>>
        %dma_start3A_505 = arith.constant 0 : i32
        %dma_start3A_506 = tpu.memref_slice %arg2[%dma_start3A_505, %mul3A_496] : memref<4x2097152xf32, #tpu.memory_space<hbm>> -> memref<4x128xf32, #tpu.memory_space<hbm>>
        tpu.enqueue_dma source(%dma_start3A_506 : memref<4x128xf32, #tpu.memory_space<hbm>>) target(%dma_start3A_504 : memref<4x128xf32, #tpu.memory_space<vmem>>) target_semaphore(%arg6 : memref<!tpu.dma_semaphore, #tpu.memory_space<semaphore_mem>>)
      } else {
      }
      %ge3A_391 = arith.constant 1 : i32
      %ge3A_392 = arith.cmpi sge, %add3A_174, %ge3A_391 : i32
      %convert_element_type3A_393 = arith.extui %ge3A_392 : i1 to i32
      %cond3A_394 = arith.constant 0 : i32
      %cond3A_395 = arith.cmpi ne, %convert_element_type3A_393, %cond3A_394 : i32
      scf.if %cond3A_395 {
        %dma_wait3A_417 = arith.constant 4096 : i32
        %dma_wait3A_418 = tpu.memref_slice %arg5[%dma_wait3A_417] : memref<8192xf32, #tpu.memory_space<vmem>> -> memref<4096xf32, #tpu.memory_space<vmem>>
        %dma_wait3A_419 = arith.constant 0 : i32
        %dma_wait3A_420 = tpu.memref_slice %arg3[%dma_wait3A_419] : memref<67108864xf32, #tpu.memory_space<hbm>> -> memref<4096xf32, #tpu.memory_space<hbm>>
        %dma_wait3A_421 = arith.constant 0 : i32
        %dma_wait3A_422 = tpu.memref_slice %arg3[%dma_wait3A_421] : memref<67108864xf32, #tpu.memory_space<hbm>> -> memref<4096xf32, #tpu.memory_space<hbm>>
        %dma_wait3A_423 = arith.constant 4096 : i32
        %dma_wait3A_424 = tpu.memref_slice %arg5[%dma_wait3A_423] : memref<8192xf32, #tpu.memory_space<vmem>> -> memref<4096xf32, #tpu.memory_space<vmem>>
        tpu.wait_dma2 semaphore(%arg8 : memref<!tpu.dma_semaphore, #tpu.memory_space<semaphore_mem>>) src(%dma_wait3A_424 : memref<4096xf32, #tpu.memory_space<vmem>>) dst(%dma_wait3A_422 : memref<4096xf32, #tpu.memory_space<hbm>>)
      } else {
      }
      %add3A_396 = arith.constant 1 : i32
      %add3A_397 = arith.addi %add3A_177, %add3A_396 : i32
      %add3A_398 = arith.constant 16 : i32
      %add3A_399 = vector.broadcast %add3A_398 : i32 to vector<16xi32>
      %add3A_400 = arith.addi %add3A_399, %add3A_32 : vector<16xi32>
      %add3A_401 = arith.constant 16 : i32
      %add3A_402 = vector.broadcast %add3A_401 : i32 to vector<16xi32>
      %add3A_403 = arith.addi %add3A_402, %add3A_64 : vector<16xi32>
      %scan3A_404 = arith.constant 0 : i32
      %scan3A_405 = arith.constant 128 : i32
      %scan3A_406 = arith.addi %scan3A_404, %scan3A_405 : i32
      %scan3A_407 = arith.constant 1 : i32
      scf.for %scan3A_417 = %scan3A_404 to %scan3A_406 step %scan3A_407  : i32 {
        %mul3A_418 = arith.constant 1 : i32
        %mul3A_419 = arith.muli %scan3A_417, %mul3A_418 : i32
        %add3A_420 = arith.constant 0 : i32
        %add3A_421 = arith.addi %add3A_420, %mul3A_419 : i32
        %add3A_422 = vector.broadcast %add3A_421 : i32 to vector<16xi32>
        %add3A_423 = arith.addi %add3A_422, %and3A_21 : vector<16xi32>
        %min3A_424 = arith.constant 127 : i32
        %min3A_425 = vector.broadcast %min3A_424 : i32 to vector<16xi32>
        %min3A_426 = arith.minsi %add3A_423, %min3A_425 : vector<16xi32>
        %add3A_427 = vector.broadcast %add3A_421 : i32 to vector<16xi32>
        %add3A_428 = arith.addi %add3A_427, %and3A_53 : vector<16xi32>
        %min3A_429 = arith.constant 127 : i32
        %min3A_430 = vector.broadcast %min3A_429 : i32 to vector<16xi32>
        %min3A_431 = arith.minsi %add3A_428, %min3A_430 : vector<16xi32>
        %gather3A = tpu.vector_load_idx %arg4[%add3A_400, %min3A_426] : memref<32x128xf32, #tpu.memory_space<vmem>>[vector<16xi32>, vector<16xi32>], vector<16xf32>,
        %mul3A_432 = arith.constant 32 : i32
        %mul3A_433 = arith.muli %add3A_421, %mul3A_432 : i32
        %add3A_434 = arith.constant 4096 : i32
        %add3A_435 = arith.addi %add3A_434, %mul3A_433 : i32
        %swap3A = arith.index_cast %add3A_435 : i32 to index
        %swap3A_436 = tpu.vector_load %arg5[%swap3A] {strides = array<i32>} : memref<8192xf32, #tpu.memory_space<vmem>>, vector<16xf32>,
        tpu.vector_store %arg5[%swap3A], %gather3A {strides = array<i32>} : memref<8192xf32, #tpu.memory_space<vmem>>, vector<16xf32>,
        %gather3A_437 = tpu.vector_load_idx %arg4[%add3A_403, %min3A_431] : memref<32x128xf32, #tpu.memory_space<vmem>>[vector<16xi32>, vector<16xi32>], vector<16xf32>,
        %mul3A_438 = arith.constant 32 : i32
        %mul3A_439 = arith.muli %add3A_421, %mul3A_438 : i32
        %add3A_440 = arith.constant 4096 : i32
        %add3A_441 = arith.addi %add3A_440, %mul3A_439 : i32
        %add3A_442 = arith.constant 16 : i32
        %add3A_443 = arith.addi %add3A_441, %add3A_442 : i32
        %swap3A_444 = arith.index_cast %add3A_443 : i32 to index
        %swap3A_445 = tpu.vector_load %arg5[%swap3A_444] {strides = array<i32>} : memref<8192xf32, #tpu.memory_space<vmem>>, vector<16xf32>,
        tpu.vector_store %arg5[%swap3A_444], %gather3A_437 {strides = array<i32>} : memref<8192xf32, #tpu.memory_space<vmem>>, vector<16xf32>,
      }
      %scan3A_408 = arith.constant 128 : i32
      %mul3A_409 = arith.constant 4096 : i32
      %mul3A_410 = arith.muli %add3A_397, %mul3A_409 : i32
      %dma_start3A_411 = arith.constant 4096 : i32
      %dma_start3A_412 = tpu.memref_slice %arg5[%dma_start3A_411] : memref<8192xf32, #tpu.memory_space<vmem>> -> memref<4096xf32, #tpu.memory_space<vmem>>
      %dma_start3A_413 = tpu.memref_slice %arg3[%mul3A_410] : memref<67108864xf32, #tpu.memory_space<hbm>> -> memref<4096xf32, #tpu.memory_space<hbm>>
      %dma_start3A_414 = tpu.memref_slice %arg3[%mul3A_410] : memref<67108864xf32, #tpu.memory_space<hbm>> -> memref<4096xf32, #tpu.memory_space<hbm>>
      %dma_start3A_415 = arith.constant 4096 : i32
      %dma_start3A_416 = tpu.memref_slice %arg5[%dma_start3A_415] : memref<8192xf32, #tpu.memory_space<vmem>> -> memref<4096xf32, #tpu.memory_space<vmem>>
      tpu.enqueue_dma source(%dma_start3A_416 : memref<4096xf32, #tpu.memory_space<vmem>>) target(%dma_start3A_414 : memref<4096xf32, #tpu.memory_space<hbm>>) target_semaphore(%arg8 : memref<!tpu.dma_semaphore, #tpu.memory_space<semaphore_mem>>)
    }
    %scan3A_154 = arith.constant 256 : i32
    %dma_wait3A = arith.constant 0 : i32
    %dma_wait3A_155 = tpu.memref_slice %arg5[%dma_wait3A] : memref<8192xf32, #tpu.memory_space<vmem>> -> memref<4096xf32, #tpu.memory_space<vmem>>
    %dma_wait3A_156 = arith.constant 0 : i32
    %dma_wait3A_157 = tpu.memref_slice %arg3[%dma_wait3A_156] : memref<67108864xf32, #tpu.memory_space<hbm>> -> memref<4096xf32, #tpu.memory_space<hbm>>
    %dma_wait3A_158 = arith.constant 0 : i32
    %dma_wait3A_159 = tpu.memref_slice %arg3[%dma_wait3A_158] : memref<67108864xf32, #tpu.memory_space<hbm>> -> memref<4096xf32, #tpu.memory_space<hbm>>
    %dma_wait3A_160 = arith.constant 0 : i32
    %dma_wait3A_161 = tpu.memref_slice %arg5[%dma_wait3A_160] : memref<8192xf32, #tpu.memory_space<vmem>> -> memref<4096xf32, #tpu.memory_space<vmem>>
    tpu.wait_dma2 semaphore(%arg7 : memref<!tpu.dma_semaphore, #tpu.memory_space<semaphore_mem>>) src(%dma_wait3A_161 : memref<4096xf32, #tpu.memory_space<vmem>>) dst(%dma_wait3A_159 : memref<4096xf32, #tpu.memory_space<hbm>>)
    %dma_wait3A_162 = arith.constant 4096 : i32
    %dma_wait3A_163 = tpu.memref_slice %arg5[%dma_wait3A_162] : memref<8192xf32, #tpu.memory_space<vmem>> -> memref<4096xf32, #tpu.memory_space<vmem>>
    %dma_wait3A_164 = arith.constant 0 : i32
    %dma_wait3A_165 = tpu.memref_slice %arg3[%dma_wait3A_164] : memref<67108864xf32, #tpu.memory_space<hbm>> -> memref<4096xf32, #tpu.memory_space<hbm>>
    %dma_wait3A_166 = arith.constant 0 : i32
    %dma_wait3A_167 = tpu.memref_slice %arg3[%dma_wait3A_166] : memref<67108864xf32, #tpu.memory_space<hbm>> -> memref<4096xf32, #tpu.memory_space<hbm>>
    %dma_wait3A_168 = arith.constant 4096 : i32
    %dma_wait3A_169 = tpu.memref_slice %arg5[%dma_wait3A_168] : memref<8192xf32, #tpu.memory_space<vmem>> -> memref<4096xf32, #tpu.memory_space<vmem>>
    tpu.wait_dma2 semaphore(%arg8 : memref<!tpu.dma_semaphore, #tpu.memory_space<semaphore_mem>>) src(%dma_wait3A_169 : memref<4096xf32, #tpu.memory_space<vmem>>) dst(%dma_wait3A_167 : memref<4096xf32, #tpu.memory_space<hbm>>)
    return
  }
}

#map = affine_map<(d0, d1) -> (0)>
#map1 = affine_map<(d0, d1) -> (0, 0)>
module attributes {stable_mosaic.version = 14 : i64} {
  func.func @k(%arg0: i32, %arg1: i32, %arg2: memref<2097152xf32, #tpu.memory_space<hbm>>, %arg3: memref<2097152xf32, #tpu.memory_space<hbm>>, %arg4: memref<2097152xf32, #tpu.memory_space<hbm>>, %arg5: memref<2097152x32xf32, #tpu.memory_space<hbm>>, %arg6: memref<16xf32, #tpu.memory_space<hbm>>, %arg7: memref<8388608xf32, #tpu.memory_space<hbm>>, %arg8: memref<2048xf32, #tpu.memory_space<vmem>>, %arg9: memref<2048xf32, #tpu.memory_space<vmem>>, %arg10: memref<2048xf32, #tpu.memory_space<vmem>>, %arg11: memref<6144xf32, #tpu.memory_space<vmem>>, %arg12: memref<16x128xi32, #tpu.memory_space<vmem>>, %arg13: memref<2048x32xf32, #tpu.memory_space<vmem>>, %arg14: memref<8192xf32, #tpu.memory_space<vmem>>, %arg15: memref<16xf32, #tpu.memory_space<vmem>>, %arg16: memref<!tpu.dma_semaphore, #tpu.memory_space<semaphore_mem>>, %arg17: memref<!tpu.dma_semaphore, #tpu.memory_space<semaphore_mem>>, %arg18: memref<!tpu.dma_semaphore, #tpu.memory_space<semaphore_mem>>, %arg19: memref<!tpu.dma_semaphore, #tpu.memory_space<semaphore_mem>>, %arg20: memref<!tpu.dma_semaphore, #tpu.memory_space<semaphore_mem>>) attributes {dimension_semantics = [#tpu.dimension_semantics<core_parallel>, #tpu.dimension_semantics<subcore_parallel>], iteration_bounds = array<i64: 2, 16>, scalar_prefetch = 0 : i64, scratch_operands = 13 : i64, tpu.core_type = #tpu.core_type<sc_vector_subcore>, window_params = [{transform_indices = #map}, {transform_indices = #map}, {transform_indices = #map}, {transform_indices = #map1}, {transform_indices = #map}, {transform_indices = #map}]} {
    %mul3A = arith.constant 2 : i32
    %mul3A_0 = arith.muli %arg1, %mul3A : i32
    %add3A = arith.addi %mul3A_0, %arg0 : i32
    %mul3A_1 = arith.constant 65536 : i32
    %mul3A_2 = arith.muli %add3A, %mul3A_1 : i32
    "tpu.region"() ({
      %run_scoped3A = tpu.sem_alloc : memref<!tpu.dma_semaphore, #tpu.memory_space<semaphore_mem>>
      tpu.enqueue_dma source(%arg6 : memref<16xf32, #tpu.memory_space<hbm>>) target(%arg15 : memref<16xf32, #tpu.memory_space<vmem>>) target_semaphore(%run_scoped3A : memref<!tpu.dma_semaphore, #tpu.memory_space<semaphore_mem>>)
      tpu.wait_dma2 semaphore(%run_scoped3A : memref<!tpu.dma_semaphore, #tpu.memory_space<semaphore_mem>>) src(%arg6 : memref<16xf32, #tpu.memory_space<hbm>>) dst(%arg15 : memref<16xf32, #tpu.memory_space<vmem>>)
      tpu.yield
    }) : () -> ()
    %iota3A = tpu.iota {dimensions = array<i32: 0>} : vector<16xi32>
    %broadcast_in_dim3A = arith.constant 1 : i32
    %broadcast_in_dim3A_3 = vector.broadcast %broadcast_in_dim3A : i32 to vector<16xi32>
    %gather3A = tpu.vector_load_idx %arg15[%broadcast_in_dim3A_3] : memref<16xf32, #tpu.memory_space<vmem>>[vector<16xi32>], vector<16xf32>,
    %broadcast_in_dim3A_4 = arith.constant 2 : i32
    %broadcast_in_dim3A_5 = vector.broadcast %broadcast_in_dim3A_4 : i32 to vector<16xi32>
    %gather3A_6 = tpu.vector_load_idx %arg15[%broadcast_in_dim3A_5] : memref<16xf32, #tpu.memory_space<vmem>>[vector<16xi32>], vector<16xf32>,
    %broadcast_in_dim3A_7 = arith.constant 3 : i32
    %broadcast_in_dim3A_8 = vector.broadcast %broadcast_in_dim3A_7 : i32 to vector<16xi32>
    %gather3A_9 = tpu.vector_load_idx %arg15[%broadcast_in_dim3A_8] : memref<16xf32, #tpu.memory_space<vmem>>[vector<16xi32>], vector<16xf32>,
    %broadcast_in_dim3A_10 = arith.constant 4 : i32
    %broadcast_in_dim3A_11 = vector.broadcast %broadcast_in_dim3A_10 : i32 to vector<16xi32>
    %gather3A_12 = tpu.vector_load_idx %arg15[%broadcast_in_dim3A_11] : memref<16xf32, #tpu.memory_space<vmem>>[vector<16xi32>], vector<16xf32>,
    %add3A_13 = arith.constant 0 : i32
    %add3A_14 = arith.addi %mul3A_2, %add3A_13 : i32
    %dma_start3A = arith.constant 0 : i32
    %dma_start3A_15 = tpu.memref_slice %arg8[%dma_start3A] : memref<2048xf32, #tpu.memory_space<vmem>> -> memref<1024xf32, #tpu.memory_space<vmem>>
    %dma_start3A_16 = tpu.memref_slice %arg2[%add3A_14] : memref<2097152xf32, #tpu.memory_space<hbm>> -> memref<1024xf32, #tpu.memory_space<hbm>>
    %dma_start3A_17 = arith.constant 0 : i32
    %dma_start3A_18 = tpu.memref_slice %arg8[%dma_start3A_17] : memref<2048xf32, #tpu.memory_space<vmem>> -> memref<1024xf32, #tpu.memory_space<vmem>>
    %dma_start3A_19 = tpu.memref_slice %arg2[%add3A_14] : memref<2097152xf32, #tpu.memory_space<hbm>> -> memref<1024xf32, #tpu.memory_space<hbm>>
    tpu.enqueue_dma source(%dma_start3A_19 : memref<1024xf32, #tpu.memory_space<hbm>>) target(%dma_start3A_18 : memref<1024xf32, #tpu.memory_space<vmem>>) target_semaphore(%arg16 : memref<!tpu.dma_semaphore, #tpu.memory_space<semaphore_mem>>)
    %dma_start3A_20 = arith.constant 0 : i32
    %dma_start3A_21 = tpu.memref_slice %arg9[%dma_start3A_20] : memref<2048xf32, #tpu.memory_space<vmem>> -> memref<1024xf32, #tpu.memory_space<vmem>>
    %dma_start3A_22 = tpu.memref_slice %arg3[%add3A_14] : memref<2097152xf32, #tpu.memory_space<hbm>> -> memref<1024xf32, #tpu.memory_space<hbm>>
    %dma_start3A_23 = arith.constant 0 : i32
    %dma_start3A_24 = tpu.memref_slice %arg9[%dma_start3A_23] : memref<2048xf32, #tpu.memory_space<vmem>> -> memref<1024xf32, #tpu.memory_space<vmem>>
    %dma_start3A_25 = tpu.memref_slice %arg3[%add3A_14] : memref<2097152xf32, #tpu.memory_space<hbm>> -> memref<1024xf32, #tpu.memory_space<hbm>>
    tpu.enqueue_dma source(%dma_start3A_25 : memref<1024xf32, #tpu.memory_space<hbm>>) target(%dma_start3A_24 : memref<1024xf32, #tpu.memory_space<vmem>>) target_semaphore(%arg16 : memref<!tpu.dma_semaphore, #tpu.memory_space<semaphore_mem>>)
    %dma_start3A_26 = arith.constant 0 : i32
    %dma_start3A_27 = tpu.memref_slice %arg10[%dma_start3A_26] : memref<2048xf32, #tpu.memory_space<vmem>> -> memref<1024xf32, #tpu.memory_space<vmem>>
    %dma_start3A_28 = tpu.memref_slice %arg4[%add3A_14] : memref<2097152xf32, #tpu.memory_space<hbm>> -> memref<1024xf32, #tpu.memory_space<hbm>>
    %dma_start3A_29 = arith.constant 0 : i32
    %dma_start3A_30 = tpu.memref_slice %arg10[%dma_start3A_29] : memref<2048xf32, #tpu.memory_space<vmem>> -> memref<1024xf32, #tpu.memory_space<vmem>>
    %dma_start3A_31 = tpu.memref_slice %arg4[%add3A_14] : memref<2097152xf32, #tpu.memory_space<hbm>> -> memref<1024xf32, #tpu.memory_space<hbm>>
    tpu.enqueue_dma source(%dma_start3A_31 : memref<1024xf32, #tpu.memory_space<hbm>>) target(%dma_start3A_30 : memref<1024xf32, #tpu.memory_space<vmem>>) target_semaphore(%arg16 : memref<!tpu.dma_semaphore, #tpu.memory_space<semaphore_mem>>)
    %scan3A = arith.constant 6.400000e+01 : f32
    %scan3A_32 = arith.constant 1.270000e+02 : f32
    %scan3A_33 = arith.constant 0 : i32
    %scan3A_34 = arith.constant 32 : i32
    %scan3A_35 = arith.addi %scan3A_33, %scan3A_34 : i32
    %scan3A_36 = arith.constant 1 : i32
    scf.for %scan3A_88 = %scan3A_33 to %scan3A_35 step %scan3A_36  : i32 {
      %mul3A_89 = arith.constant 1 : i32
      %mul3A_90 = arith.muli %scan3A_88, %mul3A_89 : i32
      %add3A_91 = arith.constant 0 : i32
      %add3A_92 = arith.addi %add3A_91, %mul3A_90 : i32
      %mul3A_93 = arith.constant 2 : i32
      %mul3A_94 = arith.muli %add3A_92, %mul3A_93 : i32
      %add3A_95 = arith.constant 1 : i32
      %add3A_96 = arith.addi %mul3A_94, %add3A_95 : i32
      %dma_wait3A_97 = arith.constant 0 : i32
      %dma_wait3A_98 = tpu.memref_slice %arg8[%dma_wait3A_97] : memref<2048xf32, #tpu.memory_space<vmem>> -> memref<1024xf32, #tpu.memory_space<vmem>>
      %dma_wait3A_99 = arith.constant 0 : i32
      %dma_wait3A_100 = tpu.memref_slice %arg2[%dma_wait3A_99] : memref<2097152xf32, #tpu.memory_space<hbm>> -> memref<1024xf32, #tpu.memory_space<hbm>>
      %dma_wait3A_101 = arith.constant 0 : i32
      %dma_wait3A_102 = tpu.memref_slice %arg8[%dma_wait3A_101] : memref<2048xf32, #tpu.memory_space<vmem>> -> memref<1024xf32, #tpu.memory_space<vmem>>
      %dma_wait3A_103 = arith.constant 0 : i32
      %dma_wait3A_104 = tpu.memref_slice %arg2[%dma_wait3A_103] : memref<2097152xf32, #tpu.memory_space<hbm>> -> memref<1024xf32, #tpu.memory_space<hbm>>
      tpu.wait_dma2 semaphore(%arg16 : memref<!tpu.dma_semaphore, #tpu.memory_space<semaphore_mem>>) src(%dma_wait3A_104 : memref<1024xf32, #tpu.memory_space<hbm>>) dst(%dma_wait3A_102 : memref<1024xf32, #tpu.memory_space<vmem>>)
      %dma_wait3A_105 = arith.constant 0 : i32
      %dma_wait3A_106 = tpu.memref_slice %arg9[%dma_wait3A_105] : memref<2048xf32, #tpu.memory_space<vmem>> -> memref<1024xf32, #tpu.memory_space<vmem>>
      %dma_wait3A_107 = arith.constant 0 : i32
      %dma_wait3A_108 = tpu.memref_slice %arg3[%dma_wait3A_107] : memref<2097152xf32, #tpu.memory_space<hbm>> -> memref<1024xf32, #tpu.memory_space<hbm>>
      %dma_wait3A_109 = arith.constant 0 : i32
      %dma_wait3A_110 = tpu.memref_slice %arg9[%dma_wait3A_109] : memref<2048xf32, #tpu.memory_space<vmem>> -> memref<1024xf32, #tpu.memory_space<vmem>>
      %dma_wait3A_111 = arith.constant 0 : i32
      %dma_wait3A_112 = tpu.memref_slice %arg3[%dma_wait3A_111] : memref<2097152xf32, #tpu.memory_space<hbm>> -> memref<1024xf32, #tpu.memory_space<hbm>>
      tpu.wait_dma2 semaphore(%arg16 : memref<!tpu.dma_semaphore, #tpu.memory_space<semaphore_mem>>) src(%dma_wait3A_112 : memref<1024xf32, #tpu.memory_space<hbm>>) dst(%dma_wait3A_110 : memref<1024xf32, #tpu.memory_space<vmem>>)
      %dma_wait3A_113 = arith.constant 0 : i32
      %dma_wait3A_114 = tpu.memref_slice %arg10[%dma_wait3A_113] : memref<2048xf32, #tpu.memory_space<vmem>> -> memref<1024xf32, #tpu.memory_space<vmem>>
      %dma_wait3A_115 = arith.constant 0 : i32
      %dma_wait3A_116 = tpu.memref_slice %arg4[%dma_wait3A_115] : memref<2097152xf32, #tpu.memory_space<hbm>> -> memref<1024xf32, #tpu.memory_space<hbm>>
      %dma_wait3A_117 = arith.constant 0 : i32
      %dma_wait3A_118 = tpu.memref_slice %arg10[%dma_wait3A_117] : memref<2048xf32, #tpu.memory_space<vmem>> -> memref<1024xf32, #tpu.memory_space<vmem>>
      %dma_wait3A_119 = arith.constant 0 : i32
      %dma_wait3A_120 = tpu.memref_slice %arg4[%dma_wait3A_119] : memref<2097152xf32, #tpu.memory_space<hbm>> -> memref<1024xf32, #tpu.memory_space<hbm>>
      tpu.wait_dma2 semaphore(%arg16 : memref<!tpu.dma_semaphore, #tpu.memory_space<semaphore_mem>>) src(%dma_wait3A_120 : memref<1024xf32, #tpu.memory_space<hbm>>) dst(%dma_wait3A_118 : memref<1024xf32, #tpu.memory_space<vmem>>)
      %mul3A_121 = arith.constant 1024 : i32
      %mul3A_122 = arith.muli %add3A_96, %mul3A_121 : i32
      %add3A_123 = arith.addi %mul3A_2, %mul3A_122 : i32
      %dma_start3A_124 = arith.constant 1024 : i32
      %dma_start3A_125 = tpu.memref_slice %arg8[%dma_start3A_124] : memref<2048xf32, #tpu.memory_space<vmem>> -> memref<1024xf32, #tpu.memory_space<vmem>>
      %dma_start3A_126 = tpu.memref_slice %arg2[%add3A_123] : memref<2097152xf32, #tpu.memory_space<hbm>> -> memref<1024xf32, #tpu.memory_space<hbm>>
      %dma_start3A_127 = arith.constant 1024 : i32
      %dma_start3A_128 = tpu.memref_slice %arg8[%dma_start3A_127] : memref<2048xf32, #tpu.memory_space<vmem>> -> memref<1024xf32, #tpu.memory_space<vmem>>
      %dma_start3A_129 = tpu.memref_slice %arg2[%add3A_123] : memref<2097152xf32, #tpu.memory_space<hbm>> -> memref<1024xf32, #tpu.memory_space<hbm>>
      tpu.enqueue_dma source(%dma_start3A_129 : memref<1024xf32, #tpu.memory_space<hbm>>) target(%dma_start3A_128 : memref<1024xf32, #tpu.memory_space<vmem>>) target_semaphore(%arg16 : memref<!tpu.dma_semaphore, #tpu.memory_space<semaphore_mem>>)
      %dma_start3A_130 = arith.constant 1024 : i32
      %dma_start3A_131 = tpu.memref_slice %arg9[%dma_start3A_130] : memref<2048xf32, #tpu.memory_space<vmem>> -> memref<1024xf32, #tpu.memory_space<vmem>>
      %dma_start3A_132 = tpu.memref_slice %arg3[%add3A_123] : memref<2097152xf32, #tpu.memory_space<hbm>> -> memref<1024xf32, #tpu.memory_space<hbm>>
      %dma_start3A_133 = arith.constant 1024 : i32
      %dma_start3A_134 = tpu.memref_slice %arg9[%dma_start3A_133] : memref<2048xf32, #tpu.memory_space<vmem>> -> memref<1024xf32, #tpu.memory_space<vmem>>
      %dma_start3A_135 = tpu.memref_slice %arg3[%add3A_123] : memref<2097152xf32, #tpu.memory_space<hbm>> -> memref<1024xf32, #tpu.memory_space<hbm>>
      tpu.enqueue_dma source(%dma_start3A_135 : memref<1024xf32, #tpu.memory_space<hbm>>) target(%dma_start3A_134 : memref<1024xf32, #tpu.memory_space<vmem>>) target_semaphore(%arg16 : memref<!tpu.dma_semaphore, #tpu.memory_space<semaphore_mem>>)
      %dma_start3A_136 = arith.constant 1024 : i32
      %dma_start3A_137 = tpu.memref_slice %arg10[%dma_start3A_136] : memref<2048xf32, #tpu.memory_space<vmem>> -> memref<1024xf32, #tpu.memory_space<vmem>>
      %dma_start3A_138 = tpu.memref_slice %arg4[%add3A_123] : memref<2097152xf32, #tpu.memory_space<hbm>> -> memref<1024xf32, #tpu.memory_space<hbm>>
      %dma_start3A_139 = arith.constant 1024 : i32
      %dma_start3A_140 = tpu.memref_slice %arg10[%dma_start3A_139] : memref<2048xf32, #tpu.memory_space<vmem>> -> memref<1024xf32, #tpu.memory_space<vmem>>
      %dma_start3A_141 = tpu.memref_slice %arg4[%add3A_123] : memref<2097152xf32, #tpu.memory_space<hbm>> -> memref<1024xf32, #tpu.memory_space<hbm>>
      tpu.enqueue_dma source(%dma_start3A_141 : memref<1024xf32, #tpu.memory_space<hbm>>) target(%dma_start3A_140 : memref<1024xf32, #tpu.memory_space<vmem>>) target_semaphore(%arg16 : memref<!tpu.dma_semaphore, #tpu.memory_space<semaphore_mem>>)
      %scan3A_142 = arith.constant 0 : i32
      %scan3A_143 = arith.constant 8 : i32
      %scan3A_144 = arith.addi %scan3A_142, %scan3A_143 : i32
      %scan3A_145 = arith.constant 1 : i32
      scf.for %scan3A_216 = %scan3A_142 to %scan3A_144 step %scan3A_145  : i32 {
        %mul3A_217 = arith.constant 1 : i32
        %mul3A_218 = arith.muli %scan3A_216, %mul3A_217 : i32
        %add3A_219 = arith.constant 0 : i32
        %add3A_220 = arith.addi %add3A_219, %mul3A_218 : i32
        %scan3A_221 = arith.constant 0 : i32
        %scan3A_222 = arith.constant 8 : i32
        %scan3A_223 = arith.addi %scan3A_221, %scan3A_222 : i32
        %scan3A_224 = arith.constant 1 : i32
        scf.for %scan3A_240 = %scan3A_221 to %scan3A_223 step %scan3A_224  : i32 {
          %mul3A_241 = arith.constant 1 : i32
          %mul3A_242 = arith.muli %scan3A_240, %mul3A_241 : i32
          %add3A_243 = arith.constant 0 : i32
          %add3A_244 = arith.addi %add3A_243, %mul3A_242 : i32
          %mul3A_245 = arith.constant 128 : i32
          %mul3A_246 = arith.muli %add3A_220, %mul3A_245 : i32
          %mul3A_247 = arith.constant 16 : i32
          %mul3A_248 = arith.muli %add3A_244, %mul3A_247 : i32
          %add3A_249 = arith.addi %mul3A_246, %mul3A_248 : i32
          %add3A_250 = arith.constant 0 : i32
          %add3A_251 = arith.addi %add3A_250, %add3A_249 : i32
          %get3A = arith.index_cast %add3A_251 : i32 to index
          %get3A_252 = tpu.vector_load %arg8[%get3A] {strides = array<i32>} : memref<2048xf32, #tpu.memory_space<vmem>>, vector<16xf32>,
          %add3A_253 = arith.constant 0 : i32
          %add3A_254 = arith.addi %add3A_253, %add3A_249 : i32
          %get3A_255 = arith.index_cast %add3A_254 : i32 to index
          %get3A_256 = tpu.vector_load %arg9[%get3A_255] {strides = array<i32>} : memref<2048xf32, #tpu.memory_space<vmem>>, vector<16xf32>,
          %add3A_257 = arith.constant 0 : i32
          %add3A_258 = arith.addi %add3A_257, %add3A_249 : i32
          %get3A_259 = arith.index_cast %add3A_258 : i32 to index
          %get3A_260 = tpu.vector_load %arg10[%get3A_259] {strides = array<i32>} : memref<2048xf32, #tpu.memory_space<vmem>>, vector<16xf32>,
          %add3A_261 = arith.constant 1.000000e+00 : f32
          %add3A_262 = vector.broadcast %add3A_261 : f32 to vector<16xf32>
          %add3A_263 = arith.addf %get3A_252, %add3A_262 : vector<16xf32>
          %mul3A_264 = vector.broadcast %scan3A : f32 to vector<16xf32>
          %mul3A_265 = arith.mulf %add3A_263, %mul3A_264 : vector<16xf32>
          %sub3A = arith.constant 5.000000e-01 : f32
          %sub3A_266 = vector.broadcast %sub3A : f32 to vector<16xf32>
          %sub3A_267 = arith.subf %mul3A_265, %sub3A_266 : vector<16xf32>
          %jit3A = arith.constant 0.000000e+00 : f32
          %max3A = vector.broadcast %jit3A : f32 to vector<16xf32>
          %max3A_268 = arith.maximumf %max3A, %sub3A_267 : vector<16xf32>
          %min3A = vector.broadcast %scan3A_32 : f32 to vector<16xf32>
          %min3A_269 = arith.minimumf %min3A, %max3A_268 : vector<16xf32>
          %add3A_270 = arith.constant 1.000000e+00 : f32
          %add3A_271 = vector.broadcast %add3A_270 : f32 to vector<16xf32>
          %add3A_272 = arith.addf %get3A_256, %add3A_271 : vector<16xf32>
          %mul3A_273 = vector.broadcast %scan3A : f32 to vector<16xf32>
          %mul3A_274 = arith.mulf %add3A_272, %mul3A_273 : vector<16xf32>
          %sub3A_275 = arith.constant 5.000000e-01 : f32
          %sub3A_276 = vector.broadcast %sub3A_275 : f32 to vector<16xf32>
          %sub3A_277 = arith.subf %mul3A_274, %sub3A_276 : vector<16xf32>
          %jit3A_278 = arith.constant 0.000000e+00 : f32
          %max3A_279 = vector.broadcast %jit3A_278 : f32 to vector<16xf32>
          %max3A_280 = arith.maximumf %max3A_279, %sub3A_277 : vector<16xf32>
          %min3A_281 = vector.broadcast %scan3A_32 : f32 to vector<16xf32>
          %min3A_282 = arith.minimumf %min3A_281, %max3A_280 : vector<16xf32>
          %add3A_283 = arith.constant 1.000000e+00 : f32
          %add3A_284 = vector.broadcast %add3A_283 : f32 to vector<16xf32>
          %add3A_285 = arith.addf %get3A_260, %add3A_284 : vector<16xf32>
          %mul3A_286 = vector.broadcast %scan3A : f32 to vector<16xf32>
          %mul3A_287 = arith.mulf %add3A_285, %mul3A_286 : vector<16xf32>
          %sub3A_288 = arith.constant 5.000000e-01 : f32
          %sub3A_289 = vector.broadcast %sub3A_288 : f32 to vector<16xf32>
          %sub3A_290 = arith.subf %mul3A_287, %sub3A_289 : vector<16xf32>
          %jit3A_291 = arith.constant 0.000000e+00 : f32
          %max3A_292 = vector.broadcast %jit3A_291 : f32 to vector<16xf32>
          %max3A_293 = arith.maximumf %max3A_292, %sub3A_290 : vector<16xf32>
          %min3A_294 = vector.broadcast %scan3A_32 : f32 to vector<16xf32>
          %min3A_295 = arith.minimumf %min3A_294, %max3A_293 : vector<16xf32>
          %convert_element_type3A_296 = arith.fptosi %min3A_269 : vector<16xf32> to vector<16xi32>
          %convert_element_type3A_297 = arith.fptosi %min3A_282 : vector<16xf32> to vector<16xi32>
          %convert_element_type3A_298 = arith.fptosi %min3A_295 : vector<16xf32> to vector<16xi32>
          %convert_element_type3A_299 = arith.sitofp %convert_element_type3A_296 : vector<16xi32> to vector<16xf32>
          %sub3A_300 = arith.subf %min3A_269, %convert_element_type3A_299 : vector<16xf32>
          %convert_element_type3A_301 = arith.sitofp %convert_element_type3A_297 : vector<16xi32> to vector<16xf32>
          %sub3A_302 = arith.subf %min3A_282, %convert_element_type3A_301 : vector<16xf32>
          %convert_element_type3A_303 = arith.sitofp %convert_element_type3A_298 : vector<16xi32> to vector<16xf32>
          %sub3A_304 = arith.subf %min3A_295, %convert_element_type3A_303 : vector<16xf32>
          %mul3A_305 = arith.constant 128 : i32
          %mul3A_306 = vector.broadcast %mul3A_305 : i32 to vector<16xi32>
          %mul3A_307 = arith.muli %convert_element_type3A_298, %mul3A_306 : vector<16xi32>
          %add3A_308 = arith.addi %mul3A_307, %convert_element_type3A_297 : vector<16xi32>
          %mul3A_309 = arith.constant 128 : i32
          %mul3A_310 = vector.broadcast %mul3A_309 : i32 to vector<16xi32>
          %mul3A_311 = arith.muli %add3A_308, %mul3A_310 : vector<16xi32>
          %add3A_312 = arith.addi %mul3A_311, %convert_element_type3A_296 : vector<16xi32>
          %add3A_313 = arith.constant 0 : i32
          %add3A_314 = arith.addi %add3A_313, %add3A_220 : i32
          %mul3A_315 = arith.constant 16 : i32
          %mul3A_316 = arith.muli %add3A_244, %mul3A_315 : i32
          %swap3A = arith.index_cast %add3A_314 : i32 to index
          %swap3A_317 = arith.index_cast %mul3A_316 : i32 to index
          %swap3A_318 = tpu.vector_load %arg12[%swap3A, %swap3A_317] {strides = array<i32>} : memref<16x128xi32, #tpu.memory_space<vmem>>, vector<16xi32>,
          tpu.vector_store %arg12[%swap3A, %swap3A_317], %add3A_312 {strides = array<i32>} : memref<16x128xi32, #tpu.memory_space<vmem>>, vector<16xi32>,
          %add3A_319 = arith.constant 0 : i32
          %add3A_320 = arith.addi %add3A_319, %add3A_249 : i32
          %swap3A_321 = arith.index_cast %add3A_320 : i32 to index
          %swap3A_322 = tpu.vector_load %arg11[%swap3A_321] {strides = array<i32>} : memref<6144xf32, #tpu.memory_space<vmem>>, vector<16xf32>,
          tpu.vector_store %arg11[%swap3A_321], %sub3A_300 {strides = array<i32>} : memref<6144xf32, #tpu.memory_space<vmem>>, vector<16xf32>,
          %add3A_323 = arith.constant 1024 : i32
          %add3A_324 = arith.addi %add3A_323, %add3A_249 : i32
          %swap3A_325 = arith.index_cast %add3A_324 : i32 to index
          %swap3A_326 = tpu.vector_load %arg11[%swap3A_325] {strides = array<i32>} : memref<6144xf32, #tpu.memory_space<vmem>>, vector<16xf32>,
          tpu.vector_store %arg11[%swap3A_325], %sub3A_302 {strides = array<i32>} : memref<6144xf32, #tpu.memory_space<vmem>>, vector<16xf32>,
          %add3A_327 = arith.constant 2048 : i32
          %add3A_328 = arith.addi %add3A_327, %add3A_249 : i32
          %swap3A_329 = arith.index_cast %add3A_328 : i32 to index
          %swap3A_330 = tpu.vector_load %arg11[%swap3A_329] {strides = array<i32>} : memref<6144xf32, #tpu.memory_space<vmem>>, vector<16xf32>,
          tpu.vector_store %arg11[%swap3A_329], %sub3A_304 {strides = array<i32>} : memref<6144xf32, #tpu.memory_space<vmem>>, vector<16xf32>,
        }
        %scan3A_225 = arith.constant 8 : i32
        %add3A_226 = arith.constant 0 : i32
        %add3A_227 = arith.addi %add3A_226, %add3A_220 : i32
        %mul3A_228 = arith.constant 128 : i32
        %mul3A_229 = arith.muli %add3A_220, %mul3A_228 : i32
        %add3A_230 = arith.constant 0 : i32
        %add3A_231 = arith.addi %add3A_230, %mul3A_229 : i32
        %dma_start3A_232 = arith.constant 0 : i32
        %dma_start3A_233 = tpu.memref_slice %arg13[%add3A_231, %dma_start3A_232] : memref<2048x32xf32, #tpu.memory_space<vmem>> -> memref<128x32xf32, #tpu.memory_space<vmem>>
        %dma_start3A_234 = arith.constant 0 : i32
        %dma_start3A_235 = tpu.memref_slice %arg12[%add3A_227, %dma_start3A_234] : memref<16x128xi32, #tpu.memory_space<vmem>> -> memref<1x128xi32, #tpu.memory_space<vmem>>
        %dma_start3A_236 = tpu.memref_squeeze %dma_start3A_235 : memref<1x128xi32, #tpu.memory_space<vmem>> -> memref<128xi32, #tpu.memory_space<vmem>>
        %dma_start3A_237 = arith.constant 0 : i32
        %dma_start3A_238 = arith.constant 0 : i32
        %dma_start3A_239 = tpu.memref_slice %arg5[%dma_start3A_237, %dma_start3A_238] : memref<2097152x32xf32, #tpu.memory_space<hbm>> -> memref<2097152x32xf32, #tpu.memory_space<hbm>>
        tpu.enqueue_indirect_dma source(%dma_start3A_239 : memref<2097152x32xf32, #tpu.memory_space<hbm>>) target(%dma_start3A_233 : memref<128x32xf32, #tpu.memory_space<vmem>>) offsets(%dma_start3A_236 : memref<128xi32, #tpu.memory_space<vmem>>) semaphore(%arg17 : memref<!tpu.dma_semaphore, #tpu.memory_space<semaphore_mem>>)
      }
      %scan3A_146 = arith.constant 8 : i32
      %gt3A = arith.constant 0 : i32
      %gt3A_147 = arith.cmpi sgt, %mul3A_94, %gt3A : i32
      %convert_element_type3A = arith.extui %gt3A_147 : i1 to i32
      %cond3A = arith.constant 0 : i32
      %cond3A_148 = arith.cmpi ne, %convert_element_type3A, %cond3A : i32
      scf.if %cond3A_148 {
        %sub3A = arith.constant 1 : i32
        %sub3A_216 = arith.subi %mul3A_94, %sub3A : i32
        %dma_wait3A_217 = arith.constant 1024 : i32
        %dma_wait3A_218 = arith.constant 0 : i32
        %dma_wait3A_219 = tpu.memref_slice %arg13[%dma_wait3A_217, %dma_wait3A_218] : memref<2048x32xf32, #tpu.memory_space<vmem>> -> memref<1024x32xf32, #tpu.memory_space<vmem>>
        %dma_wait3A_220 = arith.constant 0 : i32
        %dma_wait3A_221 = arith.constant 0 : i32
        %dma_wait3A_222 = tpu.memref_slice %arg5[%dma_wait3A_220, %dma_wait3A_221] : memref<2097152x32xf32, #tpu.memory_space<hbm>> -> memref<1024x32xf32, #tpu.memory_space<hbm>>
        %dma_wait3A_223 = arith.constant 1024 : i32
        %dma_wait3A_224 = arith.constant 0 : i32
        %dma_wait3A_225 = tpu.memref_slice %arg13[%dma_wait3A_223, %dma_wait3A_224] : memref<2048x32xf32, #tpu.memory_space<vmem>> -> memref<1024x32xf32, #tpu.memory_space<vmem>>
        %dma_wait3A_226 = arith.constant 0 : i32
        %dma_wait3A_227 = arith.constant 0 : i32
        %dma_wait3A_228 = tpu.memref_slice %arg5[%dma_wait3A_226, %dma_wait3A_227] : memref<2097152x32xf32, #tpu.memory_space<hbm>> -> memref<1024x32xf32, #tpu.memory_space<hbm>>
        tpu.wait_dma2 semaphore(%arg18 : memref<!tpu.dma_semaphore, #tpu.memory_space<semaphore_mem>>) src(%dma_wait3A_228 : memref<1024x32xf32, #tpu.memory_space<hbm>>) dst(%dma_wait3A_225 : memref<1024x32xf32, #tpu.memory_space<vmem>>)
        %ge3A_229 = arith.constant 2 : i32
        %ge3A_230 = arith.cmpi sge, %sub3A_216, %ge3A_229 : i32
        %convert_element_type3A_231 = arith.extui %ge3A_230 : i1 to i32
        %cond3A_232 = arith.constant 0 : i32
        %cond3A_233 = arith.cmpi ne, %convert_element_type3A_231, %cond3A_232 : i32
        scf.if %cond3A_233 {
          %dma_wait3A_250 = arith.constant 4096 : i32
          %dma_wait3A_251 = tpu.memref_slice %arg14[%dma_wait3A_250] : memref<8192xf32, #tpu.memory_space<vmem>> -> memref<4096xf32, #tpu.memory_space<vmem>>
          %dma_wait3A_252 = arith.constant 0 : i32
          %dma_wait3A_253 = tpu.memref_slice %arg7[%dma_wait3A_252] : memref<8388608xf32, #tpu.memory_space<hbm>> -> memref<4096xf32, #tpu.memory_space<hbm>>
          %dma_wait3A_254 = arith.constant 0 : i32
          %dma_wait3A_255 = tpu.memref_slice %arg7[%dma_wait3A_254] : memref<8388608xf32, #tpu.memory_space<hbm>> -> memref<4096xf32, #tpu.memory_space<hbm>>
          %dma_wait3A_256 = arith.constant 4096 : i32
          %dma_wait3A_257 = tpu.memref_slice %arg14[%dma_wait3A_256] : memref<8192xf32, #tpu.memory_space<vmem>> -> memref<4096xf32, #tpu.memory_space<vmem>>
          tpu.wait_dma2 semaphore(%arg20 : memref<!tpu.dma_semaphore, #tpu.memory_space<semaphore_mem>>) src(%dma_wait3A_257 : memref<4096xf32, #tpu.memory_space<vmem>>) dst(%dma_wait3A_255 : memref<4096xf32, #tpu.memory_space<hbm>>)
        } else {
        }
        %scan3A_234 = arith.constant 0 : i32
        %scan3A_235 = arith.constant 64 : i32
        %scan3A_236 = arith.addi %scan3A_234, %scan3A_235 : i32
        %scan3A_237 = arith.constant 1 : i32
        scf.for %scan3A_250 = %scan3A_234 to %scan3A_236 step %scan3A_237  : i32 {
          %mul3A_251 = arith.constant 1 : i32
          %mul3A_252 = arith.muli %scan3A_250, %mul3A_251 : i32
          %add3A_253 = arith.constant 0 : i32
          %add3A_254 = arith.addi %add3A_253, %mul3A_252 : i32
          %mul3A_255 = arith.constant 16 : i32
          %mul3A_256 = arith.muli %add3A_254, %mul3A_255 : i32
          %add3A_257 = arith.constant 3072 : i32
          %add3A_258 = arith.addi %add3A_257, %mul3A_256 : i32
          %get3A = arith.index_cast %add3A_258 : i32 to index
          %get3A_259 = tpu.vector_load %arg11[%get3A] {strides = array<i32>} : memref<6144xf32, #tpu.memory_space<vmem>>, vector<16xf32>,
          %add3A_260 = arith.constant 4096 : i32
          %add3A_261 = arith.addi %add3A_260, %mul3A_256 : i32
          %get3A_262 = arith.index_cast %add3A_261 : i32 to index
          %get3A_263 = tpu.vector_load %arg11[%get3A_262] {strides = array<i32>} : memref<6144xf32, #tpu.memory_space<vmem>>, vector<16xf32>,
          %add3A_264 = arith.constant 5120 : i32
          %add3A_265 = arith.addi %add3A_264, %mul3A_256 : i32
          %get3A_266 = arith.index_cast %add3A_265 : i32 to index
          %get3A_267 = tpu.vector_load %arg11[%get3A_266] {strides = array<i32>} : memref<6144xf32, #tpu.memory_space<vmem>>, vector<16xf32>,
          %add3A_268 = arith.constant 1024 : i32
          %add3A_269 = arith.addi %add3A_268, %mul3A_256 : i32
          %add3A_270 = vector.broadcast %add3A_269 : i32 to vector<16xi32>
          %add3A_271 = arith.addi %add3A_270, %iota3A : vector<16xi32>
          %sub3A_272 = arith.constant 1.000000e+00 : f32
          %sub3A_273 = vector.broadcast %sub3A_272 : f32 to vector<16xf32>
          %sub3A_274 = arith.subf %sub3A_273, %get3A_259 : vector<16xf32>
          %sub3A_275 = arith.constant 1.000000e+00 : f32
          %sub3A_276 = vector.broadcast %sub3A_275 : f32 to vector<16xf32>
          %sub3A_277 = arith.subf %sub3A_276, %get3A_263 : vector<16xf32>
          %sub3A_278 = arith.constant 1.000000e+00 : f32
          %sub3A_279 = vector.broadcast %sub3A_278 : f32 to vector<16xf32>
          %sub3A_280 = arith.subf %sub3A_279, %get3A_267 : vector<16xf32>
          %mul3A_281 = arith.mulf %sub3A_280, %sub3A_277 : vector<16xf32>
          %mul3A_282 = arith.mulf %sub3A_280, %get3A_263 : vector<16xf32>
          %mul3A_283 = arith.mulf %get3A_267, %sub3A_277 : vector<16xf32>
          %mul3A_284 = arith.mulf %get3A_267, %get3A_263 : vector<16xf32>
          %mul3A_285 = arith.mulf %mul3A_281, %sub3A_274 : vector<16xf32>
          %mul3A_286 = arith.mulf %mul3A_281, %get3A_259 : vector<16xf32>
          %mul3A_287 = arith.mulf %mul3A_282, %sub3A_274 : vector<16xf32>
          %mul3A_288 = arith.mulf %mul3A_282, %get3A_259 : vector<16xf32>
          %mul3A_289 = arith.mulf %mul3A_283, %sub3A_274 : vector<16xf32>
          %mul3A_290 = arith.mulf %mul3A_283, %get3A_259 : vector<16xf32>
          %mul3A_291 = arith.mulf %mul3A_284, %sub3A_274 : vector<16xf32>
          %mul3A_292 = arith.mulf %mul3A_284, %get3A_259 : vector<16xf32>
          %shift_right_arithmetic3A = arith.constant 7 : i32
          %shift_right_arithmetic3A_293 = arith.shrsi %mul3A_256, %shift_right_arithmetic3A : i32
          %mul3A_294 = arith.constant 512 : i32
          %mul3A_295 = arith.muli %shift_right_arithmetic3A_293, %mul3A_294 : i32
          %add3A_296 = arith.constant 4096 : i32
          %add3A_297 = arith.addi %add3A_296, %mul3A_295 : i32
          %and3A = arith.constant 127 : i32
          %and3A_298 = arith.andi %mul3A_256, %and3A : i32
          %add3A_299 = arith.addi %add3A_297, %and3A_298 : i32
          %broadcast_in_dim3A_300 = arith.constant 0 : i32
          %broadcast_in_dim3A_301 = vector.broadcast %broadcast_in_dim3A_300 : i32 to vector<16xi32>
          %gather3A_302 = tpu.vector_load_idx %arg13[%add3A_271, %broadcast_in_dim3A_301] : memref<2048x32xf32, #tpu.memory_space<vmem>>[vector<16xi32>, vector<16xi32>], vector<16xf32>,
          %mul3A_303 = arith.mulf %mul3A_285, %gather3A_302 : vector<16xf32>
          %add3A_304 = arith.addf %gather3A, %mul3A_303 : vector<16xf32>
          %broadcast_in_dim3A_305 = arith.constant 4 : i32
          %broadcast_in_dim3A_306 = vector.broadcast %broadcast_in_dim3A_305 : i32 to vector<16xi32>
          %gather3A_307 = tpu.vector_load_idx %arg13[%add3A_271, %broadcast_in_dim3A_306] : memref<2048x32xf32, #tpu.memory_space<vmem>>[vector<16xi32>, vector<16xi32>], vector<16xf32>,
          %mul3A_308 = arith.mulf %mul3A_286, %gather3A_307 : vector<16xf32>
          %add3A_309 = arith.addf %add3A_304, %mul3A_308 : vector<16xf32>
          %broadcast_in_dim3A_310 = arith.constant 8 : i32
          %broadcast_in_dim3A_311 = vector.broadcast %broadcast_in_dim3A_310 : i32 to vector<16xi32>
          %gather3A_312 = tpu.vector_load_idx %arg13[%add3A_271, %broadcast_in_dim3A_311] : memref<2048x32xf32, #tpu.memory_space<vmem>>[vector<16xi32>, vector<16xi32>], vector<16xf32>,
          %mul3A_313 = arith.mulf %mul3A_287, %gather3A_312 : vector<16xf32>
          %add3A_314 = arith.addf %add3A_309, %mul3A_313 : vector<16xf32>
          %broadcast_in_dim3A_315 = arith.constant 12 : i32
          %broadcast_in_dim3A_316 = vector.broadcast %broadcast_in_dim3A_315 : i32 to vector<16xi32>
          %gather3A_317 = tpu.vector_load_idx %arg13[%add3A_271, %broadcast_in_dim3A_316] : memref<2048x32xf32, #tpu.memory_space<vmem>>[vector<16xi32>, vector<16xi32>], vector<16xf32>,
          %mul3A_318 = arith.mulf %mul3A_288, %gather3A_317 : vector<16xf32>
          %add3A_319 = arith.addf %add3A_314, %mul3A_318 : vector<16xf32>
          %broadcast_in_dim3A_320 = arith.constant 16 : i32
          %broadcast_in_dim3A_321 = vector.broadcast %broadcast_in_dim3A_320 : i32 to vector<16xi32>
          %gather3A_322 = tpu.vector_load_idx %arg13[%add3A_271, %broadcast_in_dim3A_321] : memref<2048x32xf32, #tpu.memory_space<vmem>>[vector<16xi32>, vector<16xi32>], vector<16xf32>,
          %mul3A_323 = arith.mulf %mul3A_289, %gather3A_322 : vector<16xf32>
          %add3A_324 = arith.addf %add3A_319, %mul3A_323 : vector<16xf32>
          %broadcast_in_dim3A_325 = arith.constant 20 : i32
          %broadcast_in_dim3A_326 = vector.broadcast %broadcast_in_dim3A_325 : i32 to vector<16xi32>
          %gather3A_327 = tpu.vector_load_idx %arg13[%add3A_271, %broadcast_in_dim3A_326] : memref<2048x32xf32, #tpu.memory_space<vmem>>[vector<16xi32>, vector<16xi32>], vector<16xf32>,
          %mul3A_328 = arith.mulf %mul3A_290, %gather3A_327 : vector<16xf32>
          %add3A_329 = arith.addf %add3A_324, %mul3A_328 : vector<16xf32>
          %broadcast_in_dim3A_330 = arith.constant 24 : i32
          %broadcast_in_dim3A_331 = vector.broadcast %broadcast_in_dim3A_330 : i32 to vector<16xi32>
          %gather3A_332 = tpu.vector_load_idx %arg13[%add3A_271, %broadcast_in_dim3A_331] : memref<2048x32xf32, #tpu.memory_space<vmem>>[vector<16xi32>, vector<16xi32>], vector<16xf32>,
          %mul3A_333 = arith.mulf %mul3A_291, %gather3A_332 : vector<16xf32>
          %add3A_334 = arith.addf %add3A_329, %mul3A_333 : vector<16xf32>
          %broadcast_in_dim3A_335 = arith.constant 28 : i32
          %broadcast_in_dim3A_336 = vector.broadcast %broadcast_in_dim3A_335 : i32 to vector<16xi32>
          %gather3A_337 = tpu.vector_load_idx %arg13[%add3A_271, %broadcast_in_dim3A_336] : memref<2048x32xf32, #tpu.memory_space<vmem>>[vector<16xi32>, vector<16xi32>], vector<16xf32>,
          %mul3A_338 = arith.mulf %mul3A_292, %gather3A_337 : vector<16xf32>
          %add3A_339 = arith.addf %add3A_334, %mul3A_338 : vector<16xf32>
          %add3A_340 = arith.constant 0 : i32
          %add3A_341 = arith.addi %add3A_299, %add3A_340 : i32
          %swap3A = arith.index_cast %add3A_341 : i32 to index
          %swap3A_342 = tpu.vector_load %arg14[%swap3A] {strides = array<i32>} : memref<8192xf32, #tpu.memory_space<vmem>>, vector<16xf32>,
          tpu.vector_store %arg14[%swap3A], %add3A_339 {strides = array<i32>} : memref<8192xf32, #tpu.memory_space<vmem>>, vector<16xf32>,
          %broadcast_in_dim3A_343 = arith.constant 1 : i32
          %broadcast_in_dim3A_344 = vector.broadcast %broadcast_in_dim3A_343 : i32 to vector<16xi32>
          %gather3A_345 = tpu.vector_load_idx %arg13[%add3A_271, %broadcast_in_dim3A_344] : memref<2048x32xf32, #tpu.memory_space<vmem>>[vector<16xi32>, vector<16xi32>], vector<16xf32>,
          %mul3A_346 = arith.mulf %mul3A_285, %gather3A_345 : vector<16xf32>
          %add3A_347 = arith.addf %gather3A_6, %mul3A_346 : vector<16xf32>
          %broadcast_in_dim3A_348 = arith.constant 5 : i32
          %broadcast_in_dim3A_349 = vector.broadcast %broadcast_in_dim3A_348 : i32 to vector<16xi32>
          %gather3A_350 = tpu.vector_load_idx %arg13[%add3A_271, %broadcast_in_dim3A_349] : memref<2048x32xf32, #tpu.memory_space<vmem>>[vector<16xi32>, vector<16xi32>], vector<16xf32>,
          %mul3A_351 = arith.mulf %mul3A_286, %gather3A_350 : vector<16xf32>
          %add3A_352 = arith.addf %add3A_347, %mul3A_351 : vector<16xf32>
          %broadcast_in_dim3A_353 = arith.constant 9 : i32
          %broadcast_in_dim3A_354 = vector.broadcast %broadcast_in_dim3A_353 : i32 to vector<16xi32>
          %gather3A_355 = tpu.vector_load_idx %arg13[%add3A_271, %broadcast_in_dim3A_354] : memref<2048x32xf32, #tpu.memory_space<vmem>>[vector<16xi32>, vector<16xi32>], vector<16xf32>,
          %mul3A_356 = arith.mulf %mul3A_287, %gather3A_355 : vector<16xf32>
          %add3A_357 = arith.addf %add3A_352, %mul3A_356 : vector<16xf32>
          %broadcast_in_dim3A_358 = arith.constant 13 : i32
          %broadcast_in_dim3A_359 = vector.broadcast %broadcast_in_dim3A_358 : i32 to vector<16xi32>
          %gather3A_360 = tpu.vector_load_idx %arg13[%add3A_271, %broadcast_in_dim3A_359] : memref<2048x32xf32, #tpu.memory_space<vmem>>[vector<16xi32>, vector<16xi32>], vector<16xf32>,
          %mul3A_361 = arith.mulf %mul3A_288, %gather3A_360 : vector<16xf32>
          %add3A_362 = arith.addf %add3A_357, %mul3A_361 : vector<16xf32>
          %broadcast_in_dim3A_363 = arith.constant 17 : i32
          %broadcast_in_dim3A_364 = vector.broadcast %broadcast_in_dim3A_363 : i32 to vector<16xi32>
          %gather3A_365 = tpu.vector_load_idx %arg13[%add3A_271, %broadcast_in_dim3A_364] : memref<2048x32xf32, #tpu.memory_space<vmem>>[vector<16xi32>, vector<16xi32>], vector<16xf32>,
          %mul3A_366 = arith.mulf %mul3A_289, %gather3A_365 : vector<16xf32>
          %add3A_367 = arith.addf %add3A_362, %mul3A_366 : vector<16xf32>
          %broadcast_in_dim3A_368 = arith.constant 21 : i32
          %broadcast_in_dim3A_369 = vector.broadcast %broadcast_in_dim3A_368 : i32 to vector<16xi32>
          %gather3A_370 = tpu.vector_load_idx %arg13[%add3A_271, %broadcast_in_dim3A_369] : memref<2048x32xf32, #tpu.memory_space<vmem>>[vector<16xi32>, vector<16xi32>], vector<16xf32>,
          %mul3A_371 = arith.mulf %mul3A_290, %gather3A_370 : vector<16xf32>
          %add3A_372 = arith.addf %add3A_367, %mul3A_371 : vector<16xf32>
          %broadcast_in_dim3A_373 = arith.constant 25 : i32
          %broadcast_in_dim3A_374 = vector.broadcast %broadcast_in_dim3A_373 : i32 to vector<16xi32>
          %gather3A_375 = tpu.vector_load_idx %arg13[%add3A_271, %broadcast_in_dim3A_374] : memref<2048x32xf32, #tpu.memory_space<vmem>>[vector<16xi32>, vector<16xi32>], vector<16xf32>,
          %mul3A_376 = arith.mulf %mul3A_291, %gather3A_375 : vector<16xf32>
          %add3A_377 = arith.addf %add3A_372, %mul3A_376 : vector<16xf32>
          %broadcast_in_dim3A_378 = arith.constant 29 : i32
          %broadcast_in_dim3A_379 = vector.broadcast %broadcast_in_dim3A_378 : i32 to vector<16xi32>
          %gather3A_380 = tpu.vector_load_idx %arg13[%add3A_271, %broadcast_in_dim3A_379] : memref<2048x32xf32, #tpu.memory_space<vmem>>[vector<16xi32>, vector<16xi32>], vector<16xf32>,
          %mul3A_381 = arith.mulf %mul3A_292, %gather3A_380 : vector<16xf32>
          %add3A_382 = arith.addf %add3A_377, %mul3A_381 : vector<16xf32>
          %add3A_383 = arith.constant 128 : i32
          %add3A_384 = arith.addi %add3A_299, %add3A_383 : i32
          %swap3A_385 = arith.index_cast %add3A_384 : i32 to index
          %swap3A_386 = tpu.vector_load %arg14[%swap3A_385] {strides = array<i32>} : memref<8192xf32, #tpu.memory_space<vmem>>, vector<16xf32>,
          tpu.vector_store %arg14[%swap3A_385], %add3A_382 {strides = array<i32>} : memref<8192xf32, #tpu.memory_space<vmem>>, vector<16xf32>,
          %broadcast_in_dim3A_387 = arith.constant 2 : i32
          %broadcast_in_dim3A_388 = vector.broadcast %broadcast_in_dim3A_387 : i32 to vector<16xi32>
          %gather3A_389 = tpu.vector_load_idx %arg13[%add3A_271, %broadcast_in_dim3A_388] : memref<2048x32xf32, #tpu.memory_space<vmem>>[vector<16xi32>, vector<16xi32>], vector<16xf32>,
          %mul3A_390 = arith.mulf %mul3A_285, %gather3A_389 : vector<16xf32>
          %add3A_391 = arith.addf %gather3A_9, %mul3A_390 : vector<16xf32>
          %broadcast_in_dim3A_392 = arith.constant 6 : i32
          %broadcast_in_dim3A_393 = vector.broadcast %broadcast_in_dim3A_392 : i32 to vector<16xi32>
          %gather3A_394 = tpu.vector_load_idx %arg13[%add3A_271, %broadcast_in_dim3A_393] : memref<2048x32xf32, #tpu.memory_space<vmem>>[vector<16xi32>, vector<16xi32>], vector<16xf32>,
          %mul3A_395 = arith.mulf %mul3A_286, %gather3A_394 : vector<16xf32>
          %add3A_396 = arith.addf %add3A_391, %mul3A_395 : vector<16xf32>
          %broadcast_in_dim3A_397 = arith.constant 10 : i32
          %broadcast_in_dim3A_398 = vector.broadcast %broadcast_in_dim3A_397 : i32 to vector<16xi32>
          %gather3A_399 = tpu.vector_load_idx %arg13[%add3A_271, %broadcast_in_dim3A_398] : memref<2048x32xf32, #tpu.memory_space<vmem>>[vector<16xi32>, vector<16xi32>], vector<16xf32>,
          %mul3A_400 = arith.mulf %mul3A_287, %gather3A_399 : vector<16xf32>
          %add3A_401 = arith.addf %add3A_396, %mul3A_400 : vector<16xf32>
          %broadcast_in_dim3A_402 = arith.constant 14 : i32
          %broadcast_in_dim3A_403 = vector.broadcast %broadcast_in_dim3A_402 : i32 to vector<16xi32>
          %gather3A_404 = tpu.vector_load_idx %arg13[%add3A_271, %broadcast_in_dim3A_403] : memref<2048x32xf32, #tpu.memory_space<vmem>>[vector<16xi32>, vector<16xi32>], vector<16xf32>,
          %mul3A_405 = arith.mulf %mul3A_288, %gather3A_404 : vector<16xf32>
          %add3A_406 = arith.addf %add3A_401, %mul3A_405 : vector<16xf32>
          %broadcast_in_dim3A_407 = arith.constant 18 : i32
          %broadcast_in_dim3A_408 = vector.broadcast %broadcast_in_dim3A_407 : i32 to vector<16xi32>
          %gather3A_409 = tpu.vector_load_idx %arg13[%add3A_271, %broadcast_in_dim3A_408] : memref<2048x32xf32, #tpu.memory_space<vmem>>[vector<16xi32>, vector<16xi32>], vector<16xf32>,
          %mul3A_410 = arith.mulf %mul3A_289, %gather3A_409 : vector<16xf32>
          %add3A_411 = arith.addf %add3A_406, %mul3A_410 : vector<16xf32>
          %broadcast_in_dim3A_412 = arith.constant 22 : i32
          %broadcast_in_dim3A_413 = vector.broadcast %broadcast_in_dim3A_412 : i32 to vector<16xi32>
          %gather3A_414 = tpu.vector_load_idx %arg13[%add3A_271, %broadcast_in_dim3A_413] : memref<2048x32xf32, #tpu.memory_space<vmem>>[vector<16xi32>, vector<16xi32>], vector<16xf32>,
          %mul3A_415 = arith.mulf %mul3A_290, %gather3A_414 : vector<16xf32>
          %add3A_416 = arith.addf %add3A_411, %mul3A_415 : vector<16xf32>
          %broadcast_in_dim3A_417 = arith.constant 26 : i32
          %broadcast_in_dim3A_418 = vector.broadcast %broadcast_in_dim3A_417 : i32 to vector<16xi32>
          %gather3A_419 = tpu.vector_load_idx %arg13[%add3A_271, %broadcast_in_dim3A_418] : memref<2048x32xf32, #tpu.memory_space<vmem>>[vector<16xi32>, vector<16xi32>], vector<16xf32>,
          %mul3A_420 = arith.mulf %mul3A_291, %gather3A_419 : vector<16xf32>
          %add3A_421 = arith.addf %add3A_416, %mul3A_420 : vector<16xf32>
          %broadcast_in_dim3A_422 = arith.constant 30 : i32
          %broadcast_in_dim3A_423 = vector.broadcast %broadcast_in_dim3A_422 : i32 to vector<16xi32>
          %gather3A_424 = tpu.vector_load_idx %arg13[%add3A_271, %broadcast_in_dim3A_423] : memref<2048x32xf32, #tpu.memory_space<vmem>>[vector<16xi32>, vector<16xi32>], vector<16xf32>,
          %mul3A_425 = arith.mulf %mul3A_292, %gather3A_424 : vector<16xf32>
          %add3A_426 = arith.addf %add3A_421, %mul3A_425 : vector<16xf32>
          %add3A_427 = arith.constant 256 : i32
          %add3A_428 = arith.addi %add3A_299, %add3A_427 : i32
          %swap3A_429 = arith.index_cast %add3A_428 : i32 to index
          %swap3A_430 = tpu.vector_load %arg14[%swap3A_429] {strides = array<i32>} : memref<8192xf32, #tpu.memory_space<vmem>>, vector<16xf32>,
          tpu.vector_store %arg14[%swap3A_429], %add3A_426 {strides = array<i32>} : memref<8192xf32, #tpu.memory_space<vmem>>, vector<16xf32>,
          %broadcast_in_dim3A_431 = arith.constant 3 : i32
          %broadcast_in_dim3A_432 = vector.broadcast %broadcast_in_dim3A_431 : i32 to vector<16xi32>
          %gather3A_433 = tpu.vector_load_idx %arg13[%add3A_271, %broadcast_in_dim3A_432] : memref<2048x32xf32, #tpu.memory_space<vmem>>[vector<16xi32>, vector<16xi32>], vector<16xf32>,
          %mul3A_434 = arith.mulf %mul3A_285, %gather3A_433 : vector<16xf32>
          %add3A_435 = arith.addf %gather3A_12, %mul3A_434 : vector<16xf32>
          %broadcast_in_dim3A_436 = arith.constant 7 : i32
          %broadcast_in_dim3A_437 = vector.broadcast %broadcast_in_dim3A_436 : i32 to vector<16xi32>
          %gather3A_438 = tpu.vector_load_idx %arg13[%add3A_271, %broadcast_in_dim3A_437] : memref<2048x32xf32, #tpu.memory_space<vmem>>[vector<16xi32>, vector<16xi32>], vector<16xf32>,
          %mul3A_439 = arith.mulf %mul3A_286, %gather3A_438 : vector<16xf32>
          %add3A_440 = arith.addf %add3A_435, %mul3A_439 : vector<16xf32>
          %broadcast_in_dim3A_441 = arith.constant 11 : i32
          %broadcast_in_dim3A_442 = vector.broadcast %broadcast_in_dim3A_441 : i32 to vector<16xi32>
          %gather3A_443 = tpu.vector_load_idx %arg13[%add3A_271, %broadcast_in_dim3A_442] : memref<2048x32xf32, #tpu.memory_space<vmem>>[vector<16xi32>, vector<16xi32>], vector<16xf32>,
          %mul3A_444 = arith.mulf %mul3A_287, %gather3A_443 : vector<16xf32>
          %add3A_445 = arith.addf %add3A_440, %mul3A_444 : vector<16xf32>
          %broadcast_in_dim3A_446 = arith.constant 15 : i32
          %broadcast_in_dim3A_447 = vector.broadcast %broadcast_in_dim3A_446 : i32 to vector<16xi32>
          %gather3A_448 = tpu.vector_load_idx %arg13[%add3A_271, %broadcast_in_dim3A_447] : memref<2048x32xf32, #tpu.memory_space<vmem>>[vector<16xi32>, vector<16xi32>], vector<16xf32>,
          %mul3A_449 = arith.mulf %mul3A_288, %gather3A_448 : vector<16xf32>
          %add3A_450 = arith.addf %add3A_445, %mul3A_449 : vector<16xf32>
          %broadcast_in_dim3A_451 = arith.constant 19 : i32
          %broadcast_in_dim3A_452 = vector.broadcast %broadcast_in_dim3A_451 : i32 to vector<16xi32>
          %gather3A_453 = tpu.vector_load_idx %arg13[%add3A_271, %broadcast_in_dim3A_452] : memref<2048x32xf32, #tpu.memory_space<vmem>>[vector<16xi32>, vector<16xi32>], vector<16xf32>,
          %mul3A_454 = arith.mulf %mul3A_289, %gather3A_453 : vector<16xf32>
          %add3A_455 = arith.addf %add3A_450, %mul3A_454 : vector<16xf32>
          %broadcast_in_dim3A_456 = arith.constant 23 : i32
          %broadcast_in_dim3A_457 = vector.broadcast %broadcast_in_dim3A_456 : i32 to vector<16xi32>
          %gather3A_458 = tpu.vector_load_idx %arg13[%add3A_271, %broadcast_in_dim3A_457] : memref<2048x32xf32, #tpu.memory_space<vmem>>[vector<16xi32>, vector<16xi32>], vector<16xf32>,
          %mul3A_459 = arith.mulf %mul3A_290, %gather3A_458 : vector<16xf32>
          %add3A_460 = arith.addf %add3A_455, %mul3A_459 : vector<16xf32>
          %broadcast_in_dim3A_461 = arith.constant 27 : i32
          %broadcast_in_dim3A_462 = vector.broadcast %broadcast_in_dim3A_461 : i32 to vector<16xi32>
          %gather3A_463 = tpu.vector_load_idx %arg13[%add3A_271, %broadcast_in_dim3A_462] : memref<2048x32xf32, #tpu.memory_space<vmem>>[vector<16xi32>, vector<16xi32>], vector<16xf32>,
          %mul3A_464 = arith.mulf %mul3A_291, %gather3A_463 : vector<16xf32>
          %add3A_465 = arith.addf %add3A_460, %mul3A_464 : vector<16xf32>
          %broadcast_in_dim3A_466 = arith.constant 31 : i32
          %broadcast_in_dim3A_467 = vector.broadcast %broadcast_in_dim3A_466 : i32 to vector<16xi32>
          %gather3A_468 = tpu.vector_load_idx %arg13[%add3A_271, %broadcast_in_dim3A_467] : memref<2048x32xf32, #tpu.memory_space<vmem>>[vector<16xi32>, vector<16xi32>], vector<16xf32>,
          %mul3A_469 = arith.mulf %mul3A_292, %gather3A_468 : vector<16xf32>
          %add3A_470 = arith.addf %add3A_465, %mul3A_469 : vector<16xf32>
          %add3A_471 = arith.constant 384 : i32
          %add3A_472 = arith.addi %add3A_299, %add3A_471 : i32
          %swap3A_473 = arith.index_cast %add3A_472 : i32 to index
          %swap3A_474 = tpu.vector_load %arg14[%swap3A_473] {strides = array<i32>} : memref<8192xf32, #tpu.memory_space<vmem>>, vector<16xf32>,
          tpu.vector_store %arg14[%swap3A_473], %add3A_470 {strides = array<i32>} : memref<8192xf32, #tpu.memory_space<vmem>>, vector<16xf32>,
        }
        %scan3A_238 = arith.constant 64 : i32
        %mul3A_239 = arith.constant 1024 : i32
        %mul3A_240 = arith.muli %sub3A_216, %mul3A_239 : i32
        %add3A_241 = arith.addi %mul3A_2, %mul3A_240 : i32
        %mul3A_242 = arith.constant 4 : i32
        %mul3A_243 = arith.muli %add3A_241, %mul3A_242 : i32
        %dma_start3A_244 = arith.constant 4096 : i32
        %dma_start3A_245 = tpu.memref_slice %arg14[%dma_start3A_244] : memref<8192xf32, #tpu.memory_space<vmem>> -> memref<4096xf32, #tpu.memory_space<vmem>>
        %dma_start3A_246 = tpu.memref_slice %arg7[%mul3A_243] : memref<8388608xf32, #tpu.memory_space<hbm>> -> memref<4096xf32, #tpu.memory_space<hbm>>
        %dma_start3A_247 = tpu.memref_slice %arg7[%mul3A_243] : memref<8388608xf32, #tpu.memory_space<hbm>> -> memref<4096xf32, #tpu.memory_space<hbm>>
        %dma_start3A_248 = arith.constant 4096 : i32
        %dma_start3A_249 = tpu.memref_slice %arg14[%dma_start3A_248] : memref<8192xf32, #tpu.memory_space<vmem>> -> memref<4096xf32, #tpu.memory_space<vmem>>
        tpu.enqueue_dma source(%dma_start3A_249 : memref<4096xf32, #tpu.memory_space<vmem>>) target(%dma_start3A_247 : memref<4096xf32, #tpu.memory_space<hbm>>) target_semaphore(%arg20 : memref<!tpu.dma_semaphore, #tpu.memory_space<semaphore_mem>>)
      } else {
      }
      %dma_wait3A_149 = arith.constant 1024 : i32
      %dma_wait3A_150 = tpu.memref_slice %arg8[%dma_wait3A_149] : memref<2048xf32, #tpu.memory_space<vmem>> -> memref<1024xf32, #tpu.memory_space<vmem>>
      %dma_wait3A_151 = arith.constant 0 : i32
      %dma_wait3A_152 = tpu.memref_slice %arg2[%dma_wait3A_151] : memref<2097152xf32, #tpu.memory_space<hbm>> -> memref<1024xf32, #tpu.memory_space<hbm>>
      %dma_wait3A_153 = arith.constant 1024 : i32
      %dma_wait3A_154 = tpu.memref_slice %arg8[%dma_wait3A_153] : memref<2048xf32, #tpu.memory_space<vmem>> -> memref<1024xf32, #tpu.memory_space<vmem>>
      %dma_wait3A_155 = arith.constant 0 : i32
      %dma_wait3A_156 = tpu.memref_slice %arg2[%dma_wait3A_155] : memref<2097152xf32, #tpu.memory_space<hbm>> -> memref<1024xf32, #tpu.memory_space<hbm>>
      tpu.wait_dma2 semaphore(%arg16 : memref<!tpu.dma_semaphore, #tpu.memory_space<semaphore_mem>>) src(%dma_wait3A_156 : memref<1024xf32, #tpu.memory_space<hbm>>) dst(%dma_wait3A_154 : memref<1024xf32, #tpu.memory_space<vmem>>)
      %dma_wait3A_157 = arith.constant 1024 : i32
      %dma_wait3A_158 = tpu.memref_slice %arg9[%dma_wait3A_157] : memref<2048xf32, #tpu.memory_space<vmem>> -> memref<1024xf32, #tpu.memory_space<vmem>>
      %dma_wait3A_159 = arith.constant 0 : i32
      %dma_wait3A_160 = tpu.memref_slice %arg3[%dma_wait3A_159] : memref<2097152xf32, #tpu.memory_space<hbm>> -> memref<1024xf32, #tpu.memory_space<hbm>>
      %dma_wait3A_161 = arith.constant 1024 : i32
      %dma_wait3A_162 = tpu.memref_slice %arg9[%dma_wait3A_161] : memref<2048xf32, #tpu.memory_space<vmem>> -> memref<1024xf32, #tpu.memory_space<vmem>>
      %dma_wait3A_163 = arith.constant 0 : i32
      %dma_wait3A_164 = tpu.memref_slice %arg3[%dma_wait3A_163] : memref<2097152xf32, #tpu.memory_space<hbm>> -> memref<1024xf32, #tpu.memory_space<hbm>>
      tpu.wait_dma2 semaphore(%arg16 : memref<!tpu.dma_semaphore, #tpu.memory_space<semaphore_mem>>) src(%dma_wait3A_164 : memref<1024xf32, #tpu.memory_space<hbm>>) dst(%dma_wait3A_162 : memref<1024xf32, #tpu.memory_space<vmem>>)
      %dma_wait3A_165 = arith.constant 1024 : i32
      %dma_wait3A_166 = tpu.memref_slice %arg10[%dma_wait3A_165] : memref<2048xf32, #tpu.memory_space<vmem>> -> memref<1024xf32, #tpu.memory_space<vmem>>
      %dma_wait3A_167 = arith.constant 0 : i32
      %dma_wait3A_168 = tpu.memref_slice %arg4[%dma_wait3A_167] : memref<2097152xf32, #tpu.memory_space<hbm>> -> memref<1024xf32, #tpu.memory_space<hbm>>
      %dma_wait3A_169 = arith.constant 1024 : i32
      %dma_wait3A_170 = tpu.memref_slice %arg10[%dma_wait3A_169] : memref<2048xf32, #tpu.memory_space<vmem>> -> memref<1024xf32, #tpu.memory_space<vmem>>
      %dma_wait3A_171 = arith.constant 0 : i32
      %dma_wait3A_172 = tpu.memref_slice %arg4[%dma_wait3A_171] : memref<2097152xf32, #tpu.memory_space<hbm>> -> memref<1024xf32, #tpu.memory_space<hbm>>
      tpu.wait_dma2 semaphore(%arg16 : memref<!tpu.dma_semaphore, #tpu.memory_space<semaphore_mem>>) src(%dma_wait3A_172 : memref<1024xf32, #tpu.memory_space<hbm>>) dst(%dma_wait3A_170 : memref<1024xf32, #tpu.memory_space<vmem>>)
      %add3A_173 = arith.constant 1 : i32
      %add3A_174 = arith.addi %add3A_96, %add3A_173 : i32
      %lt3A = arith.constant 64 : i32
      %lt3A_175 = arith.cmpi slt, %add3A_174, %lt3A : i32
      %convert_element_type3A_176 = arith.extui %lt3A_175 : i1 to i32
      %cond3A_177 = arith.constant 0 : i32
      %cond3A_178 = arith.cmpi ne, %convert_element_type3A_176, %cond3A_177 : i32
      scf.if %cond3A_178 {
        %add3A_216 = arith.constant 1 : i32
        %add3A_217 = arith.addi %add3A_96, %add3A_216 : i32
        %mul3A_218 = arith.constant 1024 : i32
        %mul3A_219 = arith.muli %add3A_217, %mul3A_218 : i32
        %add3A_220 = arith.addi %mul3A_2, %mul3A_219 : i32
        %dma_start3A_221 = arith.constant 0 : i32
        %dma_start3A_222 = tpu.memref_slice %arg8[%dma_start3A_221] : memref<2048xf32, #tpu.memory_space<vmem>> -> memref<1024xf32, #tpu.memory_space<vmem>>
        %dma_start3A_223 = tpu.memref_slice %arg2[%add3A_220] : memref<2097152xf32, #tpu.memory_space<hbm>> -> memref<1024xf32, #tpu.memory_space<hbm>>
        %dma_start3A_224 = arith.constant 0 : i32
        %dma_start3A_225 = tpu.memref_slice %arg8[%dma_start3A_224] : memref<2048xf32, #tpu.memory_space<vmem>> -> memref<1024xf32, #tpu.memory_space<vmem>>
        %dma_start3A_226 = tpu.memref_slice %arg2[%add3A_220] : memref<2097152xf32, #tpu.memory_space<hbm>> -> memref<1024xf32, #tpu.memory_space<hbm>>
        tpu.enqueue_dma source(%dma_start3A_226 : memref<1024xf32, #tpu.memory_space<hbm>>) target(%dma_start3A_225 : memref<1024xf32, #tpu.memory_space<vmem>>) target_semaphore(%arg16 : memref<!tpu.dma_semaphore, #tpu.memory_space<semaphore_mem>>)
        %dma_start3A_227 = arith.constant 0 : i32
        %dma_start3A_228 = tpu.memref_slice %arg9[%dma_start3A_227] : memref<2048xf32, #tpu.memory_space<vmem>> -> memref<1024xf32, #tpu.memory_space<vmem>>
        %dma_start3A_229 = tpu.memref_slice %arg3[%add3A_220] : memref<2097152xf32, #tpu.memory_space<hbm>> -> memref<1024xf32, #tpu.memory_space<hbm>>
        %dma_start3A_230 = arith.constant 0 : i32
        %dma_start3A_231 = tpu.memref_slice %arg9[%dma_start3A_230] : memref<2048xf32, #tpu.memory_space<vmem>> -> memref<1024xf32, #tpu.memory_space<vmem>>
        %dma_start3A_232 = tpu.memref_slice %arg3[%add3A_220] : memref<2097152xf32, #tpu.memory_space<hbm>> -> memref<1024xf32, #tpu.memory_space<hbm>>
        tpu.enqueue_dma source(%dma_start3A_232 : memref<1024xf32, #tpu.memory_space<hbm>>) target(%dma_start3A_231 : memref<1024xf32, #tpu.memory_space<vmem>>) target_semaphore(%arg16 : memref<!tpu.dma_semaphore, #tpu.memory_space<semaphore_mem>>)
        %dma_start3A_233 = arith.constant 0 : i32
        %dma_start3A_234 = tpu.memref_slice %arg10[%dma_start3A_233] : memref<2048xf32, #tpu.memory_space<vmem>> -> memref<1024xf32, #tpu.memory_space<vmem>>
        %dma_start3A_235 = tpu.memref_slice %arg4[%add3A_220] : memref<2097152xf32, #tpu.memory_space<hbm>> -> memref<1024xf32, #tpu.memory_space<hbm>>
        %dma_start3A_236 = arith.constant 0 : i32
        %dma_start3A_237 = tpu.memref_slice %arg10[%dma_start3A_236] : memref<2048xf32, #tpu.memory_space<vmem>> -> memref<1024xf32, #tpu.memory_space<vmem>>
        %dma_start3A_238 = tpu.memref_slice %arg4[%add3A_220] : memref<2097152xf32, #tpu.memory_space<hbm>> -> memref<1024xf32, #tpu.memory_space<hbm>>
        tpu.enqueue_dma source(%dma_start3A_238 : memref<1024xf32, #tpu.memory_space<hbm>>) target(%dma_start3A_237 : memref<1024xf32, #tpu.memory_space<vmem>>) target_semaphore(%arg16 : memref<!tpu.dma_semaphore, #tpu.memory_space<semaphore_mem>>)
      } else {
      }
      %scan3A_179 = arith.constant 0 : i32
      %scan3A_180 = arith.constant 8 : i32
      %scan3A_181 = arith.addi %scan3A_179, %scan3A_180 : i32
      %scan3A_182 = arith.constant 1 : i32
      scf.for %scan3A_216 = %scan3A_179 to %scan3A_181 step %scan3A_182  : i32 {
        %mul3A_217 = arith.constant 1 : i32
        %mul3A_218 = arith.muli %scan3A_216, %mul3A_217 : i32
        %add3A_219 = arith.constant 0 : i32
        %add3A_220 = arith.addi %add3A_219, %mul3A_218 : i32
        %scan3A_221 = arith.constant 0 : i32
        %scan3A_222 = arith.constant 8 : i32
        %scan3A_223 = arith.addi %scan3A_221, %scan3A_222 : i32
        %scan3A_224 = arith.constant 1 : i32
        scf.for %scan3A_240 = %scan3A_221 to %scan3A_223 step %scan3A_224  : i32 {
          %mul3A_241 = arith.constant 1 : i32
          %mul3A_242 = arith.muli %scan3A_240, %mul3A_241 : i32
          %add3A_243 = arith.constant 0 : i32
          %add3A_244 = arith.addi %add3A_243, %mul3A_242 : i32
          %mul3A_245 = arith.constant 128 : i32
          %mul3A_246 = arith.muli %add3A_220, %mul3A_245 : i32
          %mul3A_247 = arith.constant 16 : i32
          %mul3A_248 = arith.muli %add3A_244, %mul3A_247 : i32
          %add3A_249 = arith.addi %mul3A_246, %mul3A_248 : i32
          %add3A_250 = arith.constant 1024 : i32
          %add3A_251 = arith.addi %add3A_250, %add3A_249 : i32
          %get3A = arith.index_cast %add3A_251 : i32 to index
          %get3A_252 = tpu.vector_load %arg8[%get3A] {strides = array<i32>} : memref<2048xf32, #tpu.memory_space<vmem>>, vector<16xf32>,
          %add3A_253 = arith.constant 1024 : i32
          %add3A_254 = arith.addi %add3A_253, %add3A_249 : i32
          %get3A_255 = arith.index_cast %add3A_254 : i32 to index
          %get3A_256 = tpu.vector_load %arg9[%get3A_255] {strides = array<i32>} : memref<2048xf32, #tpu.memory_space<vmem>>, vector<16xf32>,
          %add3A_257 = arith.constant 1024 : i32
          %add3A_258 = arith.addi %add3A_257, %add3A_249 : i32
          %get3A_259 = arith.index_cast %add3A_258 : i32 to index
          %get3A_260 = tpu.vector_load %arg10[%get3A_259] {strides = array<i32>} : memref<2048xf32, #tpu.memory_space<vmem>>, vector<16xf32>,
          %add3A_261 = arith.constant 1.000000e+00 : f32
          %add3A_262 = vector.broadcast %add3A_261 : f32 to vector<16xf32>
          %add3A_263 = arith.addf %get3A_252, %add3A_262 : vector<16xf32>
          %mul3A_264 = vector.broadcast %scan3A : f32 to vector<16xf32>
          %mul3A_265 = arith.mulf %add3A_263, %mul3A_264 : vector<16xf32>
          %sub3A = arith.constant 5.000000e-01 : f32
          %sub3A_266 = vector.broadcast %sub3A : f32 to vector<16xf32>
          %sub3A_267 = arith.subf %mul3A_265, %sub3A_266 : vector<16xf32>
          %jit3A = arith.constant 0.000000e+00 : f32
          %max3A = vector.broadcast %jit3A : f32 to vector<16xf32>
          %max3A_268 = arith.maximumf %max3A, %sub3A_267 : vector<16xf32>
          %min3A = vector.broadcast %scan3A_32 : f32 to vector<16xf32>
          %min3A_269 = arith.minimumf %min3A, %max3A_268 : vector<16xf32>
          %add3A_270 = arith.constant 1.000000e+00 : f32
          %add3A_271 = vector.broadcast %add3A_270 : f32 to vector<16xf32>
          %add3A_272 = arith.addf %get3A_256, %add3A_271 : vector<16xf32>
          %mul3A_273 = vector.broadcast %scan3A : f32 to vector<16xf32>
          %mul3A_274 = arith.mulf %add3A_272, %mul3A_273 : vector<16xf32>
          %sub3A_275 = arith.constant 5.000000e-01 : f32
          %sub3A_276 = vector.broadcast %sub3A_275 : f32 to vector<16xf32>
          %sub3A_277 = arith.subf %mul3A_274, %sub3A_276 : vector<16xf32>
          %jit3A_278 = arith.constant 0.000000e+00 : f32
          %max3A_279 = vector.broadcast %jit3A_278 : f32 to vector<16xf32>
          %max3A_280 = arith.maximumf %max3A_279, %sub3A_277 : vector<16xf32>
          %min3A_281 = vector.broadcast %scan3A_32 : f32 to vector<16xf32>
          %min3A_282 = arith.minimumf %min3A_281, %max3A_280 : vector<16xf32>
          %add3A_283 = arith.constant 1.000000e+00 : f32
          %add3A_284 = vector.broadcast %add3A_283 : f32 to vector<16xf32>
          %add3A_285 = arith.addf %get3A_260, %add3A_284 : vector<16xf32>
          %mul3A_286 = vector.broadcast %scan3A : f32 to vector<16xf32>
          %mul3A_287 = arith.mulf %add3A_285, %mul3A_286 : vector<16xf32>
          %sub3A_288 = arith.constant 5.000000e-01 : f32
          %sub3A_289 = vector.broadcast %sub3A_288 : f32 to vector<16xf32>
          %sub3A_290 = arith.subf %mul3A_287, %sub3A_289 : vector<16xf32>
          %jit3A_291 = arith.constant 0.000000e+00 : f32
          %max3A_292 = vector.broadcast %jit3A_291 : f32 to vector<16xf32>
          %max3A_293 = arith.maximumf %max3A_292, %sub3A_290 : vector<16xf32>
          %min3A_294 = vector.broadcast %scan3A_32 : f32 to vector<16xf32>
          %min3A_295 = arith.minimumf %min3A_294, %max3A_293 : vector<16xf32>
          %convert_element_type3A_296 = arith.fptosi %min3A_269 : vector<16xf32> to vector<16xi32>
          %convert_element_type3A_297 = arith.fptosi %min3A_282 : vector<16xf32> to vector<16xi32>
          %convert_element_type3A_298 = arith.fptosi %min3A_295 : vector<16xf32> to vector<16xi32>
          %convert_element_type3A_299 = arith.sitofp %convert_element_type3A_296 : vector<16xi32> to vector<16xf32>
          %sub3A_300 = arith.subf %min3A_269, %convert_element_type3A_299 : vector<16xf32>
          %convert_element_type3A_301 = arith.sitofp %convert_element_type3A_297 : vector<16xi32> to vector<16xf32>
          %sub3A_302 = arith.subf %min3A_282, %convert_element_type3A_301 : vector<16xf32>
          %convert_element_type3A_303 = arith.sitofp %convert_element_type3A_298 : vector<16xi32> to vector<16xf32>
          %sub3A_304 = arith.subf %min3A_295, %convert_element_type3A_303 : vector<16xf32>
          %mul3A_305 = arith.constant 128 : i32
          %mul3A_306 = vector.broadcast %mul3A_305 : i32 to vector<16xi32>
          %mul3A_307 = arith.muli %convert_element_type3A_298, %mul3A_306 : vector<16xi32>
          %add3A_308 = arith.addi %mul3A_307, %convert_element_type3A_297 : vector<16xi32>
          %mul3A_309 = arith.constant 128 : i32
          %mul3A_310 = vector.broadcast %mul3A_309 : i32 to vector<16xi32>
          %mul3A_311 = arith.muli %add3A_308, %mul3A_310 : vector<16xi32>
          %add3A_312 = arith.addi %mul3A_311, %convert_element_type3A_296 : vector<16xi32>
          %add3A_313 = arith.constant 8 : i32
          %add3A_314 = arith.addi %add3A_313, %add3A_220 : i32
          %mul3A_315 = arith.constant 16 : i32
          %mul3A_316 = arith.muli %add3A_244, %mul3A_315 : i32
          %swap3A = arith.index_cast %add3A_314 : i32 to index
          %swap3A_317 = arith.index_cast %mul3A_316 : i32 to index
          %swap3A_318 = tpu.vector_load %arg12[%swap3A, %swap3A_317] {strides = array<i32>} : memref<16x128xi32, #tpu.memory_space<vmem>>, vector<16xi32>,
          tpu.vector_store %arg12[%swap3A, %swap3A_317], %add3A_312 {strides = array<i32>} : memref<16x128xi32, #tpu.memory_space<vmem>>, vector<16xi32>,
          %add3A_319 = arith.constant 3072 : i32
          %add3A_320 = arith.addi %add3A_319, %add3A_249 : i32
          %swap3A_321 = arith.index_cast %add3A_320 : i32 to index
          %swap3A_322 = tpu.vector_load %arg11[%swap3A_321] {strides = array<i32>} : memref<6144xf32, #tpu.memory_space<vmem>>, vector<16xf32>,
          tpu.vector_store %arg11[%swap3A_321], %sub3A_300 {strides = array<i32>} : memref<6144xf32, #tpu.memory_space<vmem>>, vector<16xf32>,
          %add3A_323 = arith.constant 4096 : i32
          %add3A_324 = arith.addi %add3A_323, %add3A_249 : i32
          %swap3A_325 = arith.index_cast %add3A_324 : i32 to index
          %swap3A_326 = tpu.vector_load %arg11[%swap3A_325] {strides = array<i32>} : memref<6144xf32, #tpu.memory_space<vmem>>, vector<16xf32>,
          tpu.vector_store %arg11[%swap3A_325], %sub3A_302 {strides = array<i32>} : memref<6144xf32, #tpu.memory_space<vmem>>, vector<16xf32>,
          %add3A_327 = arith.constant 5120 : i32
          %add3A_328 = arith.addi %add3A_327, %add3A_249 : i32
          %swap3A_329 = arith.index_cast %add3A_328 : i32 to index
          %swap3A_330 = tpu.vector_load %arg11[%swap3A_329] {strides = array<i32>} : memref<6144xf32, #tpu.memory_space<vmem>>, vector<16xf32>,
          tpu.vector_store %arg11[%swap3A_329], %sub3A_304 {strides = array<i32>} : memref<6144xf32, #tpu.memory_space<vmem>>, vector<16xf32>,
        }
        %scan3A_225 = arith.constant 8 : i32
        %add3A_226 = arith.constant 8 : i32
        %add3A_227 = arith.addi %add3A_226, %add3A_220 : i32
        %mul3A_228 = arith.constant 128 : i32
        %mul3A_229 = arith.muli %add3A_220, %mul3A_228 : i32
        %add3A_230 = arith.constant 1024 : i32
        %add3A_231 = arith.addi %add3A_230, %mul3A_229 : i32
        %dma_start3A_232 = arith.constant 0 : i32
        %dma_start3A_233 = tpu.memref_slice %arg13[%add3A_231, %dma_start3A_232] : memref<2048x32xf32, #tpu.memory_space<vmem>> -> memref<128x32xf32, #tpu.memory_space<vmem>>
        %dma_start3A_234 = arith.constant 0 : i32
        %dma_start3A_235 = tpu.memref_slice %arg12[%add3A_227, %dma_start3A_234] : memref<16x128xi32, #tpu.memory_space<vmem>> -> memref<1x128xi32, #tpu.memory_space<vmem>>
        %dma_start3A_236 = tpu.memref_squeeze %dma_start3A_235 : memref<1x128xi32, #tpu.memory_space<vmem>> -> memref<128xi32, #tpu.memory_space<vmem>>
        %dma_start3A_237 = arith.constant 0 : i32
        %dma_start3A_238 = arith.constant 0 : i32
        %dma_start3A_239 = tpu.memref_slice %arg5[%dma_start3A_237, %dma_start3A_238] : memref<2097152x32xf32, #tpu.memory_space<hbm>> -> memref<2097152x32xf32, #tpu.memory_space<hbm>>
        tpu.enqueue_indirect_dma source(%dma_start3A_239 : memref<2097152x32xf32, #tpu.memory_space<hbm>>) target(%dma_start3A_233 : memref<128x32xf32, #tpu.memory_space<vmem>>) offsets(%dma_start3A_236 : memref<128xi32, #tpu.memory_space<vmem>>) semaphore(%arg18 : memref<!tpu.dma_semaphore, #tpu.memory_space<semaphore_mem>>)
      }
      %scan3A_183 = arith.constant 8 : i32
      %dma_wait3A_184 = arith.constant 0 : i32
      %dma_wait3A_185 = arith.constant 0 : i32
      %dma_wait3A_186 = tpu.memref_slice %arg13[%dma_wait3A_184, %dma_wait3A_185] : memref<2048x32xf32, #tpu.memory_space<vmem>> -> memref<1024x32xf32, #tpu.memory_space<vmem>>
      %dma_wait3A_187 = arith.constant 0 : i32
      %dma_wait3A_188 = arith.constant 0 : i32
      %dma_wait3A_189 = tpu.memref_slice %arg5[%dma_wait3A_187, %dma_wait3A_188] : memref<2097152x32xf32, #tpu.memory_space<hbm>> -> memref<1024x32xf32, #tpu.memory_space<hbm>>
      %dma_wait3A_190 = arith.constant 0 : i32
      %dma_wait3A_191 = arith.constant 0 : i32
      %dma_wait3A_192 = tpu.memref_slice %arg13[%dma_wait3A_190, %dma_wait3A_191] : memref<2048x32xf32, #tpu.memory_space<vmem>> -> memref<1024x32xf32, #tpu.memory_space<vmem>>
      %dma_wait3A_193 = arith.constant 0 : i32
      %dma_wait3A_194 = arith.constant 0 : i32
      %dma_wait3A_195 = tpu.memref_slice %arg5[%dma_wait3A_193, %dma_wait3A_194] : memref<2097152x32xf32, #tpu.memory_space<hbm>> -> memref<1024x32xf32, #tpu.memory_space<hbm>>
      tpu.wait_dma2 semaphore(%arg17 : memref<!tpu.dma_semaphore, #tpu.memory_space<semaphore_mem>>) src(%dma_wait3A_195 : memref<1024x32xf32, #tpu.memory_space<hbm>>) dst(%dma_wait3A_192 : memref<1024x32xf32, #tpu.memory_space<vmem>>)
      %ge3A = arith.constant 2 : i32
      %ge3A_196 = arith.cmpi sge, %mul3A_94, %ge3A : i32
      %convert_element_type3A_197 = arith.extui %ge3A_196 : i1 to i32
      %cond3A_198 = arith.constant 0 : i32
      %cond3A_199 = arith.cmpi ne, %convert_element_type3A_197, %cond3A_198 : i32
      scf.if %cond3A_199 {
        %dma_wait3A_216 = arith.constant 0 : i32
        %dma_wait3A_217 = tpu.memref_slice %arg14[%dma_wait3A_216] : memref<8192xf32, #tpu.memory_space<vmem>> -> memref<4096xf32, #tpu.memory_space<vmem>>
        %dma_wait3A_218 = arith.constant 0 : i32
        %dma_wait3A_219 = tpu.memref_slice %arg7[%dma_wait3A_218] : memref<8388608xf32, #tpu.memory_space<hbm>> -> memref<4096xf32, #tpu.memory_space<hbm>>
        %dma_wait3A_220 = arith.constant 0 : i32
        %dma_wait3A_221 = tpu.memref_slice %arg7[%dma_wait3A_220] : memref<8388608xf32, #tpu.memory_space<hbm>> -> memref<4096xf32, #tpu.memory_space<hbm>>
        %dma_wait3A_222 = arith.constant 0 : i32
        %dma_wait3A_223 = tpu.memref_slice %arg14[%dma_wait3A_222] : memref<8192xf32, #tpu.memory_space<vmem>> -> memref<4096xf32, #tpu.memory_space<vmem>>
        tpu.wait_dma2 semaphore(%arg19 : memref<!tpu.dma_semaphore, #tpu.memory_space<semaphore_mem>>) src(%dma_wait3A_223 : memref<4096xf32, #tpu.memory_space<vmem>>) dst(%dma_wait3A_221 : memref<4096xf32, #tpu.memory_space<hbm>>)
      } else {
      }
      %scan3A_200 = arith.constant 0 : i32
      %scan3A_201 = arith.constant 64 : i32
      %scan3A_202 = arith.addi %scan3A_200, %scan3A_201 : i32
      %scan3A_203 = arith.constant 1 : i32
      scf.for %scan3A_216 = %scan3A_200 to %scan3A_202 step %scan3A_203  : i32 {
        %mul3A_217 = arith.constant 1 : i32
        %mul3A_218 = arith.muli %scan3A_216, %mul3A_217 : i32
        %add3A_219 = arith.constant 0 : i32
        %add3A_220 = arith.addi %add3A_219, %mul3A_218 : i32
        %mul3A_221 = arith.constant 16 : i32
        %mul3A_222 = arith.muli %add3A_220, %mul3A_221 : i32
        %add3A_223 = arith.constant 0 : i32
        %add3A_224 = arith.addi %add3A_223, %mul3A_222 : i32
        %get3A = arith.index_cast %add3A_224 : i32 to index
        %get3A_225 = tpu.vector_load %arg11[%get3A] {strides = array<i32>} : memref<6144xf32, #tpu.memory_space<vmem>>, vector<16xf32>,
        %add3A_226 = arith.constant 1024 : i32
        %add3A_227 = arith.addi %add3A_226, %mul3A_222 : i32
        %get3A_228 = arith.index_cast %add3A_227 : i32 to index
        %get3A_229 = tpu.vector_load %arg11[%get3A_228] {strides = array<i32>} : memref<6144xf32, #tpu.memory_space<vmem>>, vector<16xf32>,
        %add3A_230 = arith.constant 2048 : i32
        %add3A_231 = arith.addi %add3A_230, %mul3A_222 : i32
        %get3A_232 = arith.index_cast %add3A_231 : i32 to index
        %get3A_233 = tpu.vector_load %arg11[%get3A_232] {strides = array<i32>} : memref<6144xf32, #tpu.memory_space<vmem>>, vector<16xf32>,
        %add3A_234 = arith.constant 0 : i32
        %add3A_235 = arith.addi %add3A_234, %mul3A_222 : i32
        %add3A_236 = vector.broadcast %add3A_235 : i32 to vector<16xi32>
        %add3A_237 = arith.addi %add3A_236, %iota3A : vector<16xi32>
        %sub3A = arith.constant 1.000000e+00 : f32
        %sub3A_238 = vector.broadcast %sub3A : f32 to vector<16xf32>
        %sub3A_239 = arith.subf %sub3A_238, %get3A_225 : vector<16xf32>
        %sub3A_240 = arith.constant 1.000000e+00 : f32
        %sub3A_241 = vector.broadcast %sub3A_240 : f32 to vector<16xf32>
        %sub3A_242 = arith.subf %sub3A_241, %get3A_229 : vector<16xf32>
        %sub3A_243 = arith.constant 1.000000e+00 : f32
        %sub3A_244 = vector.broadcast %sub3A_243 : f32 to vector<16xf32>
        %sub3A_245 = arith.subf %sub3A_244, %get3A_233 : vector<16xf32>
        %mul3A_246 = arith.mulf %sub3A_245, %sub3A_242 : vector<16xf32>
        %mul3A_247 = arith.mulf %sub3A_245, %get3A_229 : vector<16xf32>
        %mul3A_248 = arith.mulf %get3A_233, %sub3A_242 : vector<16xf32>
        %mul3A_249 = arith.mulf %get3A_233, %get3A_229 : vector<16xf32>
        %mul3A_250 = arith.mulf %mul3A_246, %sub3A_239 : vector<16xf32>
        %mul3A_251 = arith.mulf %mul3A_246, %get3A_225 : vector<16xf32>
        %mul3A_252 = arith.mulf %mul3A_247, %sub3A_239 : vector<16xf32>
        %mul3A_253 = arith.mulf %mul3A_247, %get3A_225 : vector<16xf32>
        %mul3A_254 = arith.mulf %mul3A_248, %sub3A_239 : vector<16xf32>
        %mul3A_255 = arith.mulf %mul3A_248, %get3A_225 : vector<16xf32>
        %mul3A_256 = arith.mulf %mul3A_249, %sub3A_239 : vector<16xf32>
        %mul3A_257 = arith.mulf %mul3A_249, %get3A_225 : vector<16xf32>
        %shift_right_arithmetic3A = arith.constant 7 : i32
        %shift_right_arithmetic3A_258 = arith.shrsi %mul3A_222, %shift_right_arithmetic3A : i32
        %mul3A_259 = arith.constant 512 : i32
        %mul3A_260 = arith.muli %shift_right_arithmetic3A_258, %mul3A_259 : i32
        %add3A_261 = arith.constant 0 : i32
        %add3A_262 = arith.addi %add3A_261, %mul3A_260 : i32
        %and3A = arith.constant 127 : i32
        %and3A_263 = arith.andi %mul3A_222, %and3A : i32
        %add3A_264 = arith.addi %add3A_262, %and3A_263 : i32
        %broadcast_in_dim3A_265 = arith.constant 0 : i32
        %broadcast_in_dim3A_266 = vector.broadcast %broadcast_in_dim3A_265 : i32 to vector<16xi32>
        %gather3A_267 = tpu.vector_load_idx %arg13[%add3A_237, %broadcast_in_dim3A_266] : memref<2048x32xf32, #tpu.memory_space<vmem>>[vector<16xi32>, vector<16xi32>], vector<16xf32>,
        %mul3A_268 = arith.mulf %mul3A_250, %gather3A_267 : vector<16xf32>
        %add3A_269 = arith.addf %gather3A, %mul3A_268 : vector<16xf32>
        %broadcast_in_dim3A_270 = arith.constant 4 : i32
        %broadcast_in_dim3A_271 = vector.broadcast %broadcast_in_dim3A_270 : i32 to vector<16xi32>
        %gather3A_272 = tpu.vector_load_idx %arg13[%add3A_237, %broadcast_in_dim3A_271] : memref<2048x32xf32, #tpu.memory_space<vmem>>[vector<16xi32>, vector<16xi32>], vector<16xf32>,
        %mul3A_273 = arith.mulf %mul3A_251, %gather3A_272 : vector<16xf32>
        %add3A_274 = arith.addf %add3A_269, %mul3A_273 : vector<16xf32>
        %broadcast_in_dim3A_275 = arith.constant 8 : i32
        %broadcast_in_dim3A_276 = vector.broadcast %broadcast_in_dim3A_275 : i32 to vector<16xi32>
        %gather3A_277 = tpu.vector_load_idx %arg13[%add3A_237, %broadcast_in_dim3A_276] : memref<2048x32xf32, #tpu.memory_space<vmem>>[vector<16xi32>, vector<16xi32>], vector<16xf32>,
        %mul3A_278 = arith.mulf %mul3A_252, %gather3A_277 : vector<16xf32>
        %add3A_279 = arith.addf %add3A_274, %mul3A_278 : vector<16xf32>
        %broadcast_in_dim3A_280 = arith.constant 12 : i32
        %broadcast_in_dim3A_281 = vector.broadcast %broadcast_in_dim3A_280 : i32 to vector<16xi32>
        %gather3A_282 = tpu.vector_load_idx %arg13[%add3A_237, %broadcast_in_dim3A_281] : memref<2048x32xf32, #tpu.memory_space<vmem>>[vector<16xi32>, vector<16xi32>], vector<16xf32>,
        %mul3A_283 = arith.mulf %mul3A_253, %gather3A_282 : vector<16xf32>
        %add3A_284 = arith.addf %add3A_279, %mul3A_283 : vector<16xf32>
        %broadcast_in_dim3A_285 = arith.constant 16 : i32
        %broadcast_in_dim3A_286 = vector.broadcast %broadcast_in_dim3A_285 : i32 to vector<16xi32>
        %gather3A_287 = tpu.vector_load_idx %arg13[%add3A_237, %broadcast_in_dim3A_286] : memref<2048x32xf32, #tpu.memory_space<vmem>>[vector<16xi32>, vector<16xi32>], vector<16xf32>,
        %mul3A_288 = arith.mulf %mul3A_254, %gather3A_287 : vector<16xf32>
        %add3A_289 = arith.addf %add3A_284, %mul3A_288 : vector<16xf32>
        %broadcast_in_dim3A_290 = arith.constant 20 : i32
        %broadcast_in_dim3A_291 = vector.broadcast %broadcast_in_dim3A_290 : i32 to vector<16xi32>
        %gather3A_292 = tpu.vector_load_idx %arg13[%add3A_237, %broadcast_in_dim3A_291] : memref<2048x32xf32, #tpu.memory_space<vmem>>[vector<16xi32>, vector<16xi32>], vector<16xf32>,
        %mul3A_293 = arith.mulf %mul3A_255, %gather3A_292 : vector<16xf32>
        %add3A_294 = arith.addf %add3A_289, %mul3A_293 : vector<16xf32>
        %broadcast_in_dim3A_295 = arith.constant 24 : i32
        %broadcast_in_dim3A_296 = vector.broadcast %broadcast_in_dim3A_295 : i32 to vector<16xi32>
        %gather3A_297 = tpu.vector_load_idx %arg13[%add3A_237, %broadcast_in_dim3A_296] : memref<2048x32xf32, #tpu.memory_space<vmem>>[vector<16xi32>, vector<16xi32>], vector<16xf32>,
        %mul3A_298 = arith.mulf %mul3A_256, %gather3A_297 : vector<16xf32>
        %add3A_299 = arith.addf %add3A_294, %mul3A_298 : vector<16xf32>
        %broadcast_in_dim3A_300 = arith.constant 28 : i32
        %broadcast_in_dim3A_301 = vector.broadcast %broadcast_in_dim3A_300 : i32 to vector<16xi32>
        %gather3A_302 = tpu.vector_load_idx %arg13[%add3A_237, %broadcast_in_dim3A_301] : memref<2048x32xf32, #tpu.memory_space<vmem>>[vector<16xi32>, vector<16xi32>], vector<16xf32>,
        %mul3A_303 = arith.mulf %mul3A_257, %gather3A_302 : vector<16xf32>
        %add3A_304 = arith.addf %add3A_299, %mul3A_303 : vector<16xf32>
        %add3A_305 = arith.constant 0 : i32
        %add3A_306 = arith.addi %add3A_264, %add3A_305 : i32
        %swap3A = arith.index_cast %add3A_306 : i32 to index
        %swap3A_307 = tpu.vector_load %arg14[%swap3A] {strides = array<i32>} : memref<8192xf32, #tpu.memory_space<vmem>>, vector<16xf32>,
        tpu.vector_store %arg14[%swap3A], %add3A_304 {strides = array<i32>} : memref<8192xf32, #tpu.memory_space<vmem>>, vector<16xf32>,
        %broadcast_in_dim3A_308 = arith.constant 1 : i32
        %broadcast_in_dim3A_309 = vector.broadcast %broadcast_in_dim3A_308 : i32 to vector<16xi32>
        %gather3A_310 = tpu.vector_load_idx %arg13[%add3A_237, %broadcast_in_dim3A_309] : memref<2048x32xf32, #tpu.memory_space<vmem>>[vector<16xi32>, vector<16xi32>], vector<16xf32>,
        %mul3A_311 = arith.mulf %mul3A_250, %gather3A_310 : vector<16xf32>
        %add3A_312 = arith.addf %gather3A_6, %mul3A_311 : vector<16xf32>
        %broadcast_in_dim3A_313 = arith.constant 5 : i32
        %broadcast_in_dim3A_314 = vector.broadcast %broadcast_in_dim3A_313 : i32 to vector<16xi32>
        %gather3A_315 = tpu.vector_load_idx %arg13[%add3A_237, %broadcast_in_dim3A_314] : memref<2048x32xf32, #tpu.memory_space<vmem>>[vector<16xi32>, vector<16xi32>], vector<16xf32>,
        %mul3A_316 = arith.mulf %mul3A_251, %gather3A_315 : vector<16xf32>
        %add3A_317 = arith.addf %add3A_312, %mul3A_316 : vector<16xf32>
        %broadcast_in_dim3A_318 = arith.constant 9 : i32
        %broadcast_in_dim3A_319 = vector.broadcast %broadcast_in_dim3A_318 : i32 to vector<16xi32>
        %gather3A_320 = tpu.vector_load_idx %arg13[%add3A_237, %broadcast_in_dim3A_319] : memref<2048x32xf32, #tpu.memory_space<vmem>>[vector<16xi32>, vector<16xi32>], vector<16xf32>,
        %mul3A_321 = arith.mulf %mul3A_252, %gather3A_320 : vector<16xf32>
        %add3A_322 = arith.addf %add3A_317, %mul3A_321 : vector<16xf32>
        %broadcast_in_dim3A_323 = arith.constant 13 : i32
        %broadcast_in_dim3A_324 = vector.broadcast %broadcast_in_dim3A_323 : i32 to vector<16xi32>
        %gather3A_325 = tpu.vector_load_idx %arg13[%add3A_237, %broadcast_in_dim3A_324] : memref<2048x32xf32, #tpu.memory_space<vmem>>[vector<16xi32>, vector<16xi32>], vector<16xf32>,
        %mul3A_326 = arith.mulf %mul3A_253, %gather3A_325 : vector<16xf32>
        %add3A_327 = arith.addf %add3A_322, %mul3A_326 : vector<16xf32>
        %broadcast_in_dim3A_328 = arith.constant 17 : i32
        %broadcast_in_dim3A_329 = vector.broadcast %broadcast_in_dim3A_328 : i32 to vector<16xi32>
        %gather3A_330 = tpu.vector_load_idx %arg13[%add3A_237, %broadcast_in_dim3A_329] : memref<2048x32xf32, #tpu.memory_space<vmem>>[vector<16xi32>, vector<16xi32>], vector<16xf32>,
        %mul3A_331 = arith.mulf %mul3A_254, %gather3A_330 : vector<16xf32>
        %add3A_332 = arith.addf %add3A_327, %mul3A_331 : vector<16xf32>
        %broadcast_in_dim3A_333 = arith.constant 21 : i32
        %broadcast_in_dim3A_334 = vector.broadcast %broadcast_in_dim3A_333 : i32 to vector<16xi32>
        %gather3A_335 = tpu.vector_load_idx %arg13[%add3A_237, %broadcast_in_dim3A_334] : memref<2048x32xf32, #tpu.memory_space<vmem>>[vector<16xi32>, vector<16xi32>], vector<16xf32>,
        %mul3A_336 = arith.mulf %mul3A_255, %gather3A_335 : vector<16xf32>
        %add3A_337 = arith.addf %add3A_332, %mul3A_336 : vector<16xf32>
        %broadcast_in_dim3A_338 = arith.constant 25 : i32
        %broadcast_in_dim3A_339 = vector.broadcast %broadcast_in_dim3A_338 : i32 to vector<16xi32>
        %gather3A_340 = tpu.vector_load_idx %arg13[%add3A_237, %broadcast_in_dim3A_339] : memref<2048x32xf32, #tpu.memory_space<vmem>>[vector<16xi32>, vector<16xi32>], vector<16xf32>,
        %mul3A_341 = arith.mulf %mul3A_256, %gather3A_340 : vector<16xf32>
        %add3A_342 = arith.addf %add3A_337, %mul3A_341 : vector<16xf32>
        %broadcast_in_dim3A_343 = arith.constant 29 : i32
        %broadcast_in_dim3A_344 = vector.broadcast %broadcast_in_dim3A_343 : i32 to vector<16xi32>
        %gather3A_345 = tpu.vector_load_idx %arg13[%add3A_237, %broadcast_in_dim3A_344] : memref<2048x32xf32, #tpu.memory_space<vmem>>[vector<16xi32>, vector<16xi32>], vector<16xf32>,
        %mul3A_346 = arith.mulf %mul3A_257, %gather3A_345 : vector<16xf32>
        %add3A_347 = arith.addf %add3A_342, %mul3A_346 : vector<16xf32>
        %add3A_348 = arith.constant 128 : i32
        %add3A_349 = arith.addi %add3A_264, %add3A_348 : i32
        %swap3A_350 = arith.index_cast %add3A_349 : i32 to index
        %swap3A_351 = tpu.vector_load %arg14[%swap3A_350] {strides = array<i32>} : memref<8192xf32, #tpu.memory_space<vmem>>, vector<16xf32>,
        tpu.vector_store %arg14[%swap3A_350], %add3A_347 {strides = array<i32>} : memref<8192xf32, #tpu.memory_space<vmem>>, vector<16xf32>,
        %broadcast_in_dim3A_352 = arith.constant 2 : i32
        %broadcast_in_dim3A_353 = vector.broadcast %broadcast_in_dim3A_352 : i32 to vector<16xi32>
        %gather3A_354 = tpu.vector_load_idx %arg13[%add3A_237, %broadcast_in_dim3A_353] : memref<2048x32xf32, #tpu.memory_space<vmem>>[vector<16xi32>, vector<16xi32>], vector<16xf32>,
        %mul3A_355 = arith.mulf %mul3A_250, %gather3A_354 : vector<16xf32>
        %add3A_356 = arith.addf %gather3A_9, %mul3A_355 : vector<16xf32>
        %broadcast_in_dim3A_357 = arith.constant 6 : i32
        %broadcast_in_dim3A_358 = vector.broadcast %broadcast_in_dim3A_357 : i32 to vector<16xi32>
        %gather3A_359 = tpu.vector_load_idx %arg13[%add3A_237, %broadcast_in_dim3A_358] : memref<2048x32xf32, #tpu.memory_space<vmem>>[vector<16xi32>, vector<16xi32>], vector<16xf32>,
        %mul3A_360 = arith.mulf %mul3A_251, %gather3A_359 : vector<16xf32>
        %add3A_361 = arith.addf %add3A_356, %mul3A_360 : vector<16xf32>
        %broadcast_in_dim3A_362 = arith.constant 10 : i32
        %broadcast_in_dim3A_363 = vector.broadcast %broadcast_in_dim3A_362 : i32 to vector<16xi32>
        %gather3A_364 = tpu.vector_load_idx %arg13[%add3A_237, %broadcast_in_dim3A_363] : memref<2048x32xf32, #tpu.memory_space<vmem>>[vector<16xi32>, vector<16xi32>], vector<16xf32>,
        %mul3A_365 = arith.mulf %mul3A_252, %gather3A_364 : vector<16xf32>
        %add3A_366 = arith.addf %add3A_361, %mul3A_365 : vector<16xf32>
        %broadcast_in_dim3A_367 = arith.constant 14 : i32
        %broadcast_in_dim3A_368 = vector.broadcast %broadcast_in_dim3A_367 : i32 to vector<16xi32>
        %gather3A_369 = tpu.vector_load_idx %arg13[%add3A_237, %broadcast_in_dim3A_368] : memref<2048x32xf32, #tpu.memory_space<vmem>>[vector<16xi32>, vector<16xi32>], vector<16xf32>,
        %mul3A_370 = arith.mulf %mul3A_253, %gather3A_369 : vector<16xf32>
        %add3A_371 = arith.addf %add3A_366, %mul3A_370 : vector<16xf32>
        %broadcast_in_dim3A_372 = arith.constant 18 : i32
        %broadcast_in_dim3A_373 = vector.broadcast %broadcast_in_dim3A_372 : i32 to vector<16xi32>
        %gather3A_374 = tpu.vector_load_idx %arg13[%add3A_237, %broadcast_in_dim3A_373] : memref<2048x32xf32, #tpu.memory_space<vmem>>[vector<16xi32>, vector<16xi32>], vector<16xf32>,
        %mul3A_375 = arith.mulf %mul3A_254, %gather3A_374 : vector<16xf32>
        %add3A_376 = arith.addf %add3A_371, %mul3A_375 : vector<16xf32>
        %broadcast_in_dim3A_377 = arith.constant 22 : i32
        %broadcast_in_dim3A_378 = vector.broadcast %broadcast_in_dim3A_377 : i32 to vector<16xi32>
        %gather3A_379 = tpu.vector_load_idx %arg13[%add3A_237, %broadcast_in_dim3A_378] : memref<2048x32xf32, #tpu.memory_space<vmem>>[vector<16xi32>, vector<16xi32>], vector<16xf32>,
        %mul3A_380 = arith.mulf %mul3A_255, %gather3A_379 : vector<16xf32>
        %add3A_381 = arith.addf %add3A_376, %mul3A_380 : vector<16xf32>
        %broadcast_in_dim3A_382 = arith.constant 26 : i32
        %broadcast_in_dim3A_383 = vector.broadcast %broadcast_in_dim3A_382 : i32 to vector<16xi32>
        %gather3A_384 = tpu.vector_load_idx %arg13[%add3A_237, %broadcast_in_dim3A_383] : memref<2048x32xf32, #tpu.memory_space<vmem>>[vector<16xi32>, vector<16xi32>], vector<16xf32>,
        %mul3A_385 = arith.mulf %mul3A_256, %gather3A_384 : vector<16xf32>
        %add3A_386 = arith.addf %add3A_381, %mul3A_385 : vector<16xf32>
        %broadcast_in_dim3A_387 = arith.constant 30 : i32
        %broadcast_in_dim3A_388 = vector.broadcast %broadcast_in_dim3A_387 : i32 to vector<16xi32>
        %gather3A_389 = tpu.vector_load_idx %arg13[%add3A_237, %broadcast_in_dim3A_388] : memref<2048x32xf32, #tpu.memory_space<vmem>>[vector<16xi32>, vector<16xi32>], vector<16xf32>,
        %mul3A_390 = arith.mulf %mul3A_257, %gather3A_389 : vector<16xf32>
        %add3A_391 = arith.addf %add3A_386, %mul3A_390 : vector<16xf32>
        %add3A_392 = arith.constant 256 : i32
        %add3A_393 = arith.addi %add3A_264, %add3A_392 : i32
        %swap3A_394 = arith.index_cast %add3A_393 : i32 to index
        %swap3A_395 = tpu.vector_load %arg14[%swap3A_394] {strides = array<i32>} : memref<8192xf32, #tpu.memory_space<vmem>>, vector<16xf32>,
        tpu.vector_store %arg14[%swap3A_394], %add3A_391 {strides = array<i32>} : memref<8192xf32, #tpu.memory_space<vmem>>, vector<16xf32>,
        %broadcast_in_dim3A_396 = arith.constant 3 : i32
        %broadcast_in_dim3A_397 = vector.broadcast %broadcast_in_dim3A_396 : i32 to vector<16xi32>
        %gather3A_398 = tpu.vector_load_idx %arg13[%add3A_237, %broadcast_in_dim3A_397] : memref<2048x32xf32, #tpu.memory_space<vmem>>[vector<16xi32>, vector<16xi32>], vector<16xf32>,
        %mul3A_399 = arith.mulf %mul3A_250, %gather3A_398 : vector<16xf32>
        %add3A_400 = arith.addf %gather3A_12, %mul3A_399 : vector<16xf32>
        %broadcast_in_dim3A_401 = arith.constant 7 : i32
        %broadcast_in_dim3A_402 = vector.broadcast %broadcast_in_dim3A_401 : i32 to vector<16xi32>
        %gather3A_403 = tpu.vector_load_idx %arg13[%add3A_237, %broadcast_in_dim3A_402] : memref<2048x32xf32, #tpu.memory_space<vmem>>[vector<16xi32>, vector<16xi32>], vector<16xf32>,
        %mul3A_404 = arith.mulf %mul3A_251, %gather3A_403 : vector<16xf32>
        %add3A_405 = arith.addf %add3A_400, %mul3A_404 : vector<16xf32>
        %broadcast_in_dim3A_406 = arith.constant 11 : i32
        %broadcast_in_dim3A_407 = vector.broadcast %broadcast_in_dim3A_406 : i32 to vector<16xi32>
        %gather3A_408 = tpu.vector_load_idx %arg13[%add3A_237, %broadcast_in_dim3A_407] : memref<2048x32xf32, #tpu.memory_space<vmem>>[vector<16xi32>, vector<16xi32>], vector<16xf32>,
        %mul3A_409 = arith.mulf %mul3A_252, %gather3A_408 : vector<16xf32>
        %add3A_410 = arith.addf %add3A_405, %mul3A_409 : vector<16xf32>
        %broadcast_in_dim3A_411 = arith.constant 15 : i32
        %broadcast_in_dim3A_412 = vector.broadcast %broadcast_in_dim3A_411 : i32 to vector<16xi32>
        %gather3A_413 = tpu.vector_load_idx %arg13[%add3A_237, %broadcast_in_dim3A_412] : memref<2048x32xf32, #tpu.memory_space<vmem>>[vector<16xi32>, vector<16xi32>], vector<16xf32>,
        %mul3A_414 = arith.mulf %mul3A_253, %gather3A_413 : vector<16xf32>
        %add3A_415 = arith.addf %add3A_410, %mul3A_414 : vector<16xf32>
        %broadcast_in_dim3A_416 = arith.constant 19 : i32
        %broadcast_in_dim3A_417 = vector.broadcast %broadcast_in_dim3A_416 : i32 to vector<16xi32>
        %gather3A_418 = tpu.vector_load_idx %arg13[%add3A_237, %broadcast_in_dim3A_417] : memref<2048x32xf32, #tpu.memory_space<vmem>>[vector<16xi32>, vector<16xi32>], vector<16xf32>,
        %mul3A_419 = arith.mulf %mul3A_254, %gather3A_418 : vector<16xf32>
        %add3A_420 = arith.addf %add3A_415, %mul3A_419 : vector<16xf32>
        %broadcast_in_dim3A_421 = arith.constant 23 : i32
        %broadcast_in_dim3A_422 = vector.broadcast %broadcast_in_dim3A_421 : i32 to vector<16xi32>
        %gather3A_423 = tpu.vector_load_idx %arg13[%add3A_237, %broadcast_in_dim3A_422] : memref<2048x32xf32, #tpu.memory_space<vmem>>[vector<16xi32>, vector<16xi32>], vector<16xf32>,
        %mul3A_424 = arith.mulf %mul3A_255, %gather3A_423 : vector<16xf32>
        %add3A_425 = arith.addf %add3A_420, %mul3A_424 : vector<16xf32>
        %broadcast_in_dim3A_426 = arith.constant 27 : i32
        %broadcast_in_dim3A_427 = vector.broadcast %broadcast_in_dim3A_426 : i32 to vector<16xi32>
        %gather3A_428 = tpu.vector_load_idx %arg13[%add3A_237, %broadcast_in_dim3A_427] : memref<2048x32xf32, #tpu.memory_space<vmem>>[vector<16xi32>, vector<16xi32>], vector<16xf32>,
        %mul3A_429 = arith.mulf %mul3A_256, %gather3A_428 : vector<16xf32>
        %add3A_430 = arith.addf %add3A_425, %mul3A_429 : vector<16xf32>
        %broadcast_in_dim3A_431 = arith.constant 31 : i32
        %broadcast_in_dim3A_432 = vector.broadcast %broadcast_in_dim3A_431 : i32 to vector<16xi32>
        %gather3A_433 = tpu.vector_load_idx %arg13[%add3A_237, %broadcast_in_dim3A_432] : memref<2048x32xf32, #tpu.memory_space<vmem>>[vector<16xi32>, vector<16xi32>], vector<16xf32>,
        %mul3A_434 = arith.mulf %mul3A_257, %gather3A_433 : vector<16xf32>
        %add3A_435 = arith.addf %add3A_430, %mul3A_434 : vector<16xf32>
        %add3A_436 = arith.constant 384 : i32
        %add3A_437 = arith.addi %add3A_264, %add3A_436 : i32
        %swap3A_438 = arith.index_cast %add3A_437 : i32 to index
        %swap3A_439 = tpu.vector_load %arg14[%swap3A_438] {strides = array<i32>} : memref<8192xf32, #tpu.memory_space<vmem>>, vector<16xf32>,
        tpu.vector_store %arg14[%swap3A_438], %add3A_435 {strides = array<i32>} : memref<8192xf32, #tpu.memory_space<vmem>>, vector<16xf32>,
      }
      %scan3A_204 = arith.constant 64 : i32
      %mul3A_205 = arith.constant 1024 : i32
      %mul3A_206 = arith.muli %mul3A_94, %mul3A_205 : i32
      %add3A_207 = arith.addi %mul3A_2, %mul3A_206 : i32
      %mul3A_208 = arith.constant 4 : i32
      %mul3A_209 = arith.muli %add3A_207, %mul3A_208 : i32
      %dma_start3A_210 = arith.constant 0 : i32
      %dma_start3A_211 = tpu.memref_slice %arg14[%dma_start3A_210] : memref<8192xf32, #tpu.memory_space<vmem>> -> memref<4096xf32, #tpu.memory_space<vmem>>
      %dma_start3A_212 = tpu.memref_slice %arg7[%mul3A_209] : memref<8388608xf32, #tpu.memory_space<hbm>> -> memref<4096xf32, #tpu.memory_space<hbm>>
      %dma_start3A_213 = tpu.memref_slice %arg7[%mul3A_209] : memref<8388608xf32, #tpu.memory_space<hbm>> -> memref<4096xf32, #tpu.memory_space<hbm>>
      %dma_start3A_214 = arith.constant 0 : i32
      %dma_start3A_215 = tpu.memref_slice %arg14[%dma_start3A_214] : memref<8192xf32, #tpu.memory_space<vmem>> -> memref<4096xf32, #tpu.memory_space<vmem>>
      tpu.enqueue_dma source(%dma_start3A_215 : memref<4096xf32, #tpu.memory_space<vmem>>) target(%dma_start3A_213 : memref<4096xf32, #tpu.memory_space<hbm>>) target_semaphore(%arg19 : memref<!tpu.dma_semaphore, #tpu.memory_space<semaphore_mem>>)
    }
    %scan3A_37 = arith.constant 32 : i32
    %dma_wait3A = arith.constant 1024 : i32
    %dma_wait3A_38 = arith.constant 0 : i32
    %dma_wait3A_39 = tpu.memref_slice %arg13[%dma_wait3A, %dma_wait3A_38] : memref<2048x32xf32, #tpu.memory_space<vmem>> -> memref<1024x32xf32, #tpu.memory_space<vmem>>
    %dma_wait3A_40 = arith.constant 0 : i32
    %dma_wait3A_41 = arith.constant 0 : i32
    %dma_wait3A_42 = tpu.memref_slice %arg5[%dma_wait3A_40, %dma_wait3A_41] : memref<2097152x32xf32, #tpu.memory_space<hbm>> -> memref<1024x32xf32, #tpu.memory_space<hbm>>
    %dma_wait3A_43 = arith.constant 1024 : i32
    %dma_wait3A_44 = arith.constant 0 : i32
    %dma_wait3A_45 = tpu.memref_slice %arg13[%dma_wait3A_43, %dma_wait3A_44] : memref<2048x32xf32, #tpu.memory_space<vmem>> -> memref<1024x32xf32, #tpu.memory_space<vmem>>
    %dma_wait3A_46 = arith.constant 0 : i32
    %dma_wait3A_47 = arith.constant 0 : i32
    %dma_wait3A_48 = tpu.memref_slice %arg5[%dma_wait3A_46, %dma_wait3A_47] : memref<2097152x32xf32, #tpu.memory_space<hbm>> -> memref<1024x32xf32, #tpu.memory_space<hbm>>
    tpu.wait_dma2 semaphore(%arg18 : memref<!tpu.dma_semaphore, #tpu.memory_space<semaphore_mem>>) src(%dma_wait3A_48 : memref<1024x32xf32, #tpu.memory_space<hbm>>) dst(%dma_wait3A_45 : memref<1024x32xf32, #tpu.memory_space<vmem>>)
    %dma_wait3A_49 = arith.constant 4096 : i32
    %dma_wait3A_50 = tpu.memref_slice %arg14[%dma_wait3A_49] : memref<8192xf32, #tpu.memory_space<vmem>> -> memref<4096xf32, #tpu.memory_space<vmem>>
    %dma_wait3A_51 = arith.constant 0 : i32
    %dma_wait3A_52 = tpu.memref_slice %arg7[%dma_wait3A_51] : memref<8388608xf32, #tpu.memory_space<hbm>> -> memref<4096xf32, #tpu.memory_space<hbm>>
    %dma_wait3A_53 = arith.constant 0 : i32
    %dma_wait3A_54 = tpu.memref_slice %arg7[%dma_wait3A_53] : memref<8388608xf32, #tpu.memory_space<hbm>> -> memref<4096xf32, #tpu.memory_space<hbm>>
    %dma_wait3A_55 = arith.constant 4096 : i32
    %dma_wait3A_56 = tpu.memref_slice %arg14[%dma_wait3A_55] : memref<8192xf32, #tpu.memory_space<vmem>> -> memref<4096xf32, #tpu.memory_space<vmem>>
    tpu.wait_dma2 semaphore(%arg20 : memref<!tpu.dma_semaphore, #tpu.memory_space<semaphore_mem>>) src(%dma_wait3A_56 : memref<4096xf32, #tpu.memory_space<vmem>>) dst(%dma_wait3A_54 : memref<4096xf32, #tpu.memory_space<hbm>>)
    %scan3A_57 = arith.constant 0 : i32
    %scan3A_58 = arith.constant 64 : i32
    %scan3A_59 = arith.addi %scan3A_57, %scan3A_58 : i32
    %scan3A_60 = arith.constant 1 : i32
    scf.for %scan3A_88 = %scan3A_57 to %scan3A_59 step %scan3A_60  : i32 {
      %mul3A_89 = arith.constant 1 : i32
      %mul3A_90 = arith.muli %scan3A_88, %mul3A_89 : i32
      %add3A_91 = arith.constant 0 : i32
      %add3A_92 = arith.addi %add3A_91, %mul3A_90 : i32
      %mul3A_93 = arith.constant 16 : i32
      %mul3A_94 = arith.muli %add3A_92, %mul3A_93 : i32
      %add3A_95 = arith.constant 3072 : i32
      %add3A_96 = arith.addi %add3A_95, %mul3A_94 : i32
      %get3A = arith.index_cast %add3A_96 : i32 to index
      %get3A_97 = tpu.vector_load %arg11[%get3A] {strides = array<i32>} : memref<6144xf32, #tpu.memory_space<vmem>>, vector<16xf32>,
      %add3A_98 = arith.constant 4096 : i32
      %add3A_99 = arith.addi %add3A_98, %mul3A_94 : i32
      %get3A_100 = arith.index_cast %add3A_99 : i32 to index
      %get3A_101 = tpu.vector_load %arg11[%get3A_100] {strides = array<i32>} : memref<6144xf32, #tpu.memory_space<vmem>>, vector<16xf32>,
      %add3A_102 = arith.constant 5120 : i32
      %add3A_103 = arith.addi %add3A_102, %mul3A_94 : i32
      %get3A_104 = arith.index_cast %add3A_103 : i32 to index
      %get3A_105 = tpu.vector_load %arg11[%get3A_104] {strides = array<i32>} : memref<6144xf32, #tpu.memory_space<vmem>>, vector<16xf32>,
      %add3A_106 = arith.constant 1024 : i32
      %add3A_107 = arith.addi %add3A_106, %mul3A_94 : i32
      %add3A_108 = vector.broadcast %add3A_107 : i32 to vector<16xi32>
      %add3A_109 = arith.addi %add3A_108, %iota3A : vector<16xi32>
      %sub3A = arith.constant 1.000000e+00 : f32
      %sub3A_110 = vector.broadcast %sub3A : f32 to vector<16xf32>
      %sub3A_111 = arith.subf %sub3A_110, %get3A_97 : vector<16xf32>
      %sub3A_112 = arith.constant 1.000000e+00 : f32
      %sub3A_113 = vector.broadcast %sub3A_112 : f32 to vector<16xf32>
      %sub3A_114 = arith.subf %sub3A_113, %get3A_101 : vector<16xf32>
      %sub3A_115 = arith.constant 1.000000e+00 : f32
      %sub3A_116 = vector.broadcast %sub3A_115 : f32 to vector<16xf32>
      %sub3A_117 = arith.subf %sub3A_116, %get3A_105 : vector<16xf32>
      %mul3A_118 = arith.mulf %sub3A_117, %sub3A_114 : vector<16xf32>
      %mul3A_119 = arith.mulf %sub3A_117, %get3A_101 : vector<16xf32>
      %mul3A_120 = arith.mulf %get3A_105, %sub3A_114 : vector<16xf32>
      %mul3A_121 = arith.mulf %get3A_105, %get3A_101 : vector<16xf32>
      %mul3A_122 = arith.mulf %mul3A_118, %sub3A_111 : vector<16xf32>
      %mul3A_123 = arith.mulf %mul3A_118, %get3A_97 : vector<16xf32>
      %mul3A_124 = arith.mulf %mul3A_119, %sub3A_111 : vector<16xf32>
      %mul3A_125 = arith.mulf %mul3A_119, %get3A_97 : vector<16xf32>
      %mul3A_126 = arith.mulf %mul3A_120, %sub3A_111 : vector<16xf32>
      %mul3A_127 = arith.mulf %mul3A_120, %get3A_97 : vector<16xf32>
      %mul3A_128 = arith.mulf %mul3A_121, %sub3A_111 : vector<16xf32>
      %mul3A_129 = arith.mulf %mul3A_121, %get3A_97 : vector<16xf32>
      %shift_right_arithmetic3A = arith.constant 7 : i32
      %shift_right_arithmetic3A_130 = arith.shrsi %mul3A_94, %shift_right_arithmetic3A : i32
      %mul3A_131 = arith.constant 512 : i32
      %mul3A_132 = arith.muli %shift_right_arithmetic3A_130, %mul3A_131 : i32
      %add3A_133 = arith.constant 4096 : i32
      %add3A_134 = arith.addi %add3A_133, %mul3A_132 : i32
      %and3A = arith.constant 127 : i32
      %and3A_135 = arith.andi %mul3A_94, %and3A : i32
      %add3A_136 = arith.addi %add3A_134, %and3A_135 : i32
      %broadcast_in_dim3A_137 = arith.constant 0 : i32
      %broadcast_in_dim3A_138 = vector.broadcast %broadcast_in_dim3A_137 : i32 to vector<16xi32>
      %gather3A_139 = tpu.vector_load_idx %arg13[%add3A_109, %broadcast_in_dim3A_138] : memref<2048x32xf32, #tpu.memory_space<vmem>>[vector<16xi32>, vector<16xi32>], vector<16xf32>,
      %mul3A_140 = arith.mulf %mul3A_122, %gather3A_139 : vector<16xf32>
      %add3A_141 = arith.addf %gather3A, %mul3A_140 : vector<16xf32>
      %broadcast_in_dim3A_142 = arith.constant 4 : i32
      %broadcast_in_dim3A_143 = vector.broadcast %broadcast_in_dim3A_142 : i32 to vector<16xi32>
      %gather3A_144 = tpu.vector_load_idx %arg13[%add3A_109, %broadcast_in_dim3A_143] : memref<2048x32xf32, #tpu.memory_space<vmem>>[vector<16xi32>, vector<16xi32>], vector<16xf32>,
      %mul3A_145 = arith.mulf %mul3A_123, %gather3A_144 : vector<16xf32>
      %add3A_146 = arith.addf %add3A_141, %mul3A_145 : vector<16xf32>
      %broadcast_in_dim3A_147 = arith.constant 8 : i32
      %broadcast_in_dim3A_148 = vector.broadcast %broadcast_in_dim3A_147 : i32 to vector<16xi32>
      %gather3A_149 = tpu.vector_load_idx %arg13[%add3A_109, %broadcast_in_dim3A_148] : memref<2048x32xf32, #tpu.memory_space<vmem>>[vector<16xi32>, vector<16xi32>], vector<16xf32>,
      %mul3A_150 = arith.mulf %mul3A_124, %gather3A_149 : vector<16xf32>
      %add3A_151 = arith.addf %add3A_146, %mul3A_150 : vector<16xf32>
      %broadcast_in_dim3A_152 = arith.constant 12 : i32
      %broadcast_in_dim3A_153 = vector.broadcast %broadcast_in_dim3A_152 : i32 to vector<16xi32>
      %gather3A_154 = tpu.vector_load_idx %arg13[%add3A_109, %broadcast_in_dim3A_153] : memref<2048x32xf32, #tpu.memory_space<vmem>>[vector<16xi32>, vector<16xi32>], vector<16xf32>,
      %mul3A_155 = arith.mulf %mul3A_125, %gather3A_154 : vector<16xf32>
      %add3A_156 = arith.addf %add3A_151, %mul3A_155 : vector<16xf32>
      %broadcast_in_dim3A_157 = arith.constant 16 : i32
      %broadcast_in_dim3A_158 = vector.broadcast %broadcast_in_dim3A_157 : i32 to vector<16xi32>
      %gather3A_159 = tpu.vector_load_idx %arg13[%add3A_109, %broadcast_in_dim3A_158] : memref<2048x32xf32, #tpu.memory_space<vmem>>[vector<16xi32>, vector<16xi32>], vector<16xf32>,
      %mul3A_160 = arith.mulf %mul3A_126, %gather3A_159 : vector<16xf32>
      %add3A_161 = arith.addf %add3A_156, %mul3A_160 : vector<16xf32>
      %broadcast_in_dim3A_162 = arith.constant 20 : i32
      %broadcast_in_dim3A_163 = vector.broadcast %broadcast_in_dim3A_162 : i32 to vector<16xi32>
      %gather3A_164 = tpu.vector_load_idx %arg13[%add3A_109, %broadcast_in_dim3A_163] : memref<2048x32xf32, #tpu.memory_space<vmem>>[vector<16xi32>, vector<16xi32>], vector<16xf32>,
      %mul3A_165 = arith.mulf %mul3A_127, %gather3A_164 : vector<16xf32>
      %add3A_166 = arith.addf %add3A_161, %mul3A_165 : vector<16xf32>
      %broadcast_in_dim3A_167 = arith.constant 24 : i32
      %broadcast_in_dim3A_168 = vector.broadcast %broadcast_in_dim3A_167 : i32 to vector<16xi32>
      %gather3A_169 = tpu.vector_load_idx %arg13[%add3A_109, %broadcast_in_dim3A_168] : memref<2048x32xf32, #tpu.memory_space<vmem>>[vector<16xi32>, vector<16xi32>], vector<16xf32>,
      %mul3A_170 = arith.mulf %mul3A_128, %gather3A_169 : vector<16xf32>
      %add3A_171 = arith.addf %add3A_166, %mul3A_170 : vector<16xf32>
      %broadcast_in_dim3A_172 = arith.constant 28 : i32
      %broadcast_in_dim3A_173 = vector.broadcast %broadcast_in_dim3A_172 : i32 to vector<16xi32>
      %gather3A_174 = tpu.vector_load_idx %arg13[%add3A_109, %broadcast_in_dim3A_173] : memref<2048x32xf32, #tpu.memory_space<vmem>>[vector<16xi32>, vector<16xi32>], vector<16xf32>,
      %mul3A_175 = arith.mulf %mul3A_129, %gather3A_174 : vector<16xf32>
      %add3A_176 = arith.addf %add3A_171, %mul3A_175 : vector<16xf32>
      %add3A_177 = arith.constant 0 : i32
      %add3A_178 = arith.addi %add3A_136, %add3A_177 : i32
      %swap3A = arith.index_cast %add3A_178 : i32 to index
      %swap3A_179 = tpu.vector_load %arg14[%swap3A] {strides = array<i32>} : memref<8192xf32, #tpu.memory_space<vmem>>, vector<16xf32>,
      tpu.vector_store %arg14[%swap3A], %add3A_176 {strides = array<i32>} : memref<8192xf32, #tpu.memory_space<vmem>>, vector<16xf32>,
      %broadcast_in_dim3A_180 = arith.constant 1 : i32
      %broadcast_in_dim3A_181 = vector.broadcast %broadcast_in_dim3A_180 : i32 to vector<16xi32>
      %gather3A_182 = tpu.vector_load_idx %arg13[%add3A_109, %broadcast_in_dim3A_181] : memref<2048x32xf32, #tpu.memory_space<vmem>>[vector<16xi32>, vector<16xi32>], vector<16xf32>,
      %mul3A_183 = arith.mulf %mul3A_122, %gather3A_182 : vector<16xf32>
      %add3A_184 = arith.addf %gather3A_6, %mul3A_183 : vector<16xf32>
      %broadcast_in_dim3A_185 = arith.constant 5 : i32
      %broadcast_in_dim3A_186 = vector.broadcast %broadcast_in_dim3A_185 : i32 to vector<16xi32>
      %gather3A_187 = tpu.vector_load_idx %arg13[%add3A_109, %broadcast_in_dim3A_186] : memref<2048x32xf32, #tpu.memory_space<vmem>>[vector<16xi32>, vector<16xi32>], vector<16xf32>,
      %mul3A_188 = arith.mulf %mul3A_123, %gather3A_187 : vector<16xf32>
      %add3A_189 = arith.addf %add3A_184, %mul3A_188 : vector<16xf32>
      %broadcast_in_dim3A_190 = arith.constant 9 : i32
      %broadcast_in_dim3A_191 = vector.broadcast %broadcast_in_dim3A_190 : i32 to vector<16xi32>
      %gather3A_192 = tpu.vector_load_idx %arg13[%add3A_109, %broadcast_in_dim3A_191] : memref<2048x32xf32, #tpu.memory_space<vmem>>[vector<16xi32>, vector<16xi32>], vector<16xf32>,
      %mul3A_193 = arith.mulf %mul3A_124, %gather3A_192 : vector<16xf32>
      %add3A_194 = arith.addf %add3A_189, %mul3A_193 : vector<16xf32>
      %broadcast_in_dim3A_195 = arith.constant 13 : i32
      %broadcast_in_dim3A_196 = vector.broadcast %broadcast_in_dim3A_195 : i32 to vector<16xi32>
      %gather3A_197 = tpu.vector_load_idx %arg13[%add3A_109, %broadcast_in_dim3A_196] : memref<2048x32xf32, #tpu.memory_space<vmem>>[vector<16xi32>, vector<16xi32>], vector<16xf32>,
      %mul3A_198 = arith.mulf %mul3A_125, %gather3A_197 : vector<16xf32>
      %add3A_199 = arith.addf %add3A_194, %mul3A_198 : vector<16xf32>
      %broadcast_in_dim3A_200 = arith.constant 17 : i32
      %broadcast_in_dim3A_201 = vector.broadcast %broadcast_in_dim3A_200 : i32 to vector<16xi32>
      %gather3A_202 = tpu.vector_load_idx %arg13[%add3A_109, %broadcast_in_dim3A_201] : memref<2048x32xf32, #tpu.memory_space<vmem>>[vector<16xi32>, vector<16xi32>], vector<16xf32>,
      %mul3A_203 = arith.mulf %mul3A_126, %gather3A_202 : vector<16xf32>
      %add3A_204 = arith.addf %add3A_199, %mul3A_203 : vector<16xf32>
      %broadcast_in_dim3A_205 = arith.constant 21 : i32
      %broadcast_in_dim3A_206 = vector.broadcast %broadcast_in_dim3A_205 : i32 to vector<16xi32>
      %gather3A_207 = tpu.vector_load_idx %arg13[%add3A_109, %broadcast_in_dim3A_206] : memref<2048x32xf32, #tpu.memory_space<vmem>>[vector<16xi32>, vector<16xi32>], vector<16xf32>,
      %mul3A_208 = arith.mulf %mul3A_127, %gather3A_207 : vector<16xf32>
      %add3A_209 = arith.addf %add3A_204, %mul3A_208 : vector<16xf32>
      %broadcast_in_dim3A_210 = arith.constant 25 : i32
      %broadcast_in_dim3A_211 = vector.broadcast %broadcast_in_dim3A_210 : i32 to vector<16xi32>
      %gather3A_212 = tpu.vector_load_idx %arg13[%add3A_109, %broadcast_in_dim3A_211] : memref<2048x32xf32, #tpu.memory_space<vmem>>[vector<16xi32>, vector<16xi32>], vector<16xf32>,
      %mul3A_213 = arith.mulf %mul3A_128, %gather3A_212 : vector<16xf32>
      %add3A_214 = arith.addf %add3A_209, %mul3A_213 : vector<16xf32>
      %broadcast_in_dim3A_215 = arith.constant 29 : i32
      %broadcast_in_dim3A_216 = vector.broadcast %broadcast_in_dim3A_215 : i32 to vector<16xi32>
      %gather3A_217 = tpu.vector_load_idx %arg13[%add3A_109, %broadcast_in_dim3A_216] : memref<2048x32xf32, #tpu.memory_space<vmem>>[vector<16xi32>, vector<16xi32>], vector<16xf32>,
      %mul3A_218 = arith.mulf %mul3A_129, %gather3A_217 : vector<16xf32>
      %add3A_219 = arith.addf %add3A_214, %mul3A_218 : vector<16xf32>
      %add3A_220 = arith.constant 128 : i32
      %add3A_221 = arith.addi %add3A_136, %add3A_220 : i32
      %swap3A_222 = arith.index_cast %add3A_221 : i32 to index
      %swap3A_223 = tpu.vector_load %arg14[%swap3A_222] {strides = array<i32>} : memref<8192xf32, #tpu.memory_space<vmem>>, vector<16xf32>,
      tpu.vector_store %arg14[%swap3A_222], %add3A_219 {strides = array<i32>} : memref<8192xf32, #tpu.memory_space<vmem>>, vector<16xf32>,
      %broadcast_in_dim3A_224 = arith.constant 2 : i32
      %broadcast_in_dim3A_225 = vector.broadcast %broadcast_in_dim3A_224 : i32 to vector<16xi32>
      %gather3A_226 = tpu.vector_load_idx %arg13[%add3A_109, %broadcast_in_dim3A_225] : memref<2048x32xf32, #tpu.memory_space<vmem>>[vector<16xi32>, vector<16xi32>], vector<16xf32>,
      %mul3A_227 = arith.mulf %mul3A_122, %gather3A_226 : vector<16xf32>
      %add3A_228 = arith.addf %gather3A_9, %mul3A_227 : vector<16xf32>
      %broadcast_in_dim3A_229 = arith.constant 6 : i32
      %broadcast_in_dim3A_230 = vector.broadcast %broadcast_in_dim3A_229 : i32 to vector<16xi32>
      %gather3A_231 = tpu.vector_load_idx %arg13[%add3A_109, %broadcast_in_dim3A_230] : memref<2048x32xf32, #tpu.memory_space<vmem>>[vector<16xi32>, vector<16xi32>], vector<16xf32>,
      %mul3A_232 = arith.mulf %mul3A_123, %gather3A_231 : vector<16xf32>
      %add3A_233 = arith.addf %add3A_228, %mul3A_232 : vector<16xf32>
      %broadcast_in_dim3A_234 = arith.constant 10 : i32
      %broadcast_in_dim3A_235 = vector.broadcast %broadcast_in_dim3A_234 : i32 to vector<16xi32>
      %gather3A_236 = tpu.vector_load_idx %arg13[%add3A_109, %broadcast_in_dim3A_235] : memref<2048x32xf32, #tpu.memory_space<vmem>>[vector<16xi32>, vector<16xi32>], vector<16xf32>,
      %mul3A_237 = arith.mulf %mul3A_124, %gather3A_236 : vector<16xf32>
      %add3A_238 = arith.addf %add3A_233, %mul3A_237 : vector<16xf32>
      %broadcast_in_dim3A_239 = arith.constant 14 : i32
      %broadcast_in_dim3A_240 = vector.broadcast %broadcast_in_dim3A_239 : i32 to vector<16xi32>
      %gather3A_241 = tpu.vector_load_idx %arg13[%add3A_109, %broadcast_in_dim3A_240] : memref<2048x32xf32, #tpu.memory_space<vmem>>[vector<16xi32>, vector<16xi32>], vector<16xf32>,
      %mul3A_242 = arith.mulf %mul3A_125, %gather3A_241 : vector<16xf32>
      %add3A_243 = arith.addf %add3A_238, %mul3A_242 : vector<16xf32>
      %broadcast_in_dim3A_244 = arith.constant 18 : i32
      %broadcast_in_dim3A_245 = vector.broadcast %broadcast_in_dim3A_244 : i32 to vector<16xi32>
      %gather3A_246 = tpu.vector_load_idx %arg13[%add3A_109, %broadcast_in_dim3A_245] : memref<2048x32xf32, #tpu.memory_space<vmem>>[vector<16xi32>, vector<16xi32>], vector<16xf32>,
      %mul3A_247 = arith.mulf %mul3A_126, %gather3A_246 : vector<16xf32>
      %add3A_248 = arith.addf %add3A_243, %mul3A_247 : vector<16xf32>
      %broadcast_in_dim3A_249 = arith.constant 22 : i32
      %broadcast_in_dim3A_250 = vector.broadcast %broadcast_in_dim3A_249 : i32 to vector<16xi32>
      %gather3A_251 = tpu.vector_load_idx %arg13[%add3A_109, %broadcast_in_dim3A_250] : memref<2048x32xf32, #tpu.memory_space<vmem>>[vector<16xi32>, vector<16xi32>], vector<16xf32>,
      %mul3A_252 = arith.mulf %mul3A_127, %gather3A_251 : vector<16xf32>
      %add3A_253 = arith.addf %add3A_248, %mul3A_252 : vector<16xf32>
      %broadcast_in_dim3A_254 = arith.constant 26 : i32
      %broadcast_in_dim3A_255 = vector.broadcast %broadcast_in_dim3A_254 : i32 to vector<16xi32>
      %gather3A_256 = tpu.vector_load_idx %arg13[%add3A_109, %broadcast_in_dim3A_255] : memref<2048x32xf32, #tpu.memory_space<vmem>>[vector<16xi32>, vector<16xi32>], vector<16xf32>,
      %mul3A_257 = arith.mulf %mul3A_128, %gather3A_256 : vector<16xf32>
      %add3A_258 = arith.addf %add3A_253, %mul3A_257 : vector<16xf32>
      %broadcast_in_dim3A_259 = arith.constant 30 : i32
      %broadcast_in_dim3A_260 = vector.broadcast %broadcast_in_dim3A_259 : i32 to vector<16xi32>
      %gather3A_261 = tpu.vector_load_idx %arg13[%add3A_109, %broadcast_in_dim3A_260] : memref<2048x32xf32, #tpu.memory_space<vmem>>[vector<16xi32>, vector<16xi32>], vector<16xf32>,
      %mul3A_262 = arith.mulf %mul3A_129, %gather3A_261 : vector<16xf32>
      %add3A_263 = arith.addf %add3A_258, %mul3A_262 : vector<16xf32>
      %add3A_264 = arith.constant 256 : i32
      %add3A_265 = arith.addi %add3A_136, %add3A_264 : i32
      %swap3A_266 = arith.index_cast %add3A_265 : i32 to index
      %swap3A_267 = tpu.vector_load %arg14[%swap3A_266] {strides = array<i32>} : memref<8192xf32, #tpu.memory_space<vmem>>, vector<16xf32>,
      tpu.vector_store %arg14[%swap3A_266], %add3A_263 {strides = array<i32>} : memref<8192xf32, #tpu.memory_space<vmem>>, vector<16xf32>,
      %broadcast_in_dim3A_268 = arith.constant 3 : i32
      %broadcast_in_dim3A_269 = vector.broadcast %broadcast_in_dim3A_268 : i32 to vector<16xi32>
      %gather3A_270 = tpu.vector_load_idx %arg13[%add3A_109, %broadcast_in_dim3A_269] : memref<2048x32xf32, #tpu.memory_space<vmem>>[vector<16xi32>, vector<16xi32>], vector<16xf32>,
      %mul3A_271 = arith.mulf %mul3A_122, %gather3A_270 : vector<16xf32>
      %add3A_272 = arith.addf %gather3A_12, %mul3A_271 : vector<16xf32>
      %broadcast_in_dim3A_273 = arith.constant 7 : i32
      %broadcast_in_dim3A_274 = vector.broadcast %broadcast_in_dim3A_273 : i32 to vector<16xi32>
      %gather3A_275 = tpu.vector_load_idx %arg13[%add3A_109, %broadcast_in_dim3A_274] : memref<2048x32xf32, #tpu.memory_space<vmem>>[vector<16xi32>, vector<16xi32>], vector<16xf32>,
      %mul3A_276 = arith.mulf %mul3A_123, %gather3A_275 : vector<16xf32>
      %add3A_277 = arith.addf %add3A_272, %mul3A_276 : vector<16xf32>
      %broadcast_in_dim3A_278 = arith.constant 11 : i32
      %broadcast_in_dim3A_279 = vector.broadcast %broadcast_in_dim3A_278 : i32 to vector<16xi32>
      %gather3A_280 = tpu.vector_load_idx %arg13[%add3A_109, %broadcast_in_dim3A_279] : memref<2048x32xf32, #tpu.memory_space<vmem>>[vector<16xi32>, vector<16xi32>], vector<16xf32>,
      %mul3A_281 = arith.mulf %mul3A_124, %gather3A_280 : vector<16xf32>
      %add3A_282 = arith.addf %add3A_277, %mul3A_281 : vector<16xf32>
      %broadcast_in_dim3A_283 = arith.constant 15 : i32
      %broadcast_in_dim3A_284 = vector.broadcast %broadcast_in_dim3A_283 : i32 to vector<16xi32>
      %gather3A_285 = tpu.vector_load_idx %arg13[%add3A_109, %broadcast_in_dim3A_284] : memref<2048x32xf32, #tpu.memory_space<vmem>>[vector<16xi32>, vector<16xi32>], vector<16xf32>,
      %mul3A_286 = arith.mulf %mul3A_125, %gather3A_285 : vector<16xf32>
      %add3A_287 = arith.addf %add3A_282, %mul3A_286 : vector<16xf32>
      %broadcast_in_dim3A_288 = arith.constant 19 : i32
      %broadcast_in_dim3A_289 = vector.broadcast %broadcast_in_dim3A_288 : i32 to vector<16xi32>
      %gather3A_290 = tpu.vector_load_idx %arg13[%add3A_109, %broadcast_in_dim3A_289] : memref<2048x32xf32, #tpu.memory_space<vmem>>[vector<16xi32>, vector<16xi32>], vector<16xf32>,
      %mul3A_291 = arith.mulf %mul3A_126, %gather3A_290 : vector<16xf32>
      %add3A_292 = arith.addf %add3A_287, %mul3A_291 : vector<16xf32>
      %broadcast_in_dim3A_293 = arith.constant 23 : i32
      %broadcast_in_dim3A_294 = vector.broadcast %broadcast_in_dim3A_293 : i32 to vector<16xi32>
      %gather3A_295 = tpu.vector_load_idx %arg13[%add3A_109, %broadcast_in_dim3A_294] : memref<2048x32xf32, #tpu.memory_space<vmem>>[vector<16xi32>, vector<16xi32>], vector<16xf32>,
      %mul3A_296 = arith.mulf %mul3A_127, %gather3A_295 : vector<16xf32>
      %add3A_297 = arith.addf %add3A_292, %mul3A_296 : vector<16xf32>
      %broadcast_in_dim3A_298 = arith.constant 27 : i32
      %broadcast_in_dim3A_299 = vector.broadcast %broadcast_in_dim3A_298 : i32 to vector<16xi32>
      %gather3A_300 = tpu.vector_load_idx %arg13[%add3A_109, %broadcast_in_dim3A_299] : memref<2048x32xf32, #tpu.memory_space<vmem>>[vector<16xi32>, vector<16xi32>], vector<16xf32>,
      %mul3A_301 = arith.mulf %mul3A_128, %gather3A_300 : vector<16xf32>
      %add3A_302 = arith.addf %add3A_297, %mul3A_301 : vector<16xf32>
      %broadcast_in_dim3A_303 = arith.constant 31 : i32
      %broadcast_in_dim3A_304 = vector.broadcast %broadcast_in_dim3A_303 : i32 to vector<16xi32>
      %gather3A_305 = tpu.vector_load_idx %arg13[%add3A_109, %broadcast_in_dim3A_304] : memref<2048x32xf32, #tpu.memory_space<vmem>>[vector<16xi32>, vector<16xi32>], vector<16xf32>,
      %mul3A_306 = arith.mulf %mul3A_129, %gather3A_305 : vector<16xf32>
      %add3A_307 = arith.addf %add3A_302, %mul3A_306 : vector<16xf32>
      %add3A_308 = arith.constant 384 : i32
      %add3A_309 = arith.addi %add3A_136, %add3A_308 : i32
      %swap3A_310 = arith.index_cast %add3A_309 : i32 to index
      %swap3A_311 = tpu.vector_load %arg14[%swap3A_310] {strides = array<i32>} : memref<8192xf32, #tpu.memory_space<vmem>>, vector<16xf32>,
      tpu.vector_store %arg14[%swap3A_310], %add3A_307 {strides = array<i32>} : memref<8192xf32, #tpu.memory_space<vmem>>, vector<16xf32>,
    }
    %scan3A_61 = arith.constant 64 : i32
    %add3A_62 = arith.constant 64512 : i32
    %add3A_63 = arith.addi %mul3A_2, %add3A_62 : i32
    %mul3A_64 = arith.constant 4 : i32
    %mul3A_65 = arith.muli %add3A_63, %mul3A_64 : i32
    %dma_start3A_66 = arith.constant 4096 : i32
    %dma_start3A_67 = tpu.memref_slice %arg14[%dma_start3A_66] : memref<8192xf32, #tpu.memory_space<vmem>> -> memref<4096xf32, #tpu.memory_space<vmem>>
    %dma_start3A_68 = tpu.memref_slice %arg7[%mul3A_65] : memref<8388608xf32, #tpu.memory_space<hbm>> -> memref<4096xf32, #tpu.memory_space<hbm>>
    %dma_start3A_69 = tpu.memref_slice %arg7[%mul3A_65] : memref<8388608xf32, #tpu.memory_space<hbm>> -> memref<4096xf32, #tpu.memory_space<hbm>>
    %dma_start3A_70 = arith.constant 4096 : i32
    %dma_start3A_71 = tpu.memref_slice %arg14[%dma_start3A_70] : memref<8192xf32, #tpu.memory_space<vmem>> -> memref<4096xf32, #tpu.memory_space<vmem>>
    tpu.enqueue_dma source(%dma_start3A_71 : memref<4096xf32, #tpu.memory_space<vmem>>) target(%dma_start3A_69 : memref<4096xf32, #tpu.memory_space<hbm>>) target_semaphore(%arg20 : memref<!tpu.dma_semaphore, #tpu.memory_space<semaphore_mem>>)
    %dma_wait3A_72 = arith.constant 0 : i32
    %dma_wait3A_73 = tpu.memref_slice %arg14[%dma_wait3A_72] : memref<8192xf32, #tpu.memory_space<vmem>> -> memref<4096xf32, #tpu.memory_space<vmem>>
    %dma_wait3A_74 = arith.constant 0 : i32
    %dma_wait3A_75 = tpu.memref_slice %arg7[%dma_wait3A_74] : memref<8388608xf32, #tpu.memory_space<hbm>> -> memref<4096xf32, #tpu.memory_space<hbm>>
    %dma_wait3A_76 = arith.constant 0 : i32
    %dma_wait3A_77 = tpu.memref_slice %arg7[%dma_wait3A_76] : memref<8388608xf32, #tpu.memory_space<hbm>> -> memref<4096xf32, #tpu.memory_space<hbm>>
    %dma_wait3A_78 = arith.constant 0 : i32
    %dma_wait3A_79 = tpu.memref_slice %arg14[%dma_wait3A_78] : memref<8192xf32, #tpu.memory_space<vmem>> -> memref<4096xf32, #tpu.memory_space<vmem>>
    tpu.wait_dma2 semaphore(%arg19 : memref<!tpu.dma_semaphore, #tpu.memory_space<semaphore_mem>>) src(%dma_wait3A_79 : memref<4096xf32, #tpu.memory_space<vmem>>) dst(%dma_wait3A_77 : memref<4096xf32, #tpu.memory_space<hbm>>)
    %dma_wait3A_80 = arith.constant 4096 : i32
    %dma_wait3A_81 = tpu.memref_slice %arg14[%dma_wait3A_80] : memref<8192xf32, #tpu.memory_space<vmem>> -> memref<4096xf32, #tpu.memory_space<vmem>>
    %dma_wait3A_82 = arith.constant 0 : i32
    %dma_wait3A_83 = tpu.memref_slice %arg7[%dma_wait3A_82] : memref<8388608xf32, #tpu.memory_space<hbm>> -> memref<4096xf32, #tpu.memory_space<hbm>>
    %dma_wait3A_84 = arith.constant 0 : i32
    %dma_wait3A_85 = tpu.memref_slice %arg7[%dma_wait3A_84] : memref<8388608xf32, #tpu.memory_space<hbm>> -> memref<4096xf32, #tpu.memory_space<hbm>>
    %dma_wait3A_86 = arith.constant 4096 : i32
    %dma_wait3A_87 = tpu.memref_slice %arg14[%dma_wait3A_86] : memref<8192xf32, #tpu.memory_space<vmem>> -> memref<4096xf32, #tpu.memory_space<vmem>>
    tpu.wait_dma2 semaphore(%arg20 : memref<!tpu.dma_semaphore, #tpu.memory_space<semaphore_mem>>) src(%dma_wait3A_87 : memref<4096xf32, #tpu.memory_space<vmem>>) dst(%dma_wait3A_85 : memref<4096xf32, #tpu.memory_space<hbm>>)
    return
  }
}

</mosaic_0001>

<sc_bundles>
// kernel: kernel.4.cloned.1.call-start
scs
__scs_entry_jumppad:
0x0: {  	(pc) =	sbr.rel $0x88, $3  }
0x1: {  	(tag) =	ssettag $0x0;
	lr =	simm.s32 $0x1  }
0x2: {  	[smem:$0x3F9E] =	sst lr;
	_ =	strace $0xD0000000  }
0x3: {  	_ = 	snop  }
0x4: {  	_ = 	snop  }
0x5: {  	_ = 	snop  }
0x6: {  	_ = 	snop  }
0x7: {  	_ = 	snop  }
__scs_overlays_trampoline_lowered:
0x8: {  	[smem:$0x3FAD] =	sst s0  }
0x9: {  	[smem:$0x3FAE] =	sst s1  }
0xa: {  	[smem:$0x3FAF] =	sst s2  }
0xb: {  	[smem:$0x3FB0] =	sst s3  }
0xc: {  	[smem:$0x3FB1] =	sst s4  }
0xd: {  	[smem:$0x3FB2] =	sst s5  }
0xe: {  	[smem:$0x3FB3] =	sst s6  }
0xf: {  	[smem:$0x3FB4] =	sst s7  }
0x10: {  	[smem:$0x3FB5] =	sst s8  }
0x11: {  	[smem:$0x3FB6] =	sst s9;
	s0 =	simm.s32 @!p0 $0x0  }
0x12: {  	s1 =	sld [smem:$0x3F9C];
	s0 =	simm.s32 @p0 $0x1  }
0x13: {  	[smem:$0x3FB7] =	sst s0;
	s0 =	simm.s32 @!p1 $0x0  }
0x14: {  	s2 =	sld [smem:$0x3F9B];
	s0 =	simm.s32 @p1 $0x1  }
0x15: {  	[smem:$0x3FB8] =	sst s0;
	s0 =	simm.s32 @!p2 $0x0  }
0x16: {  	s3 =	sld [smem:$0x3FDB];
	s0 =	simm.s32 @p2 $0x1  }
0x17: {  	s4 =	simm.s32 $0x1BF5;
	[smem:$0x3FBA] =	sst s0  }
0x18: {  	s0 =	sld [smem:$0x3F9D];
	_ =	swait.ge [sflag:s4], $0x0  }
0x19: {  	s7 =	sld [smem:$0x3F9E]  }
0x1a: {  	s8 =	sadd.s32 $0xFFFFE003, lr  }
0x1b: {  	s9 =	sadd.s32 $0xFFFFFEF7, lr;
	s5 =	simm.s32 $0xFFFFFFFF;
	p2 =	slt.u32 s8, $0xFFFFF086  }
0x1c: {  	p1 =	slt.u32 s9, $0xF7A;
	s5 =	simm.s32 @!p2 $0x0  }
0x1d: {  	s5 =	simm.s32 @p1 $0x1;
	p0 =	seq.s32 s7, s2  }
0x1e: {  	s7 =	smul.u32 @!p0 $0xF7A, s2;
	p2 =	seq.s32 @!p0 s5, $0x0  }
0x1f: {  	s9 =	smul.u32 $0xF7A, s1;
	s8 =	simm.s32 @!p0 $0x1BF5;
	p2 =	por !p2, p0  }
0x20: {  	[sflag:s8] =	ssyncset.s32 @!p0 $0xFFFFF086;
	s6 =	sadd.s32 @!p0 s3, s7;
	s7 =	simm.s32 @!p0 $0x108  }
0x21: {  	s3 =	sadd.s32 s3, s9;
	s6 =	sadd.s32 @!p0 $0x88, s6;
	s7 =	simm.s32 @p2 $0x1082  }
0x22: {  	[simem:s7], [sflag:s8] =	dma.local @!p0 [hbm:s6], $0xF7A  }
0x23: {  	s9 =	sor.u32 $0xD0000000, s2;
	s6 =	simm.s32 $0x108;
	_ =	swait.ge @!p0 [sflag:s8], $0x0  }
0x24: {  	s3 =	sadd.s32 $0x88, s3;
	s6 =	simm.s32 @!p1 $0x1082;
	[sflag:s4] =	ssyncset.s32 $0xFFFFF086  }
0x25: {  	[simem:s6], [sflag:s4] =	dma.local [hbm:s3], $0xF7A  }
0x26: {  	[smem:$0x3F9E] =	sst s1;
	(tag) =	ssettag s2;
	_ =	strace s9  }
0x27: {  	s1 =	sld [smem:$0x3FAE]  }
0x28: {  	s2 =	sld [smem:$0x3FAF]  }
0x29: {  	s4 =	sld [smem:$0x3FB1]  }
0x2a: {  	p0 =	seq.s32 s5, $0x0;
	s5 =	sld [smem:$0x3FB2]  }
0x2b: {  	s6 =	sld [smem:$0x3FB3]  }
0x2c: {  	s7 =	sld [smem:$0x3FB4]  }
0x2d: {  	s3 =	simm.s32 $0x108;
	s8 =	sld [smem:$0x3FB5]  }
0x2e: {  	s3 =	simm.s32 @!p0 $0x1082;
	s9 =	sld [smem:$0x3FB6]  }
0x2f: {  	lr =	sadd.s32 s0, s3;
	s0 =	sld [smem:$0x3FAD]  }
0x30: {  	s3 =	sld [smem:$0x3FB0]  }
0x31: {  	[smem:$0x3FB9] =	sst s10  }
0x32: {  	s10 =	sld [smem:$0x3FB7];
	_ =	sdelay $0x3  }
0x33: {  	p0 =	seq.s32 s10, $0x1;
	s10 =	sld [smem:$0x3FB9];
	_ =	sdelay $0x3  }
0x34: {  	[smem:$0x3FB9] =	sst s10  }
0x35: {  	s10 =	sld [smem:$0x3FB8];
	_ =	sdelay $0x3  }
0x36: {  	p1 =	seq.s32 s10, $0x1;
	s10 =	sld [smem:$0x3FB9];
	_ =	sdelay $0x3  }
0x37: {  	[smem:$0x3FB9] =	sst s10  }
0x38: {  	s10 =	sld [smem:$0x3FBA]  }
0x39: {  	_ = 	snop;
	(pc) =	sbr.ind lr, $3  }
0x3a: {  	_ = 	snop  }
0x3b: {  	_ = 	snop  }
0x3c: {  	p2 =	seq.s32 s10, $0x1;
	s10 =	sld [smem:$0x3FB9]  }
0x3d: {  	_ =	shalt  }
0x3e: {  	_ =	shalt  }
0x3f: {  	_ =	shalt  }
0x40: {  	_ =	shalt  }
0x41: {  	_ =	shalt  }
0x42: {  	_ =	shalt  }
0x43: {  	_ =	shalt  }
0x44: {  	_ =	shalt  }
0x45: {  	_ =	shalt  }
0x46: {  	_ =	shalt  }
0x47: {  	_ =	shalt  }
0x48: {  	_ =	shalt  }
0x49: {  	_ =	shalt  }
0x4a: {  	_ =	shalt  }
0x4b: {  	_ =	shalt  }
0x4c: {  	_ =	shalt  }
0x4d: {  	_ =	shalt  }
0x4e: {  	_ =	shalt  }
0x4f: {  	_ =	shalt  }
0x50: {  	_ =	shalt  }
0x51: {  	_ =	shalt  }
0x52: {  	_ =	shalt  }
0x53: {  	_ =	shalt  }
0x54: {  	_ =	shalt  }
0x55: {  	_ =	shalt  }
0x56: {  	_ =	shalt  }
0x57: {  	_ =	shalt  }
0x58: {  	_ =	shalt  }
0x59: {  	_ =	shalt  }
0x5a: {  	_ =	shalt  }
0x5b: {  	_ =	shalt  }
0x5c: {  	_ =	shalt  }
0x5d: {  	_ =	shalt  }
0x5e: {  	_ =	shalt  }
0x5f: {  	_ =	shalt  }
0x60: {  	_ =	shalt  }
0x61: {  	_ =	shalt  }
0x62: {  	_ =	shalt  }
0x63: {  	_ =	shalt  }
0x64: {  	_ =	shalt  }
0x65: {  	_ =	shalt  }
0x66: {  	_ =	shalt  }
0x67: {  	_ =	shalt  }
0x68: {  	_ =	shalt  }
0x69: {  	_ =	shalt  }
0x6a: {  	_ =	shalt  }
0x6b: {  	_ =	shalt  }
0x6c: {  	_ =	shalt  }
0x6d: {  	_ =	shalt  }
0x6e: {  	_ =	shalt  }
0x6f: {  	_ =	shalt  }
0x70: {  	_ =	shalt  }
0x71: {  	_ =	shalt  }
0x72: {  	_ =	shalt  }
0x73: {  	_ =	shalt  }
0x74: {  	_ =	shalt  }
0x75: {  	_ =	shalt  }
0x76: {  	_ =	shalt  }
0x77: {  	_ =	shalt  }
0x78: {  	_ =	shalt  }
0x79: {  	_ =	shalt  }
0x7a: {  	_ =	shalt  }
0x7b: {  	_ =	shalt  }
0x7c: {  	_ =	shalt  }
0x7d: {  	_ =	shalt  }
0x7e: {  	_ =	shalt  }
0x7f: {  	_ =	shalt  }
0x80: {  	_ =	shalt  }
0x81: {  	_ =	shalt  }
0x82: {  	_ =	shalt  }
0x83: {  	_ =	shalt  }
0x84: {  	_ =	shalt  }
0x85: {  	_ =	shalt  }
0x86: {  	_ =	shalt  }
0x87: {  	_ =	shalt  }
.Lfunc_end0:
.L_simem_size_0:
called_computation_lowered:
.L_overlay_start_0:
0x88: {  	s2 =	sld [smem:$0x3FD9]  }
0x89: {  	s3 =	sld [smem:$0x3FFE];
	_ =	sdelay $0x1  }
0x8a: {  	s1 =	srdreg.scid  }
0x8b: {  	s0 =	sand.u32 $0x1, s1  }
0x8c: {  	s17 =	sshll.u32 s0, $0xA;
	s2 =	sadd.s32 s3, s2  }
0x8d: {  	s2 =	sadd.s32 s2, s17  }
0x8e: {  	[smem:$0x3FC5] =	sst s2  }
0x8f: {  	_ = 	snop  }
0x90: {  	s2 =	sld [smem:$0x3FC8];
	(tm) =	ssettm $0x1  }
0x91: {  	s18 =	sld [smem:$0x3FFB];
	_ =	sdelay $0x3  }
0x92: {  	_ =	strace s18  }
0x93: {  	s3 =	sld [smem:$0x3FFC];
	_ =	sdelay $0x3  }
0x94: {  	_ =	strace s3  }
0x95: {  	s3 =	sld [smem:$0x3FFD];
	_ =	sdelay $0x3  }
0x96: {  	_ =	strace s3  }
0x97: {  	_ =	strace $0x8FFFFFFF  }
0x98: {  	s19 =	sld [smem:$0x3FDB];
	_ =	sdelay $0x1  }
0x99: {  	s4 =	simm.s32 $_scs_section_size  }
0x9a: {  	s5 =	simm.s32 $_size__tile_overlayer_lowered;
	s6 =	simm.s32 $_tile_overlayer_lowered  }
0x9b: {  	s22 =	simm.s32 $0x1BFF;
	s21 =	sshll.u32 s6, $0x1;
	s3 =	sadd.s32 s4, s19  }
0x9c: {  	s7 =	simm.s32 $0x0;
	s20 =	sshll.u32 s5, $0x1;
	s5 =	sadd.s32 s21, s3  }
0x9d: {  	[timem:s7], [sflag:s22] =	dma.local [hbm:s5], s20  }
0x9e: {  	_ =	swait.ge [sflag:s22], s20  }
0x9f: {  	s4 =	ssub.s32 $0x0, s20;
	[sflag:s22] =	ssyncset.done $0x0  }
0xa0: {  	[sflag:s22] =	ssyncadd.s32 s4;
	_ =	sdelay $0x1  }
0xa1: {  	s23 =	simm.s32 $0x1B8B  }
0xa2: {  	_ =	swait.ge [sflag:s23], $0x1  }
0xa3: {  	[sflag:s23] =	ssyncset.done $0x0  }
0xa4: {  	s25 =	simm.s32 $0x1B8E;
	s24 =	sld [smem:$0x3FFE];
	[sflag:s23] =	ssyncadd.s32 $0xFFFFFFFF  }
0xa5: {  	s26 =	simm.s32 $execute0_lowered;
	[smem:$0x3FD2] =	sst s25  }
0xa6: {  	s5 =	sshll.u32 s26, $0x1;
	_ =	strace $0x80000046;
	[dreg:$0x1] =	wrdreg $0xFFFFFFFF  }
0xa7: {  	s28 =	simm.s32 $_size_execute0_lowered;
	s3 =	sadd.s32 s3, s5;
	[dreg:$0x0] =	wrdreg $0x0  }
0xa8: {  	s5 =	sshll.u32 s28, $0x1;
	[dreg:$0x2] =	wrdreg s3  }
0xa9: {  	[dreg:$0x3] =	wrdreg s5  }
0xaa: {  	[dreg:$0x4] =	wrdreg $0xC0  }
0xab: {  	_ =	task [dreg:s7], $0x5FFFF  }
0xac: {  	[dreg:$0x1] =	wrdreg $0xFFFFFFFF  }
0xad: {  	[dreg:$0x0] =	wrdreg $0x60  }
0xae: {  	[dreg:$0x2] =	wrdreg s2  }
0xaf: {  	[dreg:$0x3] =	wrdreg s24  }
0xb0: {  	[dreg:$0x4] =	wrdreg $0x9  }
0xb1: {  	_ =	task.clear_ibuf [dreg:s7], $0x5FFFF;
	_ =	strace $0x90000046  }
0xb2: {  	s29 =	simm.s32 $0x9;
	_ =	strace $0x80000048  }
0xb3: {  	_ =	swait.ge [sflag:s29], $0x1  }
0xb4: {  	[sflag:s29] =	ssyncadd.s32 $0xFFFFFFFF  }
0xb5: {  	_ =	strace $0x90000048  }
0xb6: {  	_ =	sfence  }
0xb7: {  	s30 =	sld [smem:$0x0];
	_ =	sdelay $0x2  }
0xb8: {  	s31 =	sshll.u32 s1, $0xD;
	s1 =	sshrl.u32 s1, $0x2  }
0xb9: {  	s3 =	sand.u32 $0x4000, s31;
	s1 =	sadd.s32 s1, s30  }
0xba: {  	s0 =	sor.u32 s3, s0;
	s1 =	sshll.u32 s1, $0x11  }
0xbb: {  	s0 =	sor.u32 s1, s0  }
0xbc: {  	s0 =	sadd.s32 $0x8F2B, s0  }
0xbd: {  	[sflag:s0] =	ssyncadd.remote.s32 $0x1  }
0xbe: {  	_ =	sfence.sel $0xFFFF  }
0xbf: {  	[dreg:$0x0] =	wrdreg $0xFFFFFFFF;
	(pc) =	sbr.abs _section_cstart, $3  }
0xc0: {  	[dreg:$0x1] =	wrdreg $0xFFFFFFFF  }
0xc1: {  	_ =	task.clear_ibuf [dreg:s7], $0x2FFFF;
	_ =	strace $0x9FFFFFFF  }
0xc2: {  	(tm) =	ssettm $0x7FFFFFFF  }
0xc3: {  	_ =	shalt  }
tec
execute0_lowered:
.L_overlay_start_1:
0x0: {  	(tag) =	ssettag $0x1  }
0x1: {  	v0 =	vimm.s32 $0x380;
	vm13 =	vcmask $0x300  }
0x2: {  	vm12 =	vcmask $0x704;
	v0 =	vsel vm13, $0x0, v0  }
0x3: {  	vm11 =	vcmask $0xB08;
	v0 =	vsel vm12, $0x80, v0  }
0x4: {  	vm10 =	vcmask $0xF0C;
	v0 =	vsel vm11, $0x100, v0  }
0x5: {  	vm9 =	vcmask $0x1310;
	v0 =	vsel vm10, $0x180, v0  }
0x6: {  	vm8 =	vcmask $0x1714;
	v0 =	vsel vm9, $0x0, v0  }
0x7: {  	vm7 =	vcmask $0x1B18;
	v0 =	vsel vm8, $0x80, v0  }
0x8: {  	vm6 =	vcmask $0x1F1C;
	v0 =	vsel vm7, $0x100, v0  }
0x9: {  	vm5 =	vcmask $0x2320;
	v0 =	vsel vm6, $0x180, v0  }
0xa: {  	vm4 =	vcmask $0x2724;
	v0 =	vsel vm5, $0x200, v0  }
0xb: {  	vm3 =	vcmask $0x2B28;
	vm2 =	vcmask $0x3330;
	v0 =	vsel vm4, $0x280, v0  }
0xc: {  	v1 =	vlaneseq.u32;
	vm1 =	vcmask $0x3734;
	v0 =	vsel vm3, $0x300, v0  }
0xd: {  	vm0 =	vcmask $0x3B38;
	v3 =	vimm.s32 $0xB80;
	v0 =	vsel vm2, $0x200, v0  }
0xe: {  	v4 =	vimm.s32 $0xF80;
	v1 =	vshrl.u32 v1, $0x2;
	v2 =	vsel vm1, $0x280, v0  }
0xf: {  	v0 =	vand.u32 $0x1, v1;
	v1 =	vsel vm0, $0x300, v2;
	v2 =	vimm.s32 $0x780  }
0x10: {  	v3 =	vsel vm13, $0x800, v3;
	v4 =	vsel vm13, $0xC00, v4;
	v2 =	vsel vm13, $0x400, v2  }
0x11: {  	v3 =	vsel vm12, $0x880, v3;
	v4 =	vsel vm12, $0xC80, v4;
	v2 =	vsel vm12, $0x480, v2  }
0x12: {  	s2 =	srdreg.scid;
	s1 =	rddreg [dreg:$0x0];
	v3 =	vsel vm11, $0x900, v3;
	v4 =	vsel vm11, $0xD00, v4;
	v2 =	vsel vm11, $0x500, v2  }
0x13: {  	s0 =	stileid.u32;
	s6 =	rddreg [dreg:$0x1];
	v3 =	vsel vm10, $0x980, v3;
	v4 =	vsel vm10, $0xD80, v4;
	v2 =	vsel vm10, $0x580, v2  }
0x14: {  	s3 =	simm.s32 $0x0;
	s11 =	simm.s32 $0x80;
	s12 =	simm.s32 $0x200000;
	v3 =	vsel vm9, $0x800, v3;
	v4 =	vsel vm9, $0xC00, v4;
	v2 =	vsel vm9, $0x400, v2  }
0x15: {  	s15 =	simm.s32 $0x600;
	s16 =	simm.s32 $0x1;
	s17 =	simm.s32 $0x800;
	v3 =	vsel vm8, $0x880, v3;
	v4 =	vsel vm8, $0xC80, v4;
	v2 =	vsel vm8, $0x480, v2  }
0x16: {  	s18 =	simm.s32 $0xA00;
	s19 =	simm.s32 $0xC00;
	s20 =	simm.s32 $0xE00;
	v3 =	vsel vm7, $0x900, v3;
	v4 =	vsel vm7, $0xD00, v4;
	v2 =	vsel vm7, $0x500, v2  }
0x17: {  	s21 =	simm.s32 $0x1000;
	s22 =	simm.s32 $0x2000;
	s23 =	simm.s32 $0x2;
	v3 =	vsel vm6, $0x980, v3;
	v4 =	vsel vm6, $0xD80, v4;
	v2 =	vsel vm6, $0x580, v2  }
0x18: {  	s24 =	simm.s32 $0x3;
	s25 =	simm.s32 $0x0;
	s5 =	sand.u32 $0x1, s2;
	v3 =	vsel vm5, $0xA00, v3;
	v4 =	vsel vm5, $0xE00, v4;
	v2 =	vsel vm5, $0x600, v2  }
0x19: {  	s4 =	sshll.u32 s0, $0xA;
	s7 =	sshll.u32 s5, $0x9;
	s30 =	ssub.s32 $0x2, s5;
	v3 =	vsel vm4, $0xA80, v3;
	v4 =	vsel vm4, $0xE80, v4;
	v2 =	vsel vm4, $0x680, v2  }
0x1a: {  	[smem:$0x7FF] =	sst s3;
	s4 =	sor.u32 s7, s4;
	s8 =	sshrl.u32 s30, $0x1;
	v3 =	vsel vm3, $0xB00, v3;
	v4 =	vsel vm3, $0xF00, v4;
	v2 =	vsel vm3, $0x700, v2  }
0x1b: {  	s6 =	sadd.s32 $0xC00, s6;
	s31 =	sshll.u32 s4, $0x4;
	s10 =	ssub.s32 s30, s8;
	v3 =	vsel vm2, $0xA00, v3;
	v4 =	vsel vm2, $0xE00, v4;
	v2 =	vsel vm2, $0x600, v2  }
0x1c: {  	_ =	strace $0x80000047;
	s5 =	sadd.s32 s1, s31;
	s10 =	smax.u32 s10, $0x1;
	v3 =	vsel vm1, $0xA80, v3;
	v4 =	vsel vm1, $0xE80, v4;
	v2 =	vsel vm1, $0x680, v2  }
0x1d: {  	s7 =	sadd.s32 $0x10, s5;
	s8 =	sadd.s32 $0x800, s5;
	s9 =	sadd.s32 $0x810, s5;
	v3 =	vsel vm0, $0xB00, v3;
	v4 =	vsel vm0, $0xF00, v4;
	v2 =	vsel vm0, $0x700, v2  }
.LBB2_1:
0x1e: {  	[tilespmem:s3], [sflag:$0x1] =	stream.strided.gather [hbm4b:s5+s11], $0x200, s12, s11, $0x38;
	[tilespmem:$0x3000] =	vst v63  }
0x1f: {  	s0 =	simm.s32 $0x200  }
0x20: {  	[tilespmem:s0], [sflag:$0x1] =	stream.strided.gather [hbm4b:s7+s11], $0x200, s12, s11, $0x38;
	[tilespmem:$0x3000] =	vst v63  }
0x21: {  	s31 =	simm.s32 $0x400  }
0x22: {  	[tilespmem:s31], [sflag:$0x1] =	stream.strided.gather [hbm4b:s8+s11], $0x200, s12, s11, $0x38;
	[tilespmem:$0x3000] =	vst v63  }
0x23: {  	s26 =	simm.s32 $0x0  }
0x24: {  	[tilespmem:s15], [sflag:$0x1] =	stream.strided.gather [hbm4b:s9+s11], $0x200, s12, s11, $0x38;
	[tilespmem:$0x3000] =	vst v63  }
.LBB2_2:
0x25: {  	_ =	swait.ge [sflag:s16], $0x200  }
0x26: {  	[sflag:s16] =	ssyncset.done $0x0  }
0x27: {  	[sflag:s16] =	ssyncadd.s32 $0xFFFFFE00  }
0x28: {  	_ =	swait.ge [sflag:s16], $0x200  }
0x29: {  	[sflag:s16] =	ssyncset.done $0x0  }
0x2a: {  	[sflag:s16] =	ssyncadd.s32 $0xFFFFFE00  }
0x2b: {  	s28 =	sshll.u32 s26, $0x1;
	_ =	swait.ge [sflag:s16], $0x200  }
0x2c: {  	s29 =	sadd.s32 s4, s28;
	[sflag:s16] =	ssyncset.done $0x0  }
0x2d: {  	s28 =	sor.u32 $0x1, s29;
	[sflag:s16] =	ssyncadd.s32 $0xFFFFFE00  }
0x2e: {  	s30 =	sshll.u32 s28, $0x4;
	_ =	swait.ge [sflag:s16], $0x200  }
0x2f: {  	s30 =	sand.u32 $0x1FFFFFF0, s30;
	[sflag:s16] =	ssyncset.done $0x0  }
0x30: {  	s31 =	sand.u32 $0x7F, s28;
	s30 =	sadd.s32 s1, s30;
	[sflag:s16] =	ssyncadd.s32 $0xFFFFFE00  }
0x31: {  	[tilespmem:s17], [sflag:$0x1] =	stream.strided.gather [hbm4b:s30+s11], $0x200, s12, s11, $0x38;
	[tilespmem:$0x3000] =	vst v63  }
0x32: {  	s0 =	sshrl.u32 s29, $0x7;
	s30 =	smin.u32 s31, $0x7E  }
0x33: {  	s2 =	sand.u32 $0x3F80, s29;
	s0 =	smin.u32 s0, $0x7E;
	s30 =	sadd.s32 $0x1, s30  }
0x34: {  	s0 =	sshll.u32 s0, $0x7;
	s2 =	sadd.s32 s2, s30  }
0x35: {  	s0 =	sadd.s32 $0x80, s0;
	s2 =	sshll.u32 s2, $0x4  }
0x36: {  	s14 =	sor.u32 s31, s0;
	s2 =	sadd.s32 s1, s2  }
0x37: {  	[tilespmem:s18], [sflag:$0x1] =	stream.strided.gather [hbm4b:s2+s11], $0x200, s12, s11, $0x38;
	[tilespmem:$0x3000] =	vst v63  }
0x38: {  	s13 =	simm.s32 $0x0;
	s0 =	sadd.s32 s30, s0;
	s2 =	sshll.u32 s14, $0x4  }
0x39: {  	v5 =	vadd.s32 s13, v0;
	s0 =	sshll.u32 s0, $0x4;
	s2 =	sadd.s32 s1, s2  }
0x3a: {  	vm0 =	vlt.s32 v5, $0x7F;
	[tilespmem:s19], [sflag:$0x1] =	stream.strided.gather [hbm4b:s2+s11], $0x200, s12, s11, $0x38;
	[tilespmem:$0x3000] =	vst v63  }
0x3b: {  	p0 =	seq.s32 s26, $0x0;
	v5 =	vnsel vm0, $0x7F, v5;
	s0 =	sadd.s32 s1, s0  }
0x3c: {  	v6 =	vor.u32 v1, v5;
	[tilespmem:s20], [sflag:$0x1] =	stream.strided.gather [hbm4b:s0+s11], $0x200, s12, s11, $0x38;
	[tilespmem:$0x3000] =	vst v63  }
0x3d: {  	s0 =	simm.s32 @!p0 $0x2  }
0x3e: {  	_ =	swait.ge @!p0 [sflag:s0], $0x1000  }
0x3f: {  	[sflag:s0] =	ssyncset.done @!p0 $0x0  }
0x40: {  	[sflag:s0] =	ssyncadd.s32 @!p0 $0xFFFFF000  }
0x41: {  	v7 =	vld.idx.msk [tilespmem:v6+s3+$0x0], $0xffff  }
0x42: {  	v5 =	vor.u32 v2, v5;
	_ =	sdelay $0x2  }
0x43: {  	s30 =	simm.s32 $0x1010;
	s14 =	simm.s32 $0x1  }
0x44: {  	s31 =	simm.s32 $0x2;
	v6 =	vadd.s32 s14, v0;
	[tilespmem:s30+$0xFFFFFFF0] =	vst v7  }
.LBB2_3:
0x45: {  	p0 =	sne.s32 s31, $0x7F;
	vm0 =	vlt.s32 v6, $0x7F;
	v5 =	vld.idx.msk [tilespmem:v5+s3+$0x0], $0xffff  }
0x46: {  	v6 =	vnsel vm0, $0x7F, v6  }
0x47: {  	v7 =	vor.u32 v1, v6;
	_ =	sdelay $0x3  }
0x48: {  	[tilespmem:s30+$0x0] =	vst v5  }
0x49: {  	v7 =	vld.idx.msk [tilespmem:v7+s3+$0x0], $0xffff;
	_ =	sdelay $0x1  }
.Ltmp0:
0x4a: {  	v5 =	vor.u32 v2, v6;
	(pc) =	sbr.rel @p0 .LBB2_3-.Ltmp0, $3  }
0x4b: {  	_ =	sdelay $0x1  }
0x4c: {  	s30 =	sadd.s32 $0x20, s30  }
0x4d: {  	v6 =	vadd.s32 s31, v0;
	s31 =	sadd.s32 $0x1, s31;
	[tilespmem:s30+$0xFFFFFFF0] =	vst v7  }
0x4e: {  	_ =	sdelay $0x2  }
0x4f: {  	vm0 =	vlt.s32 v6, $0x7F  }
0x50: {  	v5 =	vld.idx.msk [tilespmem:v5+s3+$0x0], $0xffff;
	v6 =	vnsel vm0, $0x7F, v6  }
0x51: {  	v7 =	vor.u32 v1, v6;
	_ =	sdelay $0x3  }
0x52: {  	[tilespmem:s30+$0x0] =	vst v5  }
0x53: {  	v5 =	vld.idx.msk [tilespmem:v7+s3+$0x0], $0xffff  }
0x54: {  	v6 =	vor.u32 v2, v6;
	_ =	sdelay $0x2  }
0x55: {  	s0 =	sadd.s32 $0x20, s30  }
0x56: {  	[tilespmem:s0+$0xFFFFFFF0] =	vst v5  }
0x57: {  	v5 =	vld.idx.msk [tilespmem:v6+s3+$0x0], $0xffff;
	_ =	sdelay $0x3  }
0x58: {  	s2 =	sshll.u32 s29, $0x9  }
0x59: {  	s13 =	sadd.s32 s6, s2;
	[tilespmem:s0+$0x0] =	vst v5  }
0x5a: {  	[hbm4b:s13+s3] =	stream.linear.scatter [tilespmem:s21], [sflag:$0x2], $0x1000, $0x38;
	[tilespmem:$0x3000] =	vst v63  }
0x5b: {  	_ =	swait.ge [sflag:s16], $0x200  }
0x5c: {  	[sflag:s16] =	ssyncset.done $0x0  }
0x5d: {  	[sflag:s16] =	ssyncadd.s32 $0xFFFFFE00  }
0x5e: {  	_ =	swait.ge [sflag:s16], $0x200  }
0x5f: {  	p0 =	seq.s32 s26, $0xFF;
	[sflag:s16] =	ssyncset.done $0x0  }
0x60: {  	s0 =	sadd.s32 @!p0 $0x2, s29;
	[sflag:s16] =	ssyncadd.s32 $0xFFFFFE00  }
0x61: {  	s2 =	sshrl.u32 @!p0 s0, $0x7;
	_ =	swait.ge [sflag:s16], $0x200  }
0x62: {  	s31 =	simm.s32 @!p0 $0x80;
	s29 =	smin.u32 @!p0 s2, $0x7F;
	[sflag:s16] =	ssyncset.done $0x0  }
0x63: {  	s0 =	sand.u32 @!p0 $0x7E, s0;
	s29 =	sshll.u32 @!p0 s29, $0x7;
	[sflag:s16] =	ssyncadd.s32 $0xFFFFFE00  }
0x64: {  	s14 =	simm.s32 @!p0 $0x0;
	s30 =	sor.u32 @!p0 s0, s29;
	_ =	swait.ge [sflag:s16], $0x200  }
0x65: {  	s13 =	simm.s32 @!p0 $0x200000;
	s30 =	sshll.u32 @!p0 s30, $0x4;
	[sflag:s16] =	ssyncset.done $0x0  }
0x66: {  	s2 =	smin.u32 @!p0 s2, $0x7E;
	s30 =	sadd.s32 @!p0 s1, s30;
	[sflag:s16] =	ssyncadd.s32 $0xFFFFFE00  }
0x67: {  	[tilespmem:s14], [sflag:$0x1] =	stream.strided.gather @!p0 [hbm4b:s30+s31], $0x200, s13, s31, $0x38;
	[tilespmem:$0x3000] =	vst v63  }
0x68: {  	s2 =	sshll.u32 @!p0 s2, $0x7;
	s14 =	sor.u32 @!p0 $0x1, s0  }
0x69: {  	s2 =	sadd.s32 @!p0 $0x80, s2;
	s29 =	sor.u32 @!p0 s14, s29  }
0x6a: {  	s0 =	sor.u32 @!p0 s0, s2;
	s29 =	sshll.u32 @!p0 s29, $0x4  }
0x6b: {  	s30 =	simm.s32 @!p0 $0x200;
	s0 =	sshll.u32 @!p0 s0, $0x4;
	s29 =	sadd.s32 @!p0 s1, s29  }
0x6c: {  	[tilespmem:s30], [sflag:$0x1] =	stream.strided.gather @!p0 [hbm4b:s29+s31], $0x200, s13, s31, $0x38;
	[tilespmem:$0x3000] =	vst v63  }
0x6d: {  	s0 =	sadd.s32 @!p0 s1, s0;
	s29 =	simm.s32 @!p0 $0x400  }
0x6e: {  	[tilespmem:s29], [sflag:$0x1] =	stream.strided.gather @!p0 [hbm4b:s0+s31], $0x200, s13, s31, $0x38;
	[tilespmem:$0x3000] =	vst v63  }
0x6f: {  	s0 =	sor.u32 @!p0 s14, s2;
	s14 =	simm.s32 $0x0  }
0x70: {  	v5 =	vadd.s32 s14, v0  }
0x71: {  	s0 =	sshll.u32 @!p0 s0, $0x4;
	vm15 =	vlt.s32 v5, $0x7F  }
0x72: {  	p1 =	seq.s32 @!p0 s26, $0x0;
	s2 =	simm.s32 @!p0 $0x600;
	s0 =	sadd.s32 @!p0 s1, s0;
	v5 =	vnsel vm15, $0x7F, v5  }
0x73: {  	[tilespmem:s2], [sflag:$0x1] =	stream.strided.gather @!p0 [hbm4b:s0+s31], $0x200, s13, s31, $0x38;
	v6 =	vor.u32 v3, v5;
	[tilespmem:$0x3000] =	vst v63  }
0x74: {  	p0 =	por p0, !p1  }
0x75: {  	_ =	swait.ge @p0 [sflag:s24], $0x1000  }
0x76: {  	[sflag:s24] =	ssyncset.done @p0 $0x0  }
0x77: {  	[sflag:s24] =	ssyncadd.s32 @p0 $0xFFFFF000  }
0x78: {  	v7 =	vld.idx.msk [tilespmem:v6+s3+$0x0], $0xffff  }
0x79: {  	v5 =	vor.u32 v4, v5;
	_ =	sdelay $0x2  }
0x7a: {  	s29 =	simm.s32 $0x2010;
	s31 =	simm.s32 $0x1  }
0x7b: {  	s26 =	sadd.s32 $0x1, s26;
	s30 =	simm.s32 $0x2;
	v6 =	vadd.s32 s31, v0;
	[tilespmem:s29+$0xFFFFFFF0] =	vst v7  }
.LBB2_5:
0x7c: {  	p0 =	sne.s32 s30, $0x7F;
	vm0 =	vlt.s32 v6, $0x7F;
	v5 =	vld.idx.msk [tilespmem:v5+s3+$0x0], $0xffff  }
0x7d: {  	v6 =	vnsel vm0, $0x7F, v6  }
0x7e: {  	v7 =	vor.u32 v3, v6;
	_ =	sdelay $0x3  }
0x7f: {  	[tilespmem:s29+$0x0] =	vst v5  }
0x80: {  	v7 =	vld.idx.msk [tilespmem:v7+s3+$0x0], $0xffff;
	_ =	sdelay $0x1  }
.Ltmp1:
0x81: {  	v5 =	vor.u32 v4, v6;
	(pc) =	sbr.rel @p0 .LBB2_5-.Ltmp1, $3  }
0x82: {  	_ =	sdelay $0x1  }
0x83: {  	s29 =	sadd.s32 $0x20, s29  }
0x84: {  	v6 =	vadd.s32 s30, v0;
	s30 =	sadd.s32 $0x1, s30;
	[tilespmem:s29+$0xFFFFFFF0] =	vst v7  }
0x85: {  	_ =	sdelay $0x2  }
0x86: {  	vm0 =	vlt.s32 v6, $0x7F  }
0x87: {  	v5 =	vld.idx.msk [tilespmem:v5+s3+$0x0], $0xffff;
	v6 =	vnsel vm0, $0x7F, v6  }
0x88: {  	v7 =	vor.u32 v3, v6;
	_ =	sdelay $0x3  }
0x89: {  	[tilespmem:s29+$0x0] =	vst v5  }
0x8a: {  	v5 =	vld.idx.msk [tilespmem:v7+s3+$0x0], $0xffff  }
0x8b: {  	v6 =	vor.u32 v4, v6;
	_ =	sdelay $0x2  }
0x8c: {  	s0 =	sadd.s32 $0x20, s29  }
0x8d: {  	[tilespmem:s0+$0xFFFFFFF0] =	vst v5  }
0x8e: {  	v5 =	vld.idx.msk [tilespmem:v6+s3+$0x0], $0xffff  }
0x8f: {  	p0 =	sne.s32 s26, $0x100  }
.Ltmp2:
0x90: {  	_ = 	snop;
	(pc) =	sbr.rel @p0 .LBB2_2-.Ltmp2, $4  }
0x91: {  	s2 =	sshll.u32 s28, $0x9  }
0x92: {  	s2 =	sand.u32 $0x1FFFFE00, s2  }
0x93: {  	s31 =	sadd.s32 s6, s2;
	[tilespmem:s0+$0x0] =	vst v5  }
0x94: {  	[hbm4b:s31+s3] =	stream.linear.scatter [tilespmem:s22], [sflag:$0x3], $0x1000, $0x38;
	[tilespmem:$0x3000] =	vst v63  }
0x95: {  	s25 =	sadd.s32 $0x1, s25  }
0x96: {  	_ =	swait.ge [sflag:s23], $0x1000;
	p0 =	sne.s32 s25, s10  }
.Ltmp3:
0x97: {  	[sflag:s23] =	ssyncset.done $0x0;
	(pc) =	sbr.rel @p0 .LBB2_1-.Ltmp3, $4  }
0x98: {  	[sflag:s23] =	ssyncadd.s32 $0xFFFFF000  }
0x99: {  	_ =	swait.ge [sflag:s24], $0x1000  }
0x9a: {  	[sflag:s24] =	ssyncset.done $0x0  }
0x9b: {  	[sflag:s24] =	ssyncadd.s32 $0xFFFFF000  }
0x9c: {  	_ =	sfence.sel $0x180000  }
0x9d: {  	[bflag:$0x0] =	sbarrier.arrive $0xFFFF  }
0x9e: {  	_ =	strace $0x90000047  }
0x9f: {  	s0 =	stileid.u32;
	[bflag:$0x2] =	sbarrier.arrive $0xFFFF  }
0xa0: {  	p0 =	sne.s32 s0, $0x0;
	s0 =	rddreg [dreg:$0x2]  }
0xa1: {  	s0 =	sadd.s32 @!p0 $0x100000, s0  }
0xa2: {  	[sflag:s0] =	ssyncadd.tile.s32 @!p0 $0x1;
	_ =	shalt  }
.Lfunc_end2:
_tile_overlayer_lowered:
.L_overlay_start_2:
0xa3: {  	(tag) =	ssettag $0x2  }
0xa4: {  	s0 =	rddreg [dreg:$0x0];
	s2 =	stileid.u32  }
0xa5: {  	s1 =	rddreg [dreg:$0x1];
	p0 =	sne.s32 s2, $0x0  }
0xa6: {  	s3 =	rddreg [dreg:$0x2];
	[bflag:$0x3] =	sbarrier.arrive $0xFFFF;
	s2 =	simm.s32 @!p0 $0x1C04  }
0xa7: {  	[timem:s3], [sflag:s2] =	dma.local @!p0 [hbm:s0], s1  }
0xa8: {  	s0 =	simm.s32 @!p0 $0x4  }
0xa9: {  	_ =	swait.ge @!p0 [sflag:s0], s1  }
0xaa: {  	s1 =	ssub.s32 @!p0 $0x0, s1;
	[sflag:s0] =	ssyncset.done @!p0 $0x0  }
0xab: {  	[sflag:s0] =	ssyncadd.s32 @!p0 s1  }
0xac: {  	[bflag:$0x3] =	sbarrier.arrive $0xFFFF  }
0xad: {  	_ =	shalt  }

// kernel: kernel.7.cloned.1.call-start
scs
__scs_entry_jumppad:
0x0: {  	(pc) =	sbr.rel $0x88, $3  }
0x1: {  	(tag) =	ssettag $0x0;
	lr =	simm.s32 $0x1  }
0x2: {  	[smem:$0x3F9E] =	sst lr;
	_ =	strace $0xD0000000  }
0x3: {  	_ = 	snop  }
0x4: {  	_ = 	snop  }
0x5: {  	_ = 	snop  }
0x6: {  	_ = 	snop  }
0x7: {  	_ = 	snop  }
__scs_overlays_trampoline_lowered:
0x8: {  	[smem:$0x3FAD] =	sst s0  }
0x9: {  	[smem:$0x3FAE] =	sst s1  }
0xa: {  	[smem:$0x3FAF] =	sst s2  }
0xb: {  	[smem:$0x3FB0] =	sst s3  }
0xc: {  	[smem:$0x3FB1] =	sst s4  }
0xd: {  	[smem:$0x3FB2] =	sst s5  }
0xe: {  	[smem:$0x3FB3] =	sst s6  }
0xf: {  	[smem:$0x3FB4] =	sst s7  }
0x10: {  	[smem:$0x3FB5] =	sst s8  }
0x11: {  	[smem:$0x3FB6] =	sst s9;
	s0 =	simm.s32 @!p0 $0x0  }
0x12: {  	s1 =	sld [smem:$0x3F9C];
	s0 =	simm.s32 @p0 $0x1  }
0x13: {  	[smem:$0x3FB7] =	sst s0;
	s0 =	simm.s32 @!p1 $0x0  }
0x14: {  	s2 =	sld [smem:$0x3F9B];
	s0 =	simm.s32 @p1 $0x1  }
0x15: {  	[smem:$0x3FB8] =	sst s0;
	s0 =	simm.s32 @!p2 $0x0  }
0x16: {  	s3 =	sld [smem:$0x3FDB];
	s0 =	simm.s32 @p2 $0x1  }
0x17: {  	s4 =	simm.s32 $0x1BF5;
	[smem:$0x3FBA] =	sst s0  }
0x18: {  	s0 =	sld [smem:$0x3F9D];
	_ =	swait.ge [sflag:s4], $0x0  }
0x19: {  	s7 =	sld [smem:$0x3F9E]  }
0x1a: {  	s8 =	sadd.s32 $0xFFFFE003, lr  }
0x1b: {  	s9 =	sadd.s32 $0xFFFFFEF7, lr;
	s5 =	simm.s32 $0xFFFFFFFF;
	p2 =	slt.u32 s8, $0xFFFFF086  }
0x1c: {  	p1 =	slt.u32 s9, $0xF7A;
	s5 =	simm.s32 @!p2 $0x0  }
0x1d: {  	s5 =	simm.s32 @p1 $0x1;
	p0 =	seq.s32 s7, s2  }
0x1e: {  	s7 =	smul.u32 @!p0 $0xF7A, s2;
	p2 =	seq.s32 @!p0 s5, $0x0  }
0x1f: {  	s9 =	smul.u32 $0xF7A, s1;
	s8 =	simm.s32 @!p0 $0x1BF5;
	p2 =	por !p2, p0  }
0x20: {  	[sflag:s8] =	ssyncset.s32 @!p0 $0xFFFFF086;
	s6 =	sadd.s32 @!p0 s3, s7;
	s7 =	simm.s32 @!p0 $0x108  }
0x21: {  	s3 =	sadd.s32 s3, s9;
	s6 =	sadd.s32 @!p0 $0x88, s6;
	s7 =	simm.s32 @p2 $0x1082  }
0x22: {  	[simem:s7], [sflag:s8] =	dma.local @!p0 [hbm:s6], $0xF7A  }
0x23: {  	s9 =	sor.u32 $0xD0000000, s2;
	s6 =	simm.s32 $0x108;
	_ =	swait.ge @!p0 [sflag:s8], $0x0  }
0x24: {  	s3 =	sadd.s32 $0x88, s3;
	s6 =	simm.s32 @!p1 $0x1082;
	[sflag:s4] =	ssyncset.s32 $0xFFFFF086  }
0x25: {  	[simem:s6], [sflag:s4] =	dma.local [hbm:s3], $0xF7A  }
0x26: {  	[smem:$0x3F9E] =	sst s1;
	(tag) =	ssettag s2;
	_ =	strace s9  }
0x27: {  	s1 =	sld [smem:$0x3FAE]  }
0x28: {  	s2 =	sld [smem:$0x3FAF]  }
0x29: {  	s4 =	sld [smem:$0x3FB1]  }
0x2a: {  	p0 =	seq.s32 s5, $0x0;
	s5 =	sld [smem:$0x3FB2]  }
0x2b: {  	s6 =	sld [smem:$0x3FB3]  }
0x2c: {  	s7 =	sld [smem:$0x3FB4]  }
0x2d: {  	s3 =	simm.s32 $0x108;
	s8 =	sld [smem:$0x3FB5]  }
0x2e: {  	s3 =	simm.s32 @!p0 $0x1082;
	s9 =	sld [smem:$0x3FB6]  }
0x2f: {  	lr =	sadd.s32 s0, s3;
	s0 =	sld [smem:$0x3FAD]  }
0x30: {  	s3 =	sld [smem:$0x3FB0]  }
0x31: {  	[smem:$0x3FB9] =	sst s10  }
0x32: {  	s10 =	sld [smem:$0x3FB7];
	_ =	sdelay $0x3  }
0x33: {  	p0 =	seq.s32 s10, $0x1;
	s10 =	sld [smem:$0x3FB9];
	_ =	sdelay $0x3  }
0x34: {  	[smem:$0x3FB9] =	sst s10  }
0x35: {  	s10 =	sld [smem:$0x3FB8];
	_ =	sdelay $0x3  }
0x36: {  	p1 =	seq.s32 s10, $0x1;
	s10 =	sld [smem:$0x3FB9];
	_ =	sdelay $0x3  }
0x37: {  	[smem:$0x3FB9] =	sst s10  }
0x38: {  	s10 =	sld [smem:$0x3FBA]  }
0x39: {  	_ = 	snop;
	(pc) =	sbr.ind lr, $3  }
0x3a: {  	_ = 	snop  }
0x3b: {  	_ = 	snop  }
0x3c: {  	p2 =	seq.s32 s10, $0x1;
	s10 =	sld [smem:$0x3FB9]  }
0x3d: {  	_ =	shalt  }
0x3e: {  	_ =	shalt  }
0x3f: {  	_ =	shalt  }
0x40: {  	_ =	shalt  }
0x41: {  	_ =	shalt  }
0x42: {  	_ =	shalt  }
0x43: {  	_ =	shalt  }
0x44: {  	_ =	shalt  }
0x45: {  	_ =	shalt  }
0x46: {  	_ =	shalt  }
0x47: {  	_ =	shalt  }
0x48: {  	_ =	shalt  }
0x49: {  	_ =	shalt  }
0x4a: {  	_ =	shalt  }
0x4b: {  	_ =	shalt  }
0x4c: {  	_ =	shalt  }
0x4d: {  	_ =	shalt  }
0x4e: {  	_ =	shalt  }
0x4f: {  	_ =	shalt  }
0x50: {  	_ =	shalt  }
0x51: {  	_ =	shalt  }
0x52: {  	_ =	shalt  }
0x53: {  	_ =	shalt  }
0x54: {  	_ =	shalt  }
0x55: {  	_ =	shalt  }
0x56: {  	_ =	shalt  }
0x57: {  	_ =	shalt  }
0x58: {  	_ =	shalt  }
0x59: {  	_ =	shalt  }
0x5a: {  	_ =	shalt  }
0x5b: {  	_ =	shalt  }
0x5c: {  	_ =	shalt  }
0x5d: {  	_ =	shalt  }
0x5e: {  	_ =	shalt  }
0x5f: {  	_ =	shalt  }
0x60: {  	_ =	shalt  }
0x61: {  	_ =	shalt  }
0x62: {  	_ =	shalt  }
0x63: {  	_ =	shalt  }
0x64: {  	_ =	shalt  }
0x65: {  	_ =	shalt  }
0x66: {  	_ =	shalt  }
0x67: {  	_ =	shalt  }
0x68: {  	_ =	shalt  }
0x69: {  	_ =	shalt  }
0x6a: {  	_ =	shalt  }
0x6b: {  	_ =	shalt  }
0x6c: {  	_ =	shalt  }
0x6d: {  	_ =	shalt  }
0x6e: {  	_ =	shalt  }
0x6f: {  	_ =	shalt  }
0x70: {  	_ =	shalt  }
0x71: {  	_ =	shalt  }
0x72: {  	_ =	shalt  }
0x73: {  	_ =	shalt  }
0x74: {  	_ =	shalt  }
0x75: {  	_ =	shalt  }
0x76: {  	_ =	shalt  }
0x77: {  	_ =	shalt  }
0x78: {  	_ =	shalt  }
0x79: {  	_ =	shalt  }
0x7a: {  	_ =	shalt  }
0x7b: {  	_ =	shalt  }
0x7c: {  	_ =	shalt  }
0x7d: {  	_ =	shalt  }
0x7e: {  	_ =	shalt  }
0x7f: {  	_ =	shalt  }
0x80: {  	_ =	shalt  }
0x81: {  	_ =	shalt  }
0x82: {  	_ =	shalt  }
0x83: {  	_ =	shalt  }
0x84: {  	_ =	shalt  }
0x85: {  	_ =	shalt  }
0x86: {  	_ =	shalt  }
0x87: {  	_ =	shalt  }
.Lfunc_end0:
.L_simem_size_0:
called_computation.1_lowered:
.L_overlay_start_0:
0x88: {  	s2 =	sld [smem:$0x3FD9]  }
0x89: {  	s3 =	sld [smem:$0x3FFE];
	_ =	sdelay $0x1  }
0x8a: {  	s1 =	srdreg.scid  }
0x8b: {  	s0 =	sand.u32 $0x1, s1  }
0x8c: {  	s17 =	sshll.u32 s0, $0xA;
	s2 =	sadd.s32 s3, s2  }
0x8d: {  	s2 =	sadd.s32 s2, s17  }
0x8e: {  	[smem:$0x3FC5] =	sst s2  }
0x8f: {  	_ = 	snop  }
0x90: {  	s2 =	sld [smem:$0x3FD0];
	(tm) =	ssettm $0x1  }
0x91: {  	s18 =	sld [smem:$0x3FFB];
	_ =	sdelay $0x3  }
0x92: {  	_ =	strace s18  }
0x93: {  	s3 =	sld [smem:$0x3FFC];
	_ =	sdelay $0x3  }
0x94: {  	_ =	strace s3  }
0x95: {  	s3 =	sld [smem:$0x3FFD];
	_ =	sdelay $0x3  }
0x96: {  	_ =	strace s3  }
0x97: {  	_ =	strace $0x8FFFFFFF  }
0x98: {  	s19 =	sld [smem:$0x3FDB];
	_ =	sdelay $0x1  }
0x99: {  	s4 =	simm.s32 $_scs_section_size  }
0x9a: {  	s5 =	simm.s32 $_size__tile_overlayer_lowered;
	s6 =	simm.s32 $_tile_overlayer_lowered  }
0x9b: {  	s22 =	simm.s32 $0x1BFF;
	s21 =	sshll.u32 s6, $0x1;
	s3 =	sadd.s32 s4, s19  }
0x9c: {  	s7 =	simm.s32 $0x0;
	s20 =	sshll.u32 s5, $0x1;
	s5 =	sadd.s32 s21, s3  }
0x9d: {  	[timem:s7], [sflag:s22] =	dma.local [hbm:s5], s20  }
0x9e: {  	_ =	swait.ge [sflag:s22], s20  }
0x9f: {  	s4 =	ssub.s32 $0x0, s20;
	[sflag:s22] =	ssyncset.done $0x0  }
0xa0: {  	[sflag:s22] =	ssyncadd.s32 s4;
	_ =	sdelay $0x1  }
0xa1: {  	s23 =	simm.s32 $0x1B8B  }
0xa2: {  	_ =	swait.ge [sflag:s23], $0x1  }
0xa3: {  	[sflag:s23] =	ssyncset.done $0x0  }
0xa4: {  	s25 =	simm.s32 $0x1B8E;
	s24 =	sld [smem:$0x3FFE];
	[sflag:s23] =	ssyncadd.s32 $0xFFFFFFFF  }
0xa5: {  	s26 =	simm.s32 $execute0_lowered;
	[smem:$0x3FD2] =	sst s25  }
0xa6: {  	s5 =	sshll.u32 s26, $0x1;
	_ =	strace $0x80000049;
	[dreg:$0x1] =	wrdreg $0xFFFFFFFF  }
0xa7: {  	s28 =	simm.s32 $_size_execute0_lowered;
	s3 =	sadd.s32 s3, s5;
	[dreg:$0x0] =	wrdreg $0x0  }
0xa8: {  	s5 =	sshll.u32 s28, $0x1;
	[dreg:$0x2] =	wrdreg s3  }
0xa9: {  	[dreg:$0x3] =	wrdreg s5  }
0xaa: {  	[dreg:$0x4] =	wrdreg $0xC0  }
0xab: {  	_ =	task [dreg:s7], $0x5FFFF  }
0xac: {  	[dreg:$0x1] =	wrdreg $0xFFFFFFFF  }
0xad: {  	[dreg:$0x0] =	wrdreg $0x60  }
0xae: {  	[dreg:$0x2] =	wrdreg s24  }
0xaf: {  	[dreg:$0x3] =	wrdreg s2  }
0xb0: {  	[dreg:$0x4] =	wrdreg $0x9  }
0xb1: {  	_ =	task.clear_ibuf [dreg:s7], $0x5FFFF;
	_ =	strace $0x90000049  }
0xb2: {  	s29 =	simm.s32 $0x9;
	_ =	strace $0x8000004B  }
0xb3: {  	_ =	swait.ge [sflag:s29], $0x1  }
0xb4: {  	[sflag:s29] =	ssyncadd.s32 $0xFFFFFFFF  }
0xb5: {  	_ =	strace $0x9000004B  }
0xb6: {  	_ =	sfence  }
0xb7: {  	s30 =	sld [smem:$0x0];
	_ =	sdelay $0x2  }
0xb8: {  	s31 =	sshll.u32 s1, $0xD;
	s1 =	sshrl.u32 s1, $0x2  }
0xb9: {  	s3 =	sand.u32 $0x4000, s31;
	s1 =	sadd.s32 s1, s30  }
0xba: {  	s0 =	sor.u32 s3, s0;
	s1 =	sshll.u32 s1, $0x11  }
0xbb: {  	s0 =	sor.u32 s1, s0  }
0xbc: {  	s0 =	sadd.s32 $0x8F2B, s0  }
0xbd: {  	[sflag:s0] =	ssyncadd.remote.s32 $0x1  }
0xbe: {  	_ =	sfence.sel $0xFFFF  }
0xbf: {  	[dreg:$0x0] =	wrdreg $0xFFFFFFFF;
	(pc) =	sbr.abs _section_cstart, $3  }
0xc0: {  	[dreg:$0x1] =	wrdreg $0xFFFFFFFF  }
0xc1: {  	_ =	task.clear_ibuf [dreg:s7], $0x2FFFF;
	_ =	strace $0x9FFFFFFF  }
0xc2: {  	(tm) =	ssettm $0x7FFFFFFF  }
0xc3: {  	_ =	shalt  }
tec
execute0_lowered:
.L_overlay_start_1:
0x0: {  	(tag) =	ssettag $0x1  }
0x1: {  	s0 =	rddreg [dreg:$0x0]  }
0x2: {  	s1 =	rddreg [dreg:$0x1]  }
0x3: {  	s2 =	simm.s32 $0x0;
	s3 =	srdreg.scid;
	s7 =	stileid.u32  }
0x4: {  	s28 =	simm.s32 $0x2;
	s29 =	simm.s32 $0x3800;
	s30 =	simm.s32 $0x13800  }
0x5: {  	s31 =	simm.s32 $0x3;
	[smem:$0x7FF] =	sst s2;
	s4 =	sadd.s32 $0x880E00, s0  }
0x6: {  	s5 =	sadd.s32 $0x840E00, s0;
	s6 =	sadd.s32 $0x800E00, s0;
	s3 =	sand.u32 $0x1, s3  }
0x7: {  	s8 =	sshll.u32 s7, $0x11;
	s7 =	sadd.s32 $0xC00, s0;
	s0 =	sadd.s32 $0x800C00, s0  }
0x8: {  	_ =	strace $0x8000004A;
	s9 =	ssub.s32 $0x2, s3;
	s3 =	sshll.u32 s3, $0x10  }
0x9: {  	[dreg:$0x3] =	wrdreg s0;
	s10 =	sshrl.u32 s9, $0x1;
	s8 =	sor.u32 s3, s8  }
0xa: {  	s22 =	ssub.s32 s9, s10;
	s3 =	sshrl.u32 s8, $0x3;
	s25 =	sshrl.u32 s8, $0x1  }
0xb: {  	s13 =	sadd.s32 $0x3FFFFC00, s8;
	s14 =	sor.u32 $0x800, s8;
	s15 =	sshll.u32 s8, $0x2  }
0xc: {  	s9 =	simm.s32 $0x0;
	s23 =	sadd.s32 s4, s3;
	s24 =	sadd.s32 s5, s3  }
0xd: {  	s3 =	sadd.s32 s6, s3;
	s26 =	sadd.s32 s25, s1;
	[dreg:$0x4] =	wrdreg s23  }
0xe: {  	s0 =	smax.u32 s22, $0x1;
	s22 =	simm.s32 $0x1;
	[dreg:$0x5] =	wrdreg s24  }
0xf: {  	s25 =	simm.s32 $0x1400;
	[dreg:$0x6] =	wrdreg s3;
	s3 =	sadd.s32 $0x7E00, s26  }
0x10: {  	v0 =	vimm.s32 $0x1;
	v1 =	vimm.s32 $0x2;
	v4 =	vlaneseq.u32;
	[dreg:$0x8] =	wrdreg s0;
	s23 =	simm.s32 $0x400;
	s24 =	simm.s32 $0xC00  }
0x11: {  	v2 =	vimm.s32 $0x3;
	v3 =	vimm.s32 $0x4;
	v4 =	vmul.u32 $0x20, v4;
	s26 =	simm.s32 $0x80;
	[dreg:$0x7] =	wrdreg s3;
	s3 =	simm.s32 $0x14800  }
.LBB2_1:
0x12: {  	[dreg:$0x9] =	wrdreg s9  }
0x13: {  	s0 =	rddreg [dreg:$0x3];
	s12 =	simm.s32 $0x15800;
	s16 =	simm.s32 $0x6  }
0x14: {  	[tilespmem:s12], [sflag:$0x6] =	stream.linear.gather [hbm4b:s0+s2], $0x10, $0x38;
	[tilespmem:$0x15810] =	vst v63  }
0x15: {  	_ =	swait.ge [sflag:s16], $0x10  }
0x16: {  	[sflag:s16] =	ssyncset.done $0x0  }
0x17: {  	[sflag:s16] =	ssyncadd.s32 $0xFFFFFFF0  }
0x18: {  	v8 =	vld.idx.msk [tilespmem:v0+s12+$0x0], $0xffff  }
0x19: {  	v7 =	vld.idx.msk [tilespmem:v1+s12+$0x0], $0xffff  }
0x1a: {  	s17 =	rddreg [dreg:$0x4];
	v6 =	vld.idx.msk [tilespmem:v2+s12+$0x0], $0xffff  }
0x1b: {  	v5 =	vld.idx.msk [tilespmem:v3+s12+$0x0], $0xffff;
	[tilespmem:s2], [sflag:$0x1] =	stream.linear.gather [hbm4b:s17+s2], $0x400, $0x38  }
0x1c: {  	s19 =	simm.s32 $0x800;
	s18 =	rddreg [dreg:$0x5]  }
0x1d: {  	[tilespmem:s19], [sflag:$0x1] =	stream.linear.gather [hbm4b:s18+s2], $0x400, $0x38;
	[tilespmem:$0x15810] =	vst v63  }
0x1e: {  	s21 =	simm.s32 $0x1000;
	s9 =	simm.s32 $0x0;
	s20 =	rddreg [dreg:$0x6]  }
0x1f: {  	[tilespmem:s21], [sflag:$0x1] =	stream.linear.gather [hbm4b:s20+s2], $0x400, $0x38;
	[tilespmem:$0x15810] =	vst v63  }
.LBB2_2:
0x20: {  	_ =	swait.ge [sflag:s22], $0x400  }
0x21: {  	[sflag:s22] =	ssyncset.done $0x0  }
0x22: {  	[sflag:s22] =	ssyncadd.s32 $0xFFFFFC00  }
0x23: {  	_ =	swait.ge [sflag:s22], $0x400  }
0x24: {  	s10 =	sshll.u32 s9, $0xB;
	[sflag:s22] =	ssyncset.done $0x0  }
0x25: {  	s0 =	sor.u32 s10, s8;
	[sflag:s22] =	ssyncadd.s32 $0xFFFFFC00  }
0x26: {  	s0 =	sshrl.u32 s0, $0x3;
	_ =	swait.ge [sflag:s22], $0x400  }
0x27: {  	s11 =	simm.s32 $0x0;
	s0 =	sor.u32 $0x80, s0;
	[sflag:s22] =	ssyncset.done $0x0  }
0x28: {  	s16 =	simm.s32 $0x1800;
	s12 =	sadd.s32 s4, s0;
	[sflag:s22] =	ssyncadd.s32 $0xFFFFFC00  }
0x29: {  	[tilespmem:s23], [sflag:$0x1] =	stream.linear.gather [hbm4b:s12+s11], $0x400, $0x38;
	[tilespmem:$0x15810] =	vst v63  }
0x2a: {  	s17 =	simm.s32 $0x1000;
	s19 =	simm.s32 $0x800;
	s21 =	sadd.s32 s5, s0  }
0x2b: {  	[tilespmem:s24], [sflag:$0x1] =	stream.linear.gather [hbm4b:s21+s11], $0x400, $0x38;
	[tilespmem:$0x15810] =	vst v63  }
0x2c: {  	s20 =	simm.s32 $0x0;
	s0 =	sadd.s32 s6, s0;
	s12 =	simm.s32 $0x3000  }
0x2d: {  	[tilespmem:s25], [sflag:$0x1] =	stream.linear.gather [hbm4b:s0+s11], $0x400, $0x38;
	[tilespmem:$0x15810] =	vst v63  }
.LBB2_3:
0x2e: {  	v9 =	vmov s11  }
0x2f: {  	v10 =	vmov s19  }
0x30: {  	v11 =	vmov s17;
	_ =	sdelay $0x1  }
0x31: {  	s18 =	simm.s32 $0x0  }
0x32: {  	v12 =	vld.idx.msk [tilespmem:v9+s18+$0x0 ss:$0x1], $0xffff  }
0x33: {  	v13 =	vld.idx.msk [tilespmem:v10+s18+$0x0 ss:$0x1], $0xffff  }
0x34: {  	v14 =	vld.idx.msk [tilespmem:v11+s18+$0x0 ss:$0x1], $0xffff;
	_ =	sdelay $0x2  }
0x35: {  	v12 =	vadd.f32 $1.000000000e+00, v12  }
0x36: {  	v13 =	vadd.f32 $1.000000000e+00, v13  }
0x37: {  	v14 =	vadd.f32 $1.000000000e+00, v14;
	v12 =	vmul.f32 $6.400000000e+01, v12  }
0x38: {  	v13 =	vmul.f32 $6.400000000e+01, v13  }
0x39: {  	v14 =	vmul.f32 $6.400000000e+01, v14;
	v12 =	vadd.f32 $-5.000000000e-01, v12  }
0x3a: {  	v13 =	vadd.f32 $-5.000000000e-01, v13  }
0x3b: {  	v16 =	vadd.f32 $-5.000000000e-01, v14;
	v15 =	vmax.f32 v12, $0.0e+00  }
0x3c: {  	v12 =	vmov s12;
	v13 =	vmax.f32 v13, $0.0e+00;
	v14 =	vmin.f32 v15, $1.270000000e+02  }
0x3d: {  	v15 =	vmin.f32 v13, $1.270000000e+02;
	v13 =	vmax.f32 v16, $0.0e+00;
	v17 =	vtrunc.f32 v14  }
0x3e: {  	v16 =	vmin.f32 v13, $1.270000000e+02;
	v18 =	vtrunc.f32 v15;
	v17 =	vcvt.f32.s32 v17  }
0x3f: {  	s0 =	simm.s32 $0x40;
	v13 =	vmov s16;
	v18 =	vcvt.f32.s32 v18;
	v19 =	vtrunc.f32 v16  }
.LBB2_4:
0x40: {  	p0 =	sne.s32 s0, $0x1C0;
	v19 =	vcvt.f32.s32 v19;
	s21 =	smov.u32 s0;
	s0 =	sadd.s32 $0x40, s0  }
0x41: {  	v20 =	vcvt.s32.f32 v17;
	v21 =	vcvt.s32.f32 v18;
	v18 =	vshll.u32 v18, $0x7  }
0x42: {  	v22 =	vcvt.s32.f32 v19;
	v19 =	vshll.u32 v19, $0xE;
	v17 =	vadd.s32 v17, v18  }
0x43: {  	s21 =	sshra.s32 s21, $0x2;
	v14 =	vsub.f32 v14, v20;
	v15 =	vsub.f32 v15, v21;
	v17 =	vadd.s32 v19, v17  }
0x44: {  	v16 =	vsub.f32 v16, v22;
	[tilespmem:v12+s18+$0x0 ss:$0x1] =	vst.idx.msk $0xffff, v17  }
0x45: {  	[tilespmem:v13+s18+$0x0 ss:$0x1] =	vst.idx.msk $0xffff, v14  }
0x46: {  	[tilespmem:v13+s18+$0x400 ss:$0x1] =	vst.idx.msk $0xffff, v15  }
0x47: {  	[tilespmem:v13+s18+$0x800 ss:$0x1] =	vst.idx.msk $0xffff, v16;
	s18 =	smov.u32 s21  }
0x48: {  	v14 =	vld.idx.msk [tilespmem:v9+s18+$0x0 ss:$0x1], $0xffff  }
0x49: {  	v15 =	vld.idx.msk [tilespmem:v10+s18+$0x0 ss:$0x1], $0xffff  }
0x4a: {  	v16 =	vld.idx.msk [tilespmem:v11+s18+$0x0 ss:$0x1], $0xffff;
	_ =	sdelay $0x3  }
0x4b: {  	v14 =	vadd.f32 $1.000000000e+00, v14  }
0x4c: {  	v15 =	vadd.f32 $1.000000000e+00, v15  }
0x4d: {  	v14 =	vmul.f32 $6.400000000e+01, v14;
	v16 =	vadd.f32 $1.000000000e+00, v16  }
0x4e: {  	v15 =	vmul.f32 $6.400000000e+01, v15  }
0x4f: {  	v14 =	vadd.f32 $-5.000000000e-01, v14;
	v16 =	vmul.f32 $6.400000000e+01, v16  }
0x50: {  	v15 =	vadd.f32 $-5.000000000e-01, v15  }
.Ltmp0:
0x51: {  	v14 =	vmax.f32 v14, $0.0e+00;
	v16 =	vadd.f32 $-5.000000000e-01, v16;
	(pc) =	sbr.rel @p0 .LBB2_4-.Ltmp0, $4  }
0x52: {  	v14 =	vmin.f32 v14, $1.270000000e+02;
	v15 =	vmax.f32 v15, $0.0e+00  }
0x53: {  	v15 =	vmin.f32 v15, $1.270000000e+02;
	v16 =	vmax.f32 v16, $0.0e+00;
	v17 =	vtrunc.f32 v14  }
0x54: {  	v16 =	vmin.f32 v16, $1.270000000e+02;
	v17 =	vcvt.f32.s32 v17;
	v18 =	vtrunc.f32 v15  }
0x55: {  	v18 =	vcvt.f32.s32 v18;
	v19 =	vtrunc.f32 v16  }
0x56: {  	v9 =	vcvt.f32.s32 v19  }
0x57: {  	v10 =	vcvt.s32.f32 v17;
	v11 =	vshll.u32 v18, $0x7  }
0x58: {  	s0 =	sshll.u32 s20, $0xC;
	s21 =	sshll.u32 s20, $0x7;
	s20 =	sadd.s32 $0x1, s20;
	v62 =	vcvt.s32.f32 v18;
	v19 =	vshll.u32 v9, $0xE;
	v11 =	vadd.s32 v17, v11  }
0x59: {  	p0 =	sne.s32 s20, $0x8;
	v9 =	vcvt.s32.f32 v9;
	v10 =	vsub.f32 v14, v10;
	v11 =	vadd.s32 v19, v11  }
.Ltmp1:
0x5a: {  	v63 =	vsub.f32 v15, v62;
	[tilespmem:v12+s18+$0x0 ss:$0x1] =	vst.idx.msk $0xffff, v11;
	(pc) =	sbr.rel @p0 .LBB2_3-.Ltmp1, $4  }
0x5b: {  	s12 =	sadd.s32 $0x80, s12;
	s11 =	sadd.s32 $0x80, s11;
	s16 =	sadd.s32 $0x80, s16;
	v9 =	vsub.f32 v16, v9;
	[tilespmem:v13+s18+$0x0 ss:$0x1] =	vst.idx.msk $0xffff, v10  }
0x5c: {  	s17 =	sadd.s32 $0x80, s17;
	s0 =	sand.u32 $0x3FFFF000, s0;
	s21 =	sand.u32 $0x3FFFFF80, s21;
	[tilespmem:v13+s18+$0x400 ss:$0x1] =	vst.idx.msk $0xffff, v63  }
0x5d: {  	s19 =	sadd.s32 $0x80, s19;
	s0 =	sadd.s32 $0x3800, s0;
	s21 =	sadd.s32 $0x3000, s21;
	[tilespmem:v13+s18+$0x800 ss:$0x1] =	vst.idx.msk $0xffff, v9  }
0x5e: {  	[tilespmem:s0], [sflag:$0x2] =	stream.indirect.gather [hbm4b:s7+s26], $0x20, s21, s26, $0xb8;
	[tilespmem:$0x15810] =	vst v63  }
0x5f: {  	p0 =	seq.s32 s9, $0x0  }
.Ltmp2:
0x60: {  	_ = 	snop;
	(pc) =	sbr.rel @p0 .LBB2_10-.Ltmp2, $1  }
0x61: {  	_ =	sdelay $0x3  }
0x62: {  	_ =	swait.ge [sflag:s31], $0x8000  }
0x63: {  	p1 =	seq.s32 s9, $0x1;
	[sflag:s31] =	ssyncset.done $0x0  }
0x64: {  	s0 =	simm.s32 @!p1 $0x5;
	[sflag:s31] =	ssyncadd.s32 $0xFFFF8000  }
0x65: {  	_ =	swait.ge @!p1 [sflag:s0], $0x1000  }
0x66: {  	[sflag:s0] =	ssyncset.done @!p1 $0x0  }
0x67: {  	s19 =	simm.s32 $0x400;
	s11 =	simm.s32 $0x0;
	[sflag:s0] =	ssyncadd.s32 @!p1 $0xFFFFF000  }
0x68: {  	v9 =	vmov s19;
	v10 =	vld [tilespmem:s11+$0x2C00]  }
0x69: {  	v9 =	vshll.u32 v9, $0x5;
	v11 =	vld [tilespmem:s11+$0x2800]  }
0x6a: {  	v9 =	vor.u32 v4, v9  }
0x6b: {  	v12 =	vld [tilespmem:s11+$0x2400]  }
0x6c: {  	v13 =	vor.u32 $0x4, v9;
	_ =	sdelay $0x1  }
0x6d: {  	v14 =	vor.u32 $0x8, v9;
	v15 =	vsub.f32 $1.000000000e+00, v10;
	v16 =	vsub.f32 $1.000000000e+00, v11  }
0x6e: {  	v17 =	vld.idx.msk [tilespmem:v9+s29+$0x0], $0xffff  }
0x6f: {  	v18 =	vor.u32 $0xC, v9;
	v19 =	vsub.f32 $1.000000000e+00, v12;
	v20 =	vmul.f32 v15, v16  }
0x70: {  	v13 =	vld.idx.msk [tilespmem:v13+s29+$0x0], $0xffff  }
0x71: {  	v21 =	vor.u32 $0x10, v9;
	v22 =	vmul.f32 v20, v19  }
0x72: {  	v14 =	vld.idx.msk [tilespmem:v14+s29+$0x0], $0xffff;
	v15 =	vmul.f32 v15, v11  }
0x73: {  	v23 =	vor.u32 $0x14, v9;
	v20 =	vmul.f32 v20, v12;
	v17 =	vmul.f32 v22, v17  }
0x74: {  	v24 =	vor.u32 $0x18, v9;
	v18 =	vld.idx.msk [tilespmem:v18+s29+$0x0], $0xffff  }
0x75: {  	v25 =	vmul.f32 v15, v19;
	v13 =	vmul.f32 v20, v13;
	v17 =	vadd.f32 v17, v8  }
0x76: {  	v26 =	vor.u32 $0x1C, v9;
	v21 =	vld.idx.msk [tilespmem:v21+s29+$0x0], $0xffff;
	v16 =	vmul.f32 v16, v10  }
0x77: {  	v15 =	vmul.f32 v15, v12;
	v14 =	vmul.f32 v14, v25;
	v13 =	vadd.f32 v17, v13  }
0x78: {  	v51 =	vld.idx.msk [tilespmem:v23+s29+$0x0], $0xffff  }
0x79: {  	v23 =	vmul.f32 v16, v19;
	v52 =	vmul.f32 v18, v15;
	v13 =	vadd.f32 v13, v14  }
0x7a: {  	v10 =	vmul.f32 v10, v11;
	v11 =	vld.idx.msk [tilespmem:v24+s29+$0x0], $0xffff  }
0x7b: {  	v16 =	vmul.f32 v16, v12;
	v53 =	vmul.f32 v21, v23;
	v13 =	vadd.f32 v13, v52  }
0x7c: {  	v54 =	vld.idx.msk [tilespmem:v26+s29+$0x0], $0xffff  }
0x7d: {  	v19 =	vmul.f32 v10, v19;
	v55 =	vmul.f32 v51, v16;
	v13 =	vadd.f32 v13, v53;
	_ =	sdelay $0x1  }
0x7e: {  	v10 =	vmul.f32 v10, v12;
	v11 =	vmul.f32 v11, v19;
	v56 =	vadd.f32 v13, v55;
	_ =	sdelay $0x1  }
0x7f: {  	s20 =	simm.s32 $0x0;
	s21 =	simm.s32 $0x0;
	v58 =	vor.u32 $0x1, v9;
	v57 =	vmul.f32 v54, v10;
	v11 =	vadd.f32 v56, v11  }
0x80: {  	s0 =	sand.u32 $0xE00, s20;
	s11 =	sand.u32 $0x70, s21  }
0x81: {  	v59 =	vor.u32 $0x5, v9;
	s0 =	sor.u32 s11, s0;
	v11 =	vadd.f32 v11, v57  }
0x82: {  	s16 =	sadd.s32 $0x13800, s0  }
0x83: {  	[tilespmem:s16+$0x1000] =	vst v11;
	v11 =	vor.u32 $0x9, v9  }
0x84: {  	v13 =	vld.idx.msk [tilespmem:v58+s29+$0x0], $0xffff  }
0x85: {  	v60 =	vor.u32 $0xD, v9  }
0x86: {  	v12 =	vld.idx.msk [tilespmem:v59+s29+$0x0], $0xffff  }
0x87: {  	v61 =	vor.u32 $0x11, v9  }
0x88: {  	v11 =	vld.idx.msk [tilespmem:v11+s29+$0x0], $0xffff  }
0x89: {  	v62 =	vor.u32 $0x15, v9;
	v13 =	vmul.f32 v13, v22  }
0x8a: {  	v14 =	vld.idx.msk [tilespmem:v60+s29+$0x0], $0xffff  }
0x8b: {  	v63 =	vor.u32 $0x19, v9;
	v12 =	vmul.f32 v12, v20;
	v13 =	vadd.f32 v13, v7  }
0x8c: {  	v17 =	vld.idx.msk [tilespmem:v61+s29+$0x0], $0xffff  }
0x8d: {  	v28 =	vor.u32 $0x1D, v9;
	v12 =	vadd.f32 v12, v13;
	v11 =	vmul.f32 v11, v25  }
0x8e: {  	v29 =	vld.idx.msk [tilespmem:v62+s29+$0x0], $0xffff  }
0x8f: {  	v30 =	vmul.f32 v14, v15;
	v11 =	vadd.f32 v11, v12  }
0x90: {  	v31 =	vld.idx.msk [tilespmem:v63+s29+$0x0], $0xffff  }
0x91: {  	v32 =	vmul.f32 v17, v23;
	v11 =	vadd.f32 v30, v11  }
0x92: {  	v33 =	vld.idx.msk [tilespmem:v28+s29+$0x0], $0xffff  }
0x93: {  	v34 =	vmul.f32 v29, v16;
	v11 =	vadd.f32 v32, v11;
	_ =	sdelay $0x1  }
0x94: {  	v35 =	vmul.f32 v31, v19;
	v11 =	vadd.f32 v34, v11;
	_ =	sdelay $0x1  }
0x95: {  	v37 =	vor.u32 $0x2, v9;
	v36 =	vmul.f32 v33, v10;
	v11 =	vadd.f32 v35, v11;
	_ =	sdelay $0x1  }
0x96: {  	v38 =	vor.u32 $0x6, v9;
	v11 =	vadd.f32 v36, v11;
	_ =	sdelay $0x1  }
0x97: {  	[tilespmem:s16+$0x1080] =	vst v11;
	v11 =	vor.u32 $0xA, v9  }
0x98: {  	v13 =	vld.idx.msk [tilespmem:v37+s29+$0x0], $0xffff  }
0x99: {  	v39 =	vor.u32 $0xE, v9  }
0x9a: {  	v12 =	vld.idx.msk [tilespmem:v38+s29+$0x0], $0xffff  }
0x9b: {  	v40 =	vor.u32 $0x12, v9  }
0x9c: {  	v11 =	vld.idx.msk [tilespmem:v11+s29+$0x0], $0xffff  }
0x9d: {  	v41 =	vor.u32 $0x16, v9;
	v13 =	vmul.f32 v13, v22  }
0x9e: {  	v14 =	vld.idx.msk [tilespmem:v39+s29+$0x0], $0xffff  }
0x9f: {  	v42 =	vor.u32 $0x1A, v9;
	v12 =	vmul.f32 v12, v20;
	v13 =	vadd.f32 v13, v6  }
0xa0: {  	v17 =	vld.idx.msk [tilespmem:v40+s29+$0x0], $0xffff  }
0xa1: {  	v43 =	vor.u32 $0x1E, v9;
	v12 =	vadd.f32 v12, v13;
	v11 =	vmul.f32 v11, v25  }
0xa2: {  	v44 =	vld.idx.msk [tilespmem:v41+s29+$0x0], $0xffff  }
0xa3: {  	v45 =	vmul.f32 v14, v15;
	v11 =	vadd.f32 v11, v12  }
0xa4: {  	v46 =	vld.idx.msk [tilespmem:v42+s29+$0x0], $0xffff  }
0xa5: {  	v47 =	vmul.f32 v17, v23;
	v11 =	vadd.f32 v45, v11  }
0xa6: {  	v48 =	vld.idx.msk [tilespmem:v43+s29+$0x0], $0xffff  }
0xa7: {  	v49 =	vmul.f32 v44, v16;
	v11 =	vadd.f32 v47, v11;
	_ =	sdelay $0x1  }
0xa8: {  	v50 =	vmul.f32 v46, v19;
	v11 =	vadd.f32 v49, v11;
	_ =	sdelay $0x1  }
0xa9: {  	v52 =	vor.u32 $0x3, v9;
	v51 =	vmul.f32 v48, v10;
	v11 =	vadd.f32 v50, v11;
	_ =	sdelay $0x1  }
0xaa: {  	v53 =	vor.u32 $0x7, v9;
	v11 =	vadd.f32 v51, v11;
	_ =	sdelay $0x1  }
0xab: {  	v54 =	vor.u32 $0xB, v9;
	[tilespmem:s16+$0x1100] =	vst v11  }
0xac: {  	v11 =	vld.idx.msk [tilespmem:v52+s29+$0x0], $0xffff  }
0xad: {  	v55 =	vor.u32 $0xF, v9  }
0xae: {  	v14 =	vld.idx.msk [tilespmem:v53+s29+$0x0], $0xffff  }
0xaf: {  	v56 =	vor.u32 $0x13, v9  }
0xb0: {  	v12 =	vld.idx.msk [tilespmem:v54+s29+$0x0], $0xffff  }
0xb1: {  	v57 =	vor.u32 $0x17, v9;
	v11 =	vmul.f32 v11, v22  }
0xb2: {  	v13 =	vld.idx.msk [tilespmem:v55+s29+$0x0], $0xffff  }
0xb3: {  	v58 =	vor.u32 $0x1B, v9;
	v14 =	vmul.f32 v14, v20;
	v11 =	vadd.f32 v11, v5  }
0xb4: {  	v17 =	vld.idx.msk [tilespmem:v56+s29+$0x0], $0xffff  }
0xb5: {  	v9 =	vor.u32 $0x1F, v9;
	v12 =	vmul.f32 v12, v25;
	v11 =	vadd.f32 v14, v11  }
0xb6: {  	v59 =	vld.idx.msk [tilespmem:v57+s29+$0x0], $0xffff  }
0xb7: {  	v60 =	vmul.f32 v13, v15;
	v11 =	vadd.f32 v12, v11  }
0xb8: {  	v61 =	vld.idx.msk [tilespmem:v58+s29+$0x0], $0xffff  }
0xb9: {  	v62 =	vmul.f32 v17, v23;
	v11 =	vadd.f32 v60, v11  }
0xba: {  	v9 =	vld.idx.msk [tilespmem:v9+s29+$0x0], $0xffff  }
0xbb: {  	v63 =	vmul.f32 v59, v16;
	v11 =	vadd.f32 v62, v11;
	_ =	sdelay $0x1  }
0xbc: {  	v13 =	vmul.f32 v61, v19;
	v11 =	vadd.f32 v63, v11;
	_ =	sdelay $0x1  }
0xbd: {  	v9 =	vmul.f32 v9, v10;
	v11 =	vadd.f32 v13, v11  }
0xbe: {  	s17 =	simm.s32 $0x10  }
0xbf: {  	s12 =	simm.s32 $0x410;
	s19 =	simm.s32 $0x80;
	s11 =	simm.s32 $0x40;
	v9 =	vadd.f32 v9, v11  }
.LBB2_8:
0xc0: {  	s0 =	sshra.s32 s19, $0x2  }
0xc1: {  	p1 =	sne.s32 s19, $0xFC0;
	v10 =	vmov s12;
	[tilespmem:s16+$0x1180] =	vst v9;
	s16 =	smov.u32 s19;
	s19 =	sadd.s32 $0x40, s19  }
0xc2: {  	v11 =	vld [tilespmem:s17+$0x2C00];
	v9 =	vshll.u32 v10, $0x5  }
0xc3: {  	v10 =	vld [tilespmem:s17+$0x2800];
	v9 =	vor.u32 v4, v9  }
0xc4: {  	v12 =	vor.u32 $0x4, v9;
	v13 =	vor.u32 $0x8, v9;
	v14 =	vor.u32 $0xC, v9  }
0xc5: {  	v16 =	vor.u32 $0x10, v9;
	v17 =	vor.u32 $0x14, v9;
	v18 =	vor.u32 $0x18, v9;
	v15 =	vld [tilespmem:s17+$0x2400];
	s17 =	smov.u32 s0  }
0xc6: {  	v19 =	vor.u32 $0x1C, v9  }
0xc7: {  	v20 =	vsub.f32 $1.000000000e+00, v11  }
0xc8: {  	v21 =	vsub.f32 $1.000000000e+00, v10;
	v22 =	vmul.f32 v11, v10;
	v23 =	vld.idx.msk [tilespmem:v9+s29+$0x0], $0xffff  }
0xc9: {  	v24 =	vmul.f32 v20, v10  }
0xca: {  	v25 =	vsub.f32 $1.000000000e+00, v15;
	v20 =	vmul.f32 v20, v21;
	v21 =	vmul.f32 v21, v11;
	v12 =	vld.idx.msk [tilespmem:v12+s29+$0x0], $0xffff;
	_ =	sdelay $0x1  }
0xcb: {  	v11 =	vmul.f32 v20, v25;
	v10 =	vmul.f32 v21, v15;
	v26 =	vld.idx.msk [tilespmem:v13+s29+$0x0], $0xffff;
	_ =	sdelay $0x1  }
0xcc: {  	v13 =	vmul.f32 v20, v15;
	v20 =	vmul.f32 v11, v23;
	v23 =	vld.idx.msk [tilespmem:v14+s29+$0x0], $0xffff;
	_ =	sdelay $0x1  }
0xcd: {  	v14 =	vmul.f32 v24, v25;
	v27 =	vmul.f32 v13, v12;
	v20 =	vadd.f32 v20, v8;
	v28 =	vld.idx.msk [tilespmem:v16+s29+$0x0], $0xffff;
	_ =	sdelay $0x1  }
0xce: {  	v12 =	vmul.f32 v24, v15;
	v24 =	vmul.f32 v26, v14;
	v20 =	vadd.f32 v20, v27;
	v26 =	vld.idx.msk [tilespmem:v17+s29+$0x0], $0xffff;
	_ =	sdelay $0x1  }
0xcf: {  	v16 =	vmul.f32 v21, v25;
	v17 =	vadd.f32 v20, v24;
	v20 =	vmul.f32 v23, v12;
	v18 =	vld.idx.msk [tilespmem:v18+s29+$0x0], $0xffff;
	_ =	sdelay $0x1  }
0xd0: {  	v21 =	vmul.f32 v28, v16;
	v20 =	vadd.f32 v17, v20;
	v19 =	vld.idx.msk [tilespmem:v19+s29+$0x0], $0xffff;
	_ =	sdelay $0x1  }
0xd1: {  	v17 =	vmul.f32 v22, v25;
	v20 =	vadd.f32 v20, v21;
	v21 =	vmul.f32 v26, v10;
	_ =	sdelay $0x1  }
0xd2: {  	v15 =	vmul.f32 v22, v15;
	v18 =	vmul.f32 v18, v17;
	v20 =	vadd.f32 v20, v21;
	_ =	sdelay $0x1  }
0xd3: {  	s0 =	sadd.s32 $0xFFFFFC00, s12;
	v19 =	vmul.f32 v19, v15;
	v18 =	vadd.f32 v20, v18;
	v20 =	vor.u32 $0x1, v9  }
0xd4: {  	s18 =	sand.u32 $0xE00, s11;
	s11 =	smov.u32 s16;
	s0 =	sand.u32 $0x70, s0  }
0xd5: {  	s0 =	sor.u32 s0, s18;
	v18 =	vadd.f32 v18, v19;
	v19 =	vor.u32 $0x5, v9  }
0xd6: {  	s16 =	sadd.s32 $0x13800, s0  }
0xd7: {  	[tilespmem:s16+$0x1000] =	vst v18;
	v18 =	vor.u32 $0x9, v9  }
0xd8: {  	v20 =	vld.idx.msk [tilespmem:v20+s29+$0x0], $0xffff  }
0xd9: {  	v21 =	vor.u32 $0xD, v9  }
0xda: {  	v19 =	vld.idx.msk [tilespmem:v19+s29+$0x0], $0xffff  }
0xdb: {  	v22 =	vor.u32 $0x11, v9  }
0xdc: {  	v18 =	vld.idx.msk [tilespmem:v18+s29+$0x0], $0xffff  }
0xdd: {  	v23 =	vor.u32 $0x15, v9  }
0xde: {  	v20 =	vmul.f32 v20, v11;
	v21 =	vld.idx.msk [tilespmem:v21+s29+$0x0], $0xffff  }
0xdf: {  	v24 =	vor.u32 $0x19, v9  }
0xe0: {  	v20 =	vadd.f32 v20, v7;
	v19 =	vmul.f32 v19, v13;
	v22 =	vld.idx.msk [tilespmem:v22+s29+$0x0], $0xffff  }
0xe1: {  	v25 =	vor.u32 $0x1D, v9  }
0xe2: {  	v19 =	vadd.f32 v19, v20;
	v18 =	vmul.f32 v18, v14;
	v20 =	vld.idx.msk [tilespmem:v23+s29+$0x0], $0xffff;
	_ =	sdelay $0x1  }
0xe3: {  	v18 =	vadd.f32 v18, v19;
	v19 =	vmul.f32 v21, v12;
	v21 =	vld.idx.msk [tilespmem:v24+s29+$0x0], $0xffff;
	_ =	sdelay $0x1  }
0xe4: {  	v18 =	vadd.f32 v19, v18;
	v19 =	vmul.f32 v22, v16;
	v22 =	vld.idx.msk [tilespmem:v25+s29+$0x0], $0xffff;
	_ =	sdelay $0x1  }
0xe5: {  	v18 =	vadd.f32 v19, v18;
	v19 =	vmul.f32 v20, v10;
	_ =	sdelay $0x1  }
0xe6: {  	v18 =	vadd.f32 v19, v18;
	v19 =	vmul.f32 v21, v17;
	_ =	sdelay $0x1  }
0xe7: {  	v20 =	vor.u32 $0x2, v9;
	v18 =	vadd.f32 v19, v18;
	v19 =	vmul.f32 v22, v15;
	_ =	sdelay $0x1  }
0xe8: {  	v18 =	vadd.f32 v19, v18;
	v19 =	vor.u32 $0x6, v9;
	_ =	sdelay $0x1  }
0xe9: {  	[tilespmem:s16+$0x1080] =	vst v18;
	v18 =	vor.u32 $0xA, v9  }
0xea: {  	v20 =	vld.idx.msk [tilespmem:v20+s29+$0x0], $0xffff  }
0xeb: {  	v21 =	vor.u32 $0xE, v9  }
0xec: {  	v19 =	vld.idx.msk [tilespmem:v19+s29+$0x0], $0xffff  }
0xed: {  	v22 =	vor.u32 $0x12, v9  }
0xee: {  	v18 =	vld.idx.msk [tilespmem:v18+s29+$0x0], $0xffff  }
0xef: {  	v23 =	vor.u32 $0x16, v9  }
0xf0: {  	v20 =	vmul.f32 v20, v11;
	v21 =	vld.idx.msk [tilespmem:v21+s29+$0x0], $0xffff  }
0xf1: {  	v24 =	vor.u32 $0x1A, v9  }
0xf2: {  	v20 =	vadd.f32 v20, v6;
	v19 =	vmul.f32 v19, v13;
	v22 =	vld.idx.msk [tilespmem:v22+s29+$0x0], $0xffff  }
0xf3: {  	v25 =	vor.u32 $0x1E, v9  }
0xf4: {  	v19 =	vadd.f32 v19, v20;
	v18 =	vmul.f32 v18, v14;
	v20 =	vld.idx.msk [tilespmem:v23+s29+$0x0], $0xffff;
	_ =	sdelay $0x1  }
0xf5: {  	v18 =	vadd.f32 v18, v19;
	v19 =	vmul.f32 v21, v12;
	v21 =	vld.idx.msk [tilespmem:v24+s29+$0x0], $0xffff;
	_ =	sdelay $0x1  }
0xf6: {  	v18 =	vadd.f32 v19, v18;
	v19 =	vmul.f32 v22, v16;
	v22 =	vld.idx.msk [tilespmem:v25+s29+$0x0], $0xffff;
	_ =	sdelay $0x1  }
0xf7: {  	v18 =	vadd.f32 v19, v18;
	v19 =	vmul.f32 v20, v10;
	_ =	sdelay $0x1  }
0xf8: {  	v18 =	vadd.f32 v19, v18;
	v19 =	vmul.f32 v21, v17;
	_ =	sdelay $0x1  }
0xf9: {  	v20 =	vor.u32 $0x3, v9;
	v18 =	vadd.f32 v19, v18;
	v19 =	vmul.f32 v22, v15  }
0xfa: {  	v21 =	vor.u32 $0x7, v9  }
0xfb: {  	v18 =	vadd.f32 v19, v18;
	v19 =	vor.u32 $0xB, v9  }
0xfc: {  	v22 =	vor.u32 $0xF, v9  }
0xfd: {  	[tilespmem:s16+$0x1100] =	vst v18;
	v18 =	vor.u32 $0x13, v9  }
0xfe: {  	v23 =	vor.u32 $0x17, v9;
	v20 =	vld.idx.msk [tilespmem:v20+s29+$0x0], $0xffff  }
0xff: {  	v24 =	vor.u32 $0x1B, v9;
	v21 =	vld.idx.msk [tilespmem:v21+s29+$0x0], $0xffff  }
0x100: {  	v9 =	vor.u32 $0x1F, v9;
	v19 =	vld.idx.msk [tilespmem:v19+s29+$0x0], $0xffff  }
0x101: {  	v22 =	vld.idx.msk [tilespmem:v22+s29+$0x0], $0xffff  }
0x102: {  	v18 =	vld.idx.msk [tilespmem:v18+s29+$0x0], $0xffff  }
0x103: {  	v23 =	vld.idx.msk [tilespmem:v23+s29+$0x0], $0xffff  }
0x104: {  	v11 =	vmul.f32 v20, v11;
	v20 =	vld.idx.msk [tilespmem:v24+s29+$0x0], $0xffff  }
0x105: {  	v13 =	vmul.f32 v21, v13;
	v9 =	vld.idx.msk [tilespmem:v9+s29+$0x0], $0xffff  }
0x106: {  	v11 =	vadd.f32 v11, v5;
	v14 =	vmul.f32 v19, v14;
	_ =	sdelay $0x1  }
0x107: {  	v11 =	vadd.f32 v13, v11;
	v13 =	vmul.f32 v18, v16  }
0x108: {  	v10 =	vmul.f32 v23, v10  }
0x109: {  	v12 =	vmul.f32 v22, v12;
	v11 =	vadd.f32 v14, v11;
	v14 =	vmul.f32 v20, v17;
	_ =	sdelay $0x1  }
0x10a: {  	v11 =	vadd.f32 v12, v11;
	_ =	sdelay $0x1  }
0x10b: {  	v11 =	vadd.f32 v13, v11;
	_ =	sdelay $0x1  }
0x10c: {  	v10 =	vadd.f32 v10, v11  }
.Ltmp3:
0x10d: {  	(pc) =	sbr.rel @p1 .LBB2_8-.Ltmp3, $3  }
0x10e: {  	v9 =	vmul.f32 v9, v15;
	v10 =	vadd.f32 v14, v10;
	_ =	sdelay $0x1  }
0x10f: {  	v9 =	vadd.f32 v9, v10  }
0x110: {  	s12 =	sadd.s32 $0x10, s12  }
0x111: {  	[tilespmem:s16+$0x1180] =	vst v9  }
0x112: {  	v9 =	vmov s12;
	v10 =	vld [tilespmem:s17+$0x2C00]  }
0x113: {  	v9 =	vshll.u32 v9, $0x5;
	v11 =	vld [tilespmem:s17+$0x2800]  }
0x114: {  	v9 =	vor.u32 v4, v9  }
0x115: {  	v12 =	vld [tilespmem:s17+$0x2400]  }
0x116: {  	v13 =	vor.u32 $0x4, v9;
	_ =	sdelay $0x1  }
0x117: {  	v14 =	vor.u32 $0x8, v9;
	v15 =	vsub.f32 $1.000000000e+00, v10;
	v16 =	vsub.f32 $1.000000000e+00, v11  }
0x118: {  	v17 =	vld.idx.msk [tilespmem:v9+s29+$0x0], $0xffff  }
0x119: {  	v18 =	vor.u32 $0xC, v9;
	v19 =	vsub.f32 $1.000000000e+00, v12;
	v20 =	vmul.f32 v15, v16  }
0x11a: {  	v13 =	vld.idx.msk [tilespmem:v13+s29+$0x0], $0xffff  }
0x11b: {  	v21 =	vor.u32 $0x10, v9;
	v22 =	vmul.f32 v20, v19  }
0x11c: {  	v15 =	vmul.f32 v15, v11;
	v14 =	vld.idx.msk [tilespmem:v14+s29+$0x0], $0xffff  }
0x11d: {  	v23 =	vor.u32 $0x14, v9;
	v20 =	vmul.f32 v20, v12;
	v17 =	vmul.f32 v22, v17  }
0x11e: {  	v24 =	vor.u32 $0x18, v9;
	v18 =	vld.idx.msk [tilespmem:v18+s29+$0x0], $0xffff  }
0x11f: {  	v25 =	vmul.f32 v15, v19;
	v13 =	vmul.f32 v20, v13;
	v17 =	vadd.f32 v17, v8  }
0x120: {  	v26 =	vor.u32 $0x1C, v9;
	v16 =	vmul.f32 v16, v10;
	v21 =	vld.idx.msk [tilespmem:v21+s29+$0x0], $0xffff  }
0x121: {  	v15 =	vmul.f32 v15, v12;
	v14 =	vmul.f32 v14, v25;
	v13 =	vadd.f32 v17, v13  }
0x122: {  	v51 =	vld.idx.msk [tilespmem:v23+s29+$0x0], $0xffff  }
0x123: {  	v23 =	vmul.f32 v16, v19;
	v52 =	vmul.f32 v18, v15;
	v13 =	vadd.f32 v13, v14  }
0x124: {  	v10 =	vmul.f32 v10, v11;
	v11 =	vld.idx.msk [tilespmem:v24+s29+$0x0], $0xffff  }
0x125: {  	v16 =	vmul.f32 v16, v12;
	v53 =	vmul.f32 v21, v23;
	v13 =	vadd.f32 v13, v52  }
0x126: {  	v54 =	vld.idx.msk [tilespmem:v26+s29+$0x0], $0xffff  }
0x127: {  	v19 =	vmul.f32 v10, v19;
	v55 =	vmul.f32 v51, v16;
	v13 =	vadd.f32 v13, v53;
	_ =	sdelay $0x1  }
0x128: {  	v10 =	vmul.f32 v10, v12;
	v11 =	vmul.f32 v11, v19;
	v56 =	vadd.f32 v13, v55;
	_ =	sdelay $0x1  }
0x129: {  	s0 =	sadd.s32 $0xFFFFFC00, s12;
	v58 =	vor.u32 $0x1, v9;
	v57 =	vmul.f32 v54, v10;
	v11 =	vadd.f32 v56, v11  }
0x12a: {  	s11 =	sand.u32 $0xE00, s11;
	s0 =	sand.u32 $0x70, s0  }
0x12b: {  	s0 =	sor.u32 s0, s11;
	v59 =	vor.u32 $0x5, v9;
	v11 =	vadd.f32 v11, v57  }
0x12c: {  	s11 =	sadd.s32 $0x13800, s0  }
0x12d: {  	[tilespmem:s11+$0x1000] =	vst v11;
	v11 =	vor.u32 $0x9, v9  }
0x12e: {  	v13 =	vld.idx.msk [tilespmem:v58+s29+$0x0], $0xffff  }
0x12f: {  	v60 =	vor.u32 $0xD, v9  }
0x130: {  	v12 =	vld.idx.msk [tilespmem:v59+s29+$0x0], $0xffff  }
0x131: {  	v61 =	vor.u32 $0x11, v9  }
0x132: {  	v11 =	vld.idx.msk [tilespmem:v11+s29+$0x0], $0xffff  }
0x133: {  	v62 =	vor.u32 $0x15, v9;
	v13 =	vmul.f32 v13, v22  }
0x134: {  	v14 =	vld.idx.msk [tilespmem:v60+s29+$0x0], $0xffff  }
0x135: {  	v63 =	vor.u32 $0x19, v9;
	v12 =	vmul.f32 v12, v20;
	v13 =	vadd.f32 v13, v7  }
0x136: {  	v17 =	vld.idx.msk [tilespmem:v61+s29+$0x0], $0xffff  }
0x137: {  	v28 =	vor.u32 $0x1D, v9;
	v12 =	vadd.f32 v12, v13;
	v11 =	vmul.f32 v11, v25  }
0x138: {  	v29 =	vld.idx.msk [tilespmem:v62+s29+$0x0], $0xffff  }
0x139: {  	v30 =	vmul.f32 v14, v15;
	v11 =	vadd.f32 v11, v12  }
0x13a: {  	v31 =	vld.idx.msk [tilespmem:v63+s29+$0x0], $0xffff  }
0x13b: {  	v32 =	vmul.f32 v17, v23;
	v11 =	vadd.f32 v30, v11  }
0x13c: {  	v33 =	vld.idx.msk [tilespmem:v28+s29+$0x0], $0xffff  }
0x13d: {  	v34 =	vmul.f32 v29, v16;
	v11 =	vadd.f32 v32, v11;
	_ =	sdelay $0x1  }
0x13e: {  	v35 =	vmul.f32 v31, v19;
	v11 =	vadd.f32 v34, v11;
	_ =	sdelay $0x1  }
0x13f: {  	v37 =	vor.u32 $0x2, v9;
	v36 =	vmul.f32 v33, v10;
	v11 =	vadd.f32 v35, v11;
	_ =	sdelay $0x1  }
0x140: {  	v38 =	vor.u32 $0x6, v9;
	v11 =	vadd.f32 v36, v11;
	_ =	sdelay $0x1  }
0x141: {  	[tilespmem:s11+$0x1080] =	vst v11;
	v11 =	vor.u32 $0xA, v9  }
0x142: {  	v13 =	vld.idx.msk [tilespmem:v37+s29+$0x0], $0xffff  }
0x143: {  	v39 =	vor.u32 $0xE, v9  }
0x144: {  	v12 =	vld.idx.msk [tilespmem:v38+s29+$0x0], $0xffff  }
0x145: {  	v40 =	vor.u32 $0x12, v9  }
0x146: {  	v11 =	vld.idx.msk [tilespmem:v11+s29+$0x0], $0xffff  }
0x147: {  	v41 =	vor.u32 $0x16, v9;
	v13 =	vmul.f32 v13, v22  }
0x148: {  	v14 =	vld.idx.msk [tilespmem:v39+s29+$0x0], $0xffff  }
0x149: {  	v42 =	vor.u32 $0x1A, v9;
	v12 =	vmul.f32 v12, v20;
	v13 =	vadd.f32 v13, v6  }
0x14a: {  	v17 =	vld.idx.msk [tilespmem:v40+s29+$0x0], $0xffff  }
0x14b: {  	v43 =	vor.u32 $0x1E, v9;
	v12 =	vadd.f32 v12, v13;
	v11 =	vmul.f32 v11, v25  }
0x14c: {  	v44 =	vld.idx.msk [tilespmem:v41+s29+$0x0], $0xffff  }
0x14d: {  	v45 =	vmul.f32 v14, v15;
	v11 =	vadd.f32 v11, v12  }
0x14e: {  	v46 =	vld.idx.msk [tilespmem:v42+s29+$0x0], $0xffff  }
0x14f: {  	v47 =	vmul.f32 v17, v23;
	v11 =	vadd.f32 v45, v11  }
0x150: {  	v48 =	vld.idx.msk [tilespmem:v43+s29+$0x0], $0xffff  }
0x151: {  	v49 =	vmul.f32 v44, v16;
	v11 =	vadd.f32 v47, v11;
	_ =	sdelay $0x1  }
0x152: {  	v50 =	vmul.f32 v46, v19;
	v11 =	vadd.f32 v49, v11;
	_ =	sdelay $0x1  }
0x153: {  	v52 =	vor.u32 $0x3, v9;
	v51 =	vmul.f32 v48, v10;
	v11 =	vadd.f32 v50, v11;
	_ =	sdelay $0x1  }
0x154: {  	v53 =	vor.u32 $0x7, v9;
	v11 =	vadd.f32 v51, v11;
	_ =	sdelay $0x1  }
0x155: {  	v54 =	vor.u32 $0xB, v9;
	[tilespmem:s11+$0x1100] =	vst v11  }
0x156: {  	v11 =	vld.idx.msk [tilespmem:v52+s29+$0x0], $0xffff  }
0x157: {  	v55 =	vor.u32 $0xF, v9  }
0x158: {  	v14 =	vld.idx.msk [tilespmem:v53+s29+$0x0], $0xffff  }
0x159: {  	v56 =	vor.u32 $0x13, v9  }
0x15a: {  	v12 =	vld.idx.msk [tilespmem:v54+s29+$0x0], $0xffff  }
0x15b: {  	v57 =	vor.u32 $0x17, v9;
	v11 =	vmul.f32 v11, v22  }
0x15c: {  	v13 =	vld.idx.msk [tilespmem:v55+s29+$0x0], $0xffff  }
0x15d: {  	v58 =	vor.u32 $0x1B, v9;
	v14 =	vmul.f32 v14, v20;
	v11 =	vadd.f32 v11, v5  }
0x15e: {  	v17 =	vld.idx.msk [tilespmem:v56+s29+$0x0], $0xffff  }
0x15f: {  	v9 =	vor.u32 $0x1F, v9;
	v12 =	vmul.f32 v12, v25;
	v11 =	vadd.f32 v14, v11  }
0x160: {  	v59 =	vld.idx.msk [tilespmem:v57+s29+$0x0], $0xffff  }
0x161: {  	v60 =	vmul.f32 v13, v15;
	v11 =	vadd.f32 v12, v11  }
0x162: {  	v61 =	vld.idx.msk [tilespmem:v58+s29+$0x0], $0xffff  }
0x163: {  	v62 =	vmul.f32 v17, v23;
	v11 =	vadd.f32 v60, v11  }
0x164: {  	v9 =	vld.idx.msk [tilespmem:v9+s29+$0x0], $0xffff  }
0x165: {  	v63 =	vmul.f32 v59, v16;
	v11 =	vadd.f32 v62, v11;
	_ =	sdelay $0x1  }
0x166: {  	v13 =	vmul.f32 v61, v19;
	v11 =	vadd.f32 v63, v11;
	_ =	sdelay $0x1  }
0x167: {  	v9 =	vmul.f32 v9, v10;
	v11 =	vadd.f32 v13, v11  }
0x168: {  	s21 =	sadd.s32 s10, s13  }
0x169: {  	s0 =	sshrl.u32 s21, $0x1;
	v9 =	vadd.f32 v9, v11  }
0x16a: {  	s0 =	sand.u32 $0x1FFFFE00, s0  }
0x16b: {  	s0 =	sadd.s32 s1, s0;
	[tilespmem:s11+$0x1180] =	vst v9  }
0x16c: {  	[hbm4b:s0+s2] =	stream.linear.scatter [tilespmem:s3], [sflag:$0x5], $0x1000, $0x38;
	[tilespmem:$0x15810] =	vst v63  }
.LBB2_10:
0x16d: {  	_ =	swait.ge [sflag:s22], $0x400  }
0x16e: {  	[sflag:s22] =	ssyncset.done $0x0  }
0x16f: {  	[sflag:s22] =	ssyncadd.s32 $0xFFFFFC00  }
0x170: {  	_ =	swait.ge [sflag:s22], $0x400  }
0x171: {  	[sflag:s22] =	ssyncset.done $0x0  }
0x172: {  	p1 =	seq.s32 s9, $0x1F;
	[sflag:s22] =	ssyncadd.s32 $0xFFFFFC00  }
0x173: {  	s0 =	sadd.s32 @!p1 s10, s14;
	_ =	swait.ge [sflag:s22], $0x400  }
0x174: {  	s16 =	simm.s32 $0x2400;
	s0 =	sshrl.u32 @!p1 s0, $0x3;
	[sflag:s22] =	ssyncset.done $0x0  }
0x175: {  	s11 =	simm.s32 @!p1 $0x0;
	s10 =	sadd.s32 @!p1 s4, s0;
	[sflag:s22] =	ssyncadd.s32 $0xFFFFFC00  }
0x176: {  	[tilespmem:s11], [sflag:$0x1] =	stream.linear.gather @!p1 [hbm4b:s10+s11], $0x400, $0x38;
	[tilespmem:$0x15810] =	vst v63  }
0x177: {  	s17 =	simm.s32 $0x1400;
	s12 =	simm.s32 @!p1 $0x800;
	s10 =	sadd.s32 @!p1 s5, s0  }
0x178: {  	[tilespmem:s12], [sflag:$0x1] =	stream.linear.gather @!p1 [hbm4b:s10+s11], $0x400, $0x38;
	[tilespmem:$0x15810] =	vst v63  }
0x179: {  	s19 =	simm.s32 $0xC00;
	s0 =	sadd.s32 @!p1 s6, s0;
	s10 =	simm.s32 @!p1 $0x1000  }
0x17a: {  	[tilespmem:s10], [sflag:$0x1] =	stream.linear.gather @!p1 [hbm4b:s0+s11], $0x400, $0x38;
	[tilespmem:$0x15810] =	vst v63  }
0x17b: {  	s12 =	simm.s32 $0x400;
	s10 =	simm.s32 $0x0;
	s11 =	simm.s32 $0x3400  }
.LBB2_11:
0x17c: {  	v9 =	vmov s12  }
0x17d: {  	v10 =	vmov s19  }
0x17e: {  	v11 =	vmov s17;
	_ =	sdelay $0x1  }
0x17f: {  	s20 =	simm.s32 $0x0  }
0x180: {  	v12 =	vld.idx.msk [tilespmem:v9+s20+$0x0 ss:$0x1], $0xffff  }
0x181: {  	v13 =	vld.idx.msk [tilespmem:v10+s20+$0x0 ss:$0x1], $0xffff  }
0x182: {  	v14 =	vld.idx.msk [tilespmem:v11+s20+$0x0 ss:$0x1], $0xffff;
	_ =	sdelay $0x2  }
0x183: {  	v12 =	vadd.f32 $1.000000000e+00, v12  }
0x184: {  	v13 =	vadd.f32 $1.000000000e+00, v13  }
0x185: {  	v14 =	vadd.f32 $1.000000000e+00, v14;
	v12 =	vmul.f32 $6.400000000e+01, v12  }
0x186: {  	v13 =	vmul.f32 $6.400000000e+01, v13  }
0x187: {  	v14 =	vmul.f32 $6.400000000e+01, v14;
	v12 =	vadd.f32 $-5.000000000e-01, v12  }
0x188: {  	v13 =	vadd.f32 $-5.000000000e-01, v13  }
0x189: {  	v16 =	vadd.f32 $-5.000000000e-01, v14;
	v15 =	vmax.f32 v12, $0.0e+00  }
0x18a: {  	v12 =	vmov s11;
	v13 =	vmax.f32 v13, $0.0e+00;
	v14 =	vmin.f32 v15, $1.270000000e+02  }
0x18b: {  	s0 =	sshll.u32 s10, $0x7;
	v15 =	vmin.f32 v13, $1.270000000e+02;
	v13 =	vmax.f32 v16, $0.0e+00;
	v17 =	vtrunc.f32 v14  }
0x18c: {  	s0 =	sand.u32 $0x3FFFFF80, s0;
	v16 =	vmin.f32 v13, $1.270000000e+02;
	v18 =	vtrunc.f32 v15;
	v17 =	vcvt.f32.s32 v17  }
0x18d: {  	s18 =	sadd.s32 $0x3400, s0;
	s0 =	simm.s32 $0x40;
	v13 =	vmov s16;
	v18 =	vcvt.f32.s32 v18;
	v19 =	vtrunc.f32 v16  }
.LBB2_12:
0x18e: {  	p1 =	sne.s32 s0, $0x1C0;
	v19 =	vcvt.f32.s32 v19;
	s21 =	smov.u32 s0;
	s0 =	sadd.s32 $0x40, s0  }
0x18f: {  	v20 =	vcvt.s32.f32 v17;
	v21 =	vcvt.s32.f32 v18;
	v18 =	vshll.u32 v18, $0x7  }
0x190: {  	v22 =	vcvt.s32.f32 v19;
	v19 =	vshll.u32 v19, $0xE;
	v17 =	vadd.s32 v17, v18  }
0x191: {  	s21 =	sshra.s32 s21, $0x2;
	v14 =	vsub.f32 v14, v20;
	v15 =	vsub.f32 v15, v21;
	v17 =	vadd.s32 v19, v17  }
0x192: {  	v16 =	vsub.f32 v16, v22;
	[tilespmem:v12+s20+$0x0 ss:$0x1] =	vst.idx.msk $0xffff, v17  }
0x193: {  	[tilespmem:v13+s20+$0x0 ss:$0x1] =	vst.idx.msk $0xffff, v14  }
0x194: {  	[tilespmem:v13+s20+$0x400 ss:$0x1] =	vst.idx.msk $0xffff, v15  }
0x195: {  	[tilespmem:v13+s20+$0x800 ss:$0x1] =	vst.idx.msk $0xffff, v16;
	s20 =	smov.u32 s21  }
0x196: {  	v14 =	vld.idx.msk [tilespmem:v9+s20+$0x0 ss:$0x1], $0xffff  }
0x197: {  	v15 =	vld.idx.msk [tilespmem:v10+s20+$0x0 ss:$0x1], $0xffff  }
0x198: {  	v16 =	vld.idx.msk [tilespmem:v11+s20+$0x0 ss:$0x1], $0xffff;
	_ =	sdelay $0x3  }
0x199: {  	v14 =	vadd.f32 $1.000000000e+00, v14  }
0x19a: {  	v15 =	vadd.f32 $1.000000000e+00, v15  }
0x19b: {  	v14 =	vmul.f32 $6.400000000e+01, v14;
	v16 =	vadd.f32 $1.000000000e+00, v16  }
0x19c: {  	v15 =	vmul.f32 $6.400000000e+01, v15  }
0x19d: {  	v14 =	vadd.f32 $-5.000000000e-01, v14;
	v16 =	vmul.f32 $6.400000000e+01, v16  }
0x19e: {  	v15 =	vadd.f32 $-5.000000000e-01, v15  }
.Ltmp4:
0x19f: {  	v14 =	vmax.f32 v14, $0.0e+00;
	v16 =	vadd.f32 $-5.000000000e-01, v16;
	(pc) =	sbr.rel @p1 .LBB2_12-.Ltmp4, $4  }
0x1a0: {  	v14 =	vmin.f32 v14, $1.270000000e+02;
	v15 =	vmax.f32 v15, $0.0e+00  }
0x1a1: {  	v15 =	vmin.f32 v15, $1.270000000e+02;
	v16 =	vmax.f32 v16, $0.0e+00;
	v17 =	vtrunc.f32 v14  }
0x1a2: {  	v16 =	vmin.f32 v16, $1.270000000e+02;
	v17 =	vcvt.f32.s32 v17;
	v18 =	vtrunc.f32 v15  }
0x1a3: {  	v18 =	vcvt.f32.s32 v18;
	v19 =	vtrunc.f32 v16  }
0x1a4: {  	v9 =	vcvt.f32.s32 v19  }
0x1a5: {  	v10 =	vcvt.s32.f32 v17;
	v11 =	vshll.u32 v18, $0x7  }
0x1a6: {  	s0 =	sshll.u32 s10, $0xC;
	s10 =	sadd.s32 $0x1, s10;
	v62 =	vcvt.s32.f32 v18;
	v19 =	vshll.u32 v9, $0xE;
	v11 =	vadd.s32 v17, v11  }
0x1a7: {  	p1 =	sne.s32 s10, $0x8;
	v9 =	vcvt.s32.f32 v9;
	v10 =	vsub.f32 v14, v10;
	v11 =	vadd.s32 v19, v11  }
.Ltmp5:
0x1a8: {  	v63 =	vsub.f32 v15, v62;
	[tilespmem:v12+s20+$0x0 ss:$0x1] =	vst.idx.msk $0xffff, v11;
	(pc) =	sbr.rel @p1 .LBB2_11-.Ltmp5, $4  }
0x1a9: {  	s11 =	sadd.s32 $0x80, s11;
	v9 =	vsub.f32 v16, v9;
	[tilespmem:v13+s20+$0x0 ss:$0x1] =	vst.idx.msk $0xffff, v10  }
0x1aa: {  	s12 =	sadd.s32 $0x80, s12;
	s16 =	sadd.s32 $0x80, s16;
	s0 =	sand.u32 $0x3FFFF000, s0;
	[tilespmem:v13+s20+$0x400 ss:$0x1] =	vst.idx.msk $0xffff, v63  }
0x1ab: {  	s17 =	sadd.s32 $0x80, s17;
	s19 =	sadd.s32 $0x80, s19;
	s0 =	sadd.s32 $0xB800, s0;
	[tilespmem:v13+s20+$0x800 ss:$0x1] =	vst.idx.msk $0xffff, v9  }
0x1ac: {  	[tilespmem:s0], [sflag:$0x3] =	stream.indirect.gather [hbm4b:s7+s26], $0x20, s18, s26, $0xb8;
	[tilespmem:$0x15810] =	vst v63  }
0x1ad: {  	_ =	swait.ge [sflag:s28], $0x8000  }
0x1ae: {  	[sflag:s28] =	ssyncset.done $0x0  }
0x1af: {  	s0 =	simm.s32 @!p0 $0x4;
	[sflag:s28] =	ssyncadd.s32 $0xFFFF8000  }
0x1b0: {  	_ =	swait.ge @!p0 [sflag:s0], $0x1000  }
0x1b1: {  	[sflag:s0] =	ssyncset.done @!p0 $0x0  }
0x1b2: {  	s20 =	simm.s32 $0x0;
	s10 =	simm.s32 $0x0;
	[sflag:s0] =	ssyncadd.s32 @!p0 $0xFFFFF000  }
0x1b3: {  	v9 =	vmov s20;
	v10 =	vld [tilespmem:s10+$0x2000]  }
0x1b4: {  	v9 =	vshll.u32 v9, $0x5;
	v11 =	vld [tilespmem:s10+$0x1C00]  }
0x1b5: {  	v9 =	vor.u32 v4, v9  }
0x1b6: {  	v12 =	vld [tilespmem:s10+$0x1800]  }
0x1b7: {  	v13 =	vor.u32 $0x4, v9;
	_ =	sdelay $0x1  }
0x1b8: {  	v14 =	vor.u32 $0x8, v9;
	v15 =	vsub.f32 $1.000000000e+00, v11;
	v16 =	vsub.f32 $1.000000000e+00, v10  }
0x1b9: {  	v17 =	vld.idx.msk [tilespmem:v9+s29+$0x0], $0xffff  }
0x1ba: {  	v18 =	vor.u32 $0xC, v9;
	v19 =	vsub.f32 $1.000000000e+00, v12;
	v20 =	vmul.f32 v16, v15  }
0x1bb: {  	v13 =	vld.idx.msk [tilespmem:v13+s29+$0x0], $0xffff  }
0x1bc: {  	v21 =	vor.u32 $0x10, v9;
	v22 =	vmul.f32 v20, v19  }
0x1bd: {  	v14 =	vld.idx.msk [tilespmem:v14+s29+$0x0], $0xffff;
	v16 =	vmul.f32 v16, v11  }
0x1be: {  	v23 =	vor.u32 $0x14, v9;
	v20 =	vmul.f32 v20, v12;
	v17 =	vmul.f32 v22, v17  }
0x1bf: {  	v24 =	vor.u32 $0x18, v9;
	v18 =	vld.idx.msk [tilespmem:v18+s29+$0x0], $0xffff  }
0x1c0: {  	v25 =	vmul.f32 v16, v19;
	v13 =	vmul.f32 v20, v13;
	v17 =	vadd.f32 v17, v8  }
0x1c1: {  	v26 =	vor.u32 $0x1C, v9;
	v21 =	vld.idx.msk [tilespmem:v21+s29+$0x0], $0xffff;
	v15 =	vmul.f32 v15, v10  }
0x1c2: {  	v16 =	vmul.f32 v16, v12;
	v14 =	vmul.f32 v14, v25;
	v13 =	vadd.f32 v17, v13  }
0x1c3: {  	v52 =	vld.idx.msk [tilespmem:v23+s29+$0x0], $0xffff  }
0x1c4: {  	v23 =	vmul.f32 v15, v19;
	v53 =	vmul.f32 v18, v16;
	v13 =	vadd.f32 v13, v14  }
0x1c5: {  	v10 =	vmul.f32 v10, v11;
	v11 =	vld.idx.msk [tilespmem:v24+s29+$0x0], $0xffff  }
0x1c6: {  	v15 =	vmul.f32 v15, v12;
	v54 =	vmul.f32 v21, v23;
	v13 =	vadd.f32 v13, v53  }
0x1c7: {  	v55 =	vld.idx.msk [tilespmem:v26+s29+$0x0], $0xffff  }
0x1c8: {  	v19 =	vmul.f32 v10, v19;
	v56 =	vmul.f32 v52, v15;
	v13 =	vadd.f32 v13, v54;
	_ =	sdelay $0x1  }
0x1c9: {  	v10 =	vmul.f32 v10, v12;
	v11 =	vmul.f32 v11, v19;
	v57 =	vadd.f32 v13, v56;
	_ =	sdelay $0x1  }
0x1ca: {  	v59 =	vor.u32 $0x1, v9;
	v58 =	vmul.f32 v55, v10;
	v11 =	vadd.f32 v57, v11;
	_ =	sdelay $0x1  }
0x1cb: {  	s21 =	sand.u32 $0xE00, s20;
	v60 =	vor.u32 $0x5, v9;
	s0 =	sand.u32 $0x70, s20;
	v11 =	vadd.f32 v11, v58  }
0x1cc: {  	s0 =	sor.u32 s0, s21  }
0x1cd: {  	[tilespmem:s0+$0x13800] =	vst v11;
	v11 =	vor.u32 $0x9, v9  }
0x1ce: {  	v13 =	vld.idx.msk [tilespmem:v59+s29+$0x0], $0xffff  }
0x1cf: {  	v61 =	vor.u32 $0xD, v9  }
0x1d0: {  	v12 =	vld.idx.msk [tilespmem:v60+s29+$0x0], $0xffff  }
0x1d1: {  	v62 =	vor.u32 $0x11, v9  }
0x1d2: {  	v11 =	vld.idx.msk [tilespmem:v11+s29+$0x0], $0xffff  }
0x1d3: {  	v63 =	vor.u32 $0x15, v9;
	v13 =	vmul.f32 v13, v22  }
0x1d4: {  	v14 =	vld.idx.msk [tilespmem:v61+s29+$0x0], $0xffff  }
0x1d5: {  	v28 =	vor.u32 $0x19, v9;
	v12 =	vmul.f32 v12, v20;
	v13 =	vadd.f32 v13, v7  }
0x1d6: {  	v17 =	vld.idx.msk [tilespmem:v62+s29+$0x0], $0xffff  }
0x1d7: {  	v29 =	vor.u32 $0x1D, v9;
	v12 =	vadd.f32 v12, v13;
	v11 =	vmul.f32 v11, v25  }
0x1d8: {  	v30 =	vld.idx.msk [tilespmem:v63+s29+$0x0], $0xffff  }
0x1d9: {  	v31 =	vmul.f32 v14, v16;
	v11 =	vadd.f32 v11, v12  }
0x1da: {  	v32 =	vld.idx.msk [tilespmem:v28+s29+$0x0], $0xffff  }
0x1db: {  	v33 =	vmul.f32 v17, v23;
	v11 =	vadd.f32 v31, v11  }
0x1dc: {  	v34 =	vld.idx.msk [tilespmem:v29+s29+$0x0], $0xffff  }
0x1dd: {  	v35 =	vmul.f32 v30, v15;
	v11 =	vadd.f32 v33, v11;
	_ =	sdelay $0x1  }
0x1de: {  	v36 =	vmul.f32 v32, v19;
	v11 =	vadd.f32 v35, v11;
	_ =	sdelay $0x1  }
0x1df: {  	v38 =	vor.u32 $0x2, v9;
	v37 =	vmul.f32 v34, v10;
	v11 =	vadd.f32 v36, v11;
	_ =	sdelay $0x1  }
0x1e0: {  	v39 =	vor.u32 $0x6, v9;
	v11 =	vadd.f32 v37, v11  }
0x1e1: {  	s19 =	sadd.s32 $0x13800, s0  }
0x1e2: {  	[tilespmem:s19+$0x80] =	vst v11;
	v11 =	vor.u32 $0xA, v9  }
0x1e3: {  	v13 =	vld.idx.msk [tilespmem:v38+s29+$0x0], $0xffff  }
0x1e4: {  	v40 =	vor.u32 $0xE, v9  }
0x1e5: {  	v12 =	vld.idx.msk [tilespmem:v39+s29+$0x0], $0xffff  }
0x1e6: {  	v41 =	vor.u32 $0x12, v9  }
0x1e7: {  	v11 =	vld.idx.msk [tilespmem:v11+s29+$0x0], $0xffff  }
0x1e8: {  	v42 =	vor.u32 $0x16, v9;
	v13 =	vmul.f32 v13, v22  }
0x1e9: {  	v14 =	vld.idx.msk [tilespmem:v40+s29+$0x0], $0xffff  }
0x1ea: {  	v43 =	vor.u32 $0x1A, v9;
	v12 =	vmul.f32 v12, v20;
	v13 =	vadd.f32 v13, v6  }
0x1eb: {  	v17 =	vld.idx.msk [tilespmem:v41+s29+$0x0], $0xffff  }
0x1ec: {  	v44 =	vor.u32 $0x1E, v9;
	v12 =	vadd.f32 v12, v13;
	v11 =	vmul.f32 v11, v25  }
0x1ed: {  	v45 =	vld.idx.msk [tilespmem:v42+s29+$0x0], $0xffff  }
0x1ee: {  	v46 =	vmul.f32 v14, v16;
	v11 =	vadd.f32 v11, v12  }
0x1ef: {  	v47 =	vld.idx.msk [tilespmem:v43+s29+$0x0], $0xffff  }
0x1f0: {  	v48 =	vmul.f32 v17, v23;
	v11 =	vadd.f32 v46, v11  }
0x1f1: {  	v49 =	vld.idx.msk [tilespmem:v44+s29+$0x0], $0xffff  }
0x1f2: {  	v50 =	vmul.f32 v45, v15;
	v11 =	vadd.f32 v48, v11;
	_ =	sdelay $0x1  }
0x1f3: {  	v51 =	vmul.f32 v47, v19;
	v11 =	vadd.f32 v50, v11;
	_ =	sdelay $0x1  }
0x1f4: {  	v53 =	vor.u32 $0x3, v9;
	v52 =	vmul.f32 v49, v10;
	v11 =	vadd.f32 v51, v11;
	_ =	sdelay $0x1  }
0x1f5: {  	v54 =	vor.u32 $0x7, v9;
	v11 =	vadd.f32 v52, v11;
	_ =	sdelay $0x1  }
0x1f6: {  	v55 =	vor.u32 $0xB, v9;
	[tilespmem:s19+$0x100] =	vst v11  }
0x1f7: {  	v11 =	vld.idx.msk [tilespmem:v53+s29+$0x0], $0xffff  }
0x1f8: {  	v56 =	vor.u32 $0xF, v9  }
0x1f9: {  	v14 =	vld.idx.msk [tilespmem:v54+s29+$0x0], $0xffff  }
0x1fa: {  	v57 =	vor.u32 $0x13, v9  }
0x1fb: {  	v12 =	vld.idx.msk [tilespmem:v55+s29+$0x0], $0xffff  }
0x1fc: {  	v58 =	vor.u32 $0x17, v9;
	v11 =	vmul.f32 v11, v22  }
0x1fd: {  	v13 =	vld.idx.msk [tilespmem:v56+s29+$0x0], $0xffff  }
0x1fe: {  	v59 =	vor.u32 $0x1B, v9;
	v14 =	vmul.f32 v14, v20;
	v11 =	vadd.f32 v11, v5  }
0x1ff: {  	v17 =	vld.idx.msk [tilespmem:v57+s29+$0x0], $0xffff  }
0x200: {  	v9 =	vor.u32 $0x1F, v9;
	v12 =	vmul.f32 v12, v25;
	v11 =	vadd.f32 v14, v11  }
0x201: {  	v60 =	vld.idx.msk [tilespmem:v58+s29+$0x0], $0xffff  }
0x202: {  	v13 =	vmul.f32 v13, v16;
	v11 =	vadd.f32 v12, v11  }
0x203: {  	v61 =	vld.idx.msk [tilespmem:v59+s29+$0x0], $0xffff  }
0x204: {  	v62 =	vmul.f32 v17, v23;
	v11 =	vadd.f32 v13, v11  }
0x205: {  	v9 =	vld.idx.msk [tilespmem:v9+s29+$0x0], $0xffff  }
0x206: {  	v63 =	vmul.f32 v60, v15;
	v11 =	vadd.f32 v62, v11;
	_ =	sdelay $0x1  }
0x207: {  	v12 =	vmul.f32 v61, v19;
	v11 =	vadd.f32 v63, v11;
	_ =	sdelay $0x1  }
0x208: {  	v9 =	vmul.f32 v9, v10;
	v11 =	vadd.f32 v12, v11  }
0x209: {  	s11 =	simm.s32 $0x40;
	s12 =	simm.s32 $0x10  }
0x20a: {  	s16 =	simm.s32 $0x20;
	s17 =	simm.s32 $0x80;
	s10 =	simm.s32 $0x10;
	v9 =	vadd.f32 v9, v11  }
.LBB2_15:
0x20b: {  	s0 =	sshra.s32 s17, $0x2  }
0x20c: {  	p0 =	sne.s32 s16, $0x3F0;
	v10 =	vmov s10;
	[tilespmem:s19+$0x180] =	vst v9;
	s18 =	smov.u32 s16;
	s16 =	sadd.s32 $0x10, s16  }
0x20d: {  	v11 =	vld [tilespmem:s12+$0x2000];
	v9 =	vshll.u32 v10, $0x5  }
0x20e: {  	v10 =	vld [tilespmem:s12+$0x1C00];
	v9 =	vor.u32 v4, v9  }
0x20f: {  	v12 =	vor.u32 $0x4, v9;
	v14 =	vor.u32 $0x8, v9;
	v15 =	vor.u32 $0xC, v9  }
0x210: {  	v16 =	vor.u32 $0x10, v9;
	v17 =	vor.u32 $0x14, v9;
	v19 =	vor.u32 $0x18, v9;
	v18 =	vld [tilespmem:s12+$0x1800];
	s12 =	smov.u32 s0  }
0x211: {  	v20 =	vor.u32 $0x1C, v9;
	_ =	sdelay $0x1  }
0x212: {  	v21 =	vsub.f32 $1.000000000e+00, v11;
	v13 =	vsub.f32 $1.000000000e+00, v10;
	v22 =	vmul.f32 v11, v10;
	v23 =	vld.idx.msk [tilespmem:v9+s29+$0x0], $0xffff;
	_ =	sdelay $0x1  }
0x213: {  	v10 =	vmul.f32 v21, v10;
	v24 =	vsub.f32 $1.000000000e+00, v18;
	v25 =	vmul.f32 v21, v13;
	v21 =	vld.idx.msk [tilespmem:v12+s29+$0x0], $0xffff  }
0x214: {  	v26 =	vmul.f32 v13, v11  }
0x215: {  	v13 =	vmul.f32 v25, v24;
	v11 =	vmul.f32 v10, v24;
	v27 =	vld.idx.msk [tilespmem:v14+s29+$0x0], $0xffff  }
0x216: {  	v12 =	vmul.f32 v10, v18;
	v10 =	vmul.f32 v26, v18  }
0x217: {  	v14 =	vmul.f32 v25, v18;
	v23 =	vmul.f32 v13, v23;
	v15 =	vld.idx.msk [tilespmem:v15+s29+$0x0], $0xffff;
	_ =	sdelay $0x1  }
0x218: {  	v21 =	vmul.f32 v14, v21;
	v23 =	vadd.f32 v23, v8;
	v25 =	vld.idx.msk [tilespmem:v16+s29+$0x0], $0xffff;
	_ =	sdelay $0x1  }
0x219: {  	v21 =	vadd.f32 v23, v21;
	v23 =	vmul.f32 v27, v11;
	v27 =	vld.idx.msk [tilespmem:v17+s29+$0x0], $0xffff;
	_ =	sdelay $0x1  }
0x21a: {  	v16 =	vmul.f32 v26, v24;
	v15 =	vmul.f32 v15, v12;
	v17 =	vadd.f32 v21, v23;
	v19 =	vld.idx.msk [tilespmem:v19+s29+$0x0], $0xffff;
	_ =	sdelay $0x1  }
0x21b: {  	v21 =	vmul.f32 v25, v16;
	v15 =	vadd.f32 v17, v15;
	v20 =	vld.idx.msk [tilespmem:v20+s29+$0x0], $0xffff;
	_ =	sdelay $0x1  }
0x21c: {  	v17 =	vmul.f32 v22, v24;
	v23 =	vmul.f32 v27, v10;
	v21 =	vadd.f32 v15, v21;
	_ =	sdelay $0x1  }
0x21d: {  	v15 =	vmul.f32 v22, v18;
	v19 =	vmul.f32 v19, v17;
	v18 =	vadd.f32 v21, v23;
	_ =	sdelay $0x1  }
0x21e: {  	v18 =	vadd.f32 v18, v19;
	v19 =	vmul.f32 v20, v15;
	v20 =	vor.u32 $0x1, v9;
	_ =	sdelay $0x1  }
0x21f: {  	s0 =	sand.u32 $0xE00, s11;
	s11 =	sand.u32 $0x70, s10;
	s10 =	smov.u32 s18;
	v18 =	vadd.f32 v18, v19;
	v19 =	vor.u32 $0x5, v9  }
0x220: {  	s0 =	sor.u32 s11, s0;
	s11 =	smov.u32 s17  }
0x221: {  	[tilespmem:s0+$0x13800] =	vst v18;
	v18 =	vor.u32 $0x9, v9  }
0x222: {  	v20 =	vld.idx.msk [tilespmem:v20+s29+$0x0], $0xffff  }
0x223: {  	v21 =	vor.u32 $0xD, v9  }
0x224: {  	v19 =	vld.idx.msk [tilespmem:v19+s29+$0x0], $0xffff  }
0x225: {  	v22 =	vor.u32 $0x11, v9  }
0x226: {  	v18 =	vld.idx.msk [tilespmem:v18+s29+$0x0], $0xffff  }
0x227: {  	v23 =	vor.u32 $0x15, v9  }
0x228: {  	v20 =	vmul.f32 v20, v13;
	v21 =	vld.idx.msk [tilespmem:v21+s29+$0x0], $0xffff  }
0x229: {  	v24 =	vor.u32 $0x19, v9  }
0x22a: {  	v20 =	vadd.f32 v20, v7;
	v19 =	vmul.f32 v19, v14;
	v22 =	vld.idx.msk [tilespmem:v22+s29+$0x0], $0xffff  }
0x22b: {  	v25 =	vor.u32 $0x1D, v9  }
0x22c: {  	v19 =	vadd.f32 v19, v20;
	v18 =	vmul.f32 v18, v11;
	v20 =	vld.idx.msk [tilespmem:v23+s29+$0x0], $0xffff;
	_ =	sdelay $0x1  }
0x22d: {  	v18 =	vadd.f32 v18, v19;
	v19 =	vmul.f32 v21, v12;
	v21 =	vld.idx.msk [tilespmem:v24+s29+$0x0], $0xffff;
	_ =	sdelay $0x1  }
0x22e: {  	v18 =	vadd.f32 v19, v18;
	v19 =	vmul.f32 v22, v16;
	v22 =	vld.idx.msk [tilespmem:v25+s29+$0x0], $0xffff;
	_ =	sdelay $0x1  }
0x22f: {  	v18 =	vadd.f32 v19, v18;
	v19 =	vmul.f32 v20, v10;
	_ =	sdelay $0x1  }
0x230: {  	v18 =	vadd.f32 v19, v18;
	v19 =	vmul.f32 v21, v17;
	_ =	sdelay $0x1  }
0x231: {  	v20 =	vor.u32 $0x2, v9;
	v18 =	vadd.f32 v19, v18;
	v19 =	vmul.f32 v22, v15;
	_ =	sdelay $0x1  }
0x232: {  	v18 =	vadd.f32 v19, v18;
	v19 =	vor.u32 $0x6, v9  }
0x233: {  	s19 =	sadd.s32 $0x13800, s0  }
0x234: {  	[tilespmem:s19+$0x80] =	vst v18;
	v18 =	vor.u32 $0xA, v9  }
0x235: {  	v20 =	vld.idx.msk [tilespmem:v20+s29+$0x0], $0xffff  }
0x236: {  	v21 =	vor.u32 $0xE, v9  }
0x237: {  	v19 =	vld.idx.msk [tilespmem:v19+s29+$0x0], $0xffff  }
0x238: {  	v22 =	vor.u32 $0x12, v9  }
0x239: {  	v18 =	vld.idx.msk [tilespmem:v18+s29+$0x0], $0xffff  }
0x23a: {  	v23 =	vor.u32 $0x16, v9  }
0x23b: {  	v20 =	vmul.f32 v20, v13;
	v21 =	vld.idx.msk [tilespmem:v21+s29+$0x0], $0xffff  }
0x23c: {  	v24 =	vor.u32 $0x1A, v9  }
0x23d: {  	v20 =	vadd.f32 v20, v6;
	v19 =	vmul.f32 v19, v14;
	v22 =	vld.idx.msk [tilespmem:v22+s29+$0x0], $0xffff  }
0x23e: {  	v25 =	vor.u32 $0x1E, v9  }
0x23f: {  	v19 =	vadd.f32 v19, v20;
	v18 =	vmul.f32 v18, v11;
	v20 =	vld.idx.msk [tilespmem:v23+s29+$0x0], $0xffff;
	_ =	sdelay $0x1  }
0x240: {  	v18 =	vadd.f32 v18, v19;
	v19 =	vmul.f32 v21, v12;
	v21 =	vld.idx.msk [tilespmem:v24+s29+$0x0], $0xffff;
	_ =	sdelay $0x1  }
0x241: {  	v18 =	vadd.f32 v19, v18;
	v19 =	vmul.f32 v22, v16;
	v22 =	vld.idx.msk [tilespmem:v25+s29+$0x0], $0xffff;
	_ =	sdelay $0x1  }
0x242: {  	v18 =	vadd.f32 v19, v18;
	v19 =	vmul.f32 v20, v10;
	_ =	sdelay $0x1  }
0x243: {  	v18 =	vadd.f32 v19, v18;
	v19 =	vmul.f32 v21, v17;
	_ =	sdelay $0x1  }
0x244: {  	v20 =	vor.u32 $0x3, v9;
	v18 =	vadd.f32 v19, v18;
	v19 =	vmul.f32 v22, v15  }
0x245: {  	v21 =	vor.u32 $0x7, v9  }
0x246: {  	v18 =	vadd.f32 v19, v18;
	v19 =	vor.u32 $0xB, v9  }
0x247: {  	v22 =	vor.u32 $0xF, v9  }
0x248: {  	[tilespmem:s19+$0x100] =	vst v18;
	v18 =	vor.u32 $0x13, v9  }
0x249: {  	v23 =	vor.u32 $0x17, v9;
	v20 =	vld.idx.msk [tilespmem:v20+s29+$0x0], $0xffff  }
0x24a: {  	v24 =	vor.u32 $0x1B, v9;
	v21 =	vld.idx.msk [tilespmem:v21+s29+$0x0], $0xffff  }
0x24b: {  	v9 =	vor.u32 $0x1F, v9;
	v19 =	vld.idx.msk [tilespmem:v19+s29+$0x0], $0xffff  }
0x24c: {  	v22 =	vld.idx.msk [tilespmem:v22+s29+$0x0], $0xffff  }
0x24d: {  	v18 =	vld.idx.msk [tilespmem:v18+s29+$0x0], $0xffff  }
0x24e: {  	v23 =	vld.idx.msk [tilespmem:v23+s29+$0x0], $0xffff  }
0x24f: {  	v13 =	vmul.f32 v20, v13;
	v20 =	vld.idx.msk [tilespmem:v24+s29+$0x0], $0xffff  }
0x250: {  	v14 =	vmul.f32 v21, v14;
	v9 =	vld.idx.msk [tilespmem:v9+s29+$0x0], $0xffff  }
0x251: {  	v13 =	vadd.f32 v13, v5;
	v11 =	vmul.f32 v19, v11  }
0x252: {  	v12 =	vmul.f32 v22, v12  }
0x253: {  	v13 =	vadd.f32 v14, v13;
	v14 =	vmul.f32 v18, v16  }
0x254: {  	v10 =	vmul.f32 v23, v10  }
0x255: {  	v11 =	vadd.f32 v11, v13;
	v13 =	vmul.f32 v20, v17;
	_ =	sdelay $0x1  }
0x256: {  	v11 =	vadd.f32 v12, v11;
	_ =	sdelay $0x1  }
0x257: {  	v11 =	vadd.f32 v14, v11;
	_ =	sdelay $0x1  }
0x258: {  	v10 =	vadd.f32 v10, v11  }
.Ltmp6:
0x259: {  	(pc) =	sbr.rel @p0 .LBB2_15-.Ltmp6, $3  }
0x25a: {  	v9 =	vmul.f32 v9, v15;
	v10 =	vadd.f32 v13, v10;
	_ =	sdelay $0x1  }
0x25b: {  	v9 =	vadd.f32 v9, v10  }
0x25c: {  	s17 =	sadd.s32 $0x40, s17  }
0x25d: {  	[tilespmem:s19+$0x180] =	vst v9  }
0x25e: {  	v9 =	vmov s10;
	v10 =	vld [tilespmem:s12+$0x2000]  }
0x25f: {  	v9 =	vshll.u32 v9, $0x5;
	v11 =	vld [tilespmem:s12+$0x1C00]  }
0x260: {  	v9 =	vor.u32 v4, v9  }
0x261: {  	v12 =	vld [tilespmem:s12+$0x1800]  }
0x262: {  	v13 =	vor.u32 $0x4, v9;
	_ =	sdelay $0x1  }
0x263: {  	v14 =	vor.u32 $0x8, v9;
	v15 =	vsub.f32 $1.000000000e+00, v11;
	v16 =	vsub.f32 $1.000000000e+00, v10  }
0x264: {  	v17 =	vld.idx.msk [tilespmem:v9+s29+$0x0], $0xffff  }
0x265: {  	v18 =	vor.u32 $0xC, v9;
	v19 =	vsub.f32 $1.000000000e+00, v12;
	v20 =	vmul.f32 v16, v15  }
0x266: {  	v13 =	vld.idx.msk [tilespmem:v13+s29+$0x0], $0xffff  }
0x267: {  	v21 =	vor.u32 $0x10, v9;
	v22 =	vmul.f32 v20, v19  }
0x268: {  	v16 =	vmul.f32 v16, v11;
	v14 =	vld.idx.msk [tilespmem:v14+s29+$0x0], $0xffff  }
0x269: {  	v23 =	vor.u32 $0x14, v9;
	v20 =	vmul.f32 v20, v12;
	v17 =	vmul.f32 v22, v17  }
0x26a: {  	v24 =	vor.u32 $0x18, v9;
	v18 =	vld.idx.msk [tilespmem:v18+s29+$0x0], $0xffff  }
0x26b: {  	v25 =	vmul.f32 v16, v19;
	v13 =	vmul.f32 v20, v13;
	v17 =	vadd.f32 v17, v8  }
0x26c: {  	v26 =	vor.u32 $0x1C, v9;
	v15 =	vmul.f32 v15, v10;
	v21 =	vld.idx.msk [tilespmem:v21+s29+$0x0], $0xffff  }
0x26d: {  	v16 =	vmul.f32 v16, v12;
	v14 =	vmul.f32 v14, v25;
	v13 =	vadd.f32 v17, v13  }
0x26e: {  	v52 =	vld.idx.msk [tilespmem:v23+s29+$0x0], $0xffff  }
0x26f: {  	v23 =	vmul.f32 v15, v19;
	v53 =	vmul.f32 v18, v16;
	v13 =	vadd.f32 v13, v14  }
0x270: {  	v10 =	vmul.f32 v10, v11;
	v11 =	vld.idx.msk [tilespmem:v24+s29+$0x0], $0xffff  }
0x271: {  	v15 =	vmul.f32 v15, v12;
	v54 =	vmul.f32 v21, v23;
	v13 =	vadd.f32 v13, v53  }
0x272: {  	v55 =	vld.idx.msk [tilespmem:v26+s29+$0x0], $0xffff  }
0x273: {  	v19 =	vmul.f32 v10, v19;
	v56 =	vmul.f32 v52, v15;
	v13 =	vadd.f32 v13, v54;
	_ =	sdelay $0x1  }
0x274: {  	v10 =	vmul.f32 v10, v12;
	v11 =	vmul.f32 v11, v19;
	v57 =	vadd.f32 v13, v56;
	_ =	sdelay $0x1  }
0x275: {  	v59 =	vor.u32 $0x1, v9;
	v58 =	vmul.f32 v55, v10;
	v11 =	vadd.f32 v57, v11;
	_ =	sdelay $0x1  }
0x276: {  	s0 =	sand.u32 $0xE00, s11;
	s19 =	sand.u32 $0x70, s10;
	v60 =	vor.u32 $0x5, v9;
	v11 =	vadd.f32 v11, v58  }
0x277: {  	s0 =	sor.u32 s19, s0  }
0x278: {  	[tilespmem:s0+$0x13800] =	vst v11;
	v11 =	vor.u32 $0x9, v9  }
0x279: {  	v13 =	vld.idx.msk [tilespmem:v59+s29+$0x0], $0xffff  }
0x27a: {  	v61 =	vor.u32 $0xD, v9  }
0x27b: {  	v12 =	vld.idx.msk [tilespmem:v60+s29+$0x0], $0xffff  }
0x27c: {  	v62 =	vor.u32 $0x11, v9  }
0x27d: {  	v11 =	vld.idx.msk [tilespmem:v11+s29+$0x0], $0xffff  }
0x27e: {  	v63 =	vor.u32 $0x15, v9;
	v13 =	vmul.f32 v13, v22  }
0x27f: {  	v14 =	vld.idx.msk [tilespmem:v61+s29+$0x0], $0xffff  }
0x280: {  	v28 =	vor.u32 $0x19, v9;
	v12 =	vmul.f32 v12, v20;
	v13 =	vadd.f32 v13, v7  }
0x281: {  	v17 =	vld.idx.msk [tilespmem:v62+s29+$0x0], $0xffff  }
0x282: {  	v29 =	vor.u32 $0x1D, v9;
	v12 =	vadd.f32 v12, v13;
	v11 =	vmul.f32 v11, v25  }
0x283: {  	v30 =	vld.idx.msk [tilespmem:v63+s29+$0x0], $0xffff  }
0x284: {  	v31 =	vmul.f32 v14, v16;
	v11 =	vadd.f32 v11, v12  }
0x285: {  	v32 =	vld.idx.msk [tilespmem:v28+s29+$0x0], $0xffff  }
0x286: {  	v33 =	vmul.f32 v17, v23;
	v11 =	vadd.f32 v31, v11  }
0x287: {  	v34 =	vld.idx.msk [tilespmem:v29+s29+$0x0], $0xffff  }
0x288: {  	v35 =	vmul.f32 v30, v15;
	v11 =	vadd.f32 v33, v11;
	_ =	sdelay $0x1  }
0x289: {  	v36 =	vmul.f32 v32, v19;
	v11 =	vadd.f32 v35, v11;
	_ =	sdelay $0x1  }
0x28a: {  	v38 =	vor.u32 $0x2, v9;
	v37 =	vmul.f32 v34, v10;
	v11 =	vadd.f32 v36, v11;
	_ =	sdelay $0x1  }
0x28b: {  	v39 =	vor.u32 $0x6, v9;
	v11 =	vadd.f32 v37, v11  }
0x28c: {  	s0 =	sadd.s32 $0x13800, s0  }
0x28d: {  	[tilespmem:s0+$0x80] =	vst v11;
	v11 =	vor.u32 $0xA, v9  }
0x28e: {  	v13 =	vld.idx.msk [tilespmem:v38+s29+$0x0], $0xffff  }
0x28f: {  	v40 =	vor.u32 $0xE, v9  }
0x290: {  	v12 =	vld.idx.msk [tilespmem:v39+s29+$0x0], $0xffff  }
0x291: {  	v41 =	vor.u32 $0x12, v9  }
0x292: {  	v11 =	vld.idx.msk [tilespmem:v11+s29+$0x0], $0xffff  }
0x293: {  	v42 =	vor.u32 $0x16, v9;
	v13 =	vmul.f32 v13, v22  }
0x294: {  	v14 =	vld.idx.msk [tilespmem:v40+s29+$0x0], $0xffff  }
0x295: {  	v43 =	vor.u32 $0x1A, v9;
	v12 =	vmul.f32 v12, v20;
	v13 =	vadd.f32 v13, v6  }
0x296: {  	v17 =	vld.idx.msk [tilespmem:v41+s29+$0x0], $0xffff  }
0x297: {  	v44 =	vor.u32 $0x1E, v9;
	v12 =	vadd.f32 v12, v13;
	v11 =	vmul.f32 v11, v25  }
0x298: {  	v45 =	vld.idx.msk [tilespmem:v42+s29+$0x0], $0xffff  }
0x299: {  	v46 =	vmul.f32 v14, v16;
	v11 =	vadd.f32 v11, v12  }
0x29a: {  	v47 =	vld.idx.msk [tilespmem:v43+s29+$0x0], $0xffff  }
0x29b: {  	v48 =	vmul.f32 v17, v23;
	v11 =	vadd.f32 v46, v11  }
0x29c: {  	v49 =	vld.idx.msk [tilespmem:v44+s29+$0x0], $0xffff  }
0x29d: {  	v50 =	vmul.f32 v45, v15;
	v11 =	vadd.f32 v48, v11;
	_ =	sdelay $0x1  }
0x29e: {  	v51 =	vmul.f32 v47, v19;
	v11 =	vadd.f32 v50, v11;
	_ =	sdelay $0x1  }
0x29f: {  	v53 =	vor.u32 $0x3, v9;
	v52 =	vmul.f32 v49, v10;
	v11 =	vadd.f32 v51, v11;
	_ =	sdelay $0x1  }
0x2a0: {  	v54 =	vor.u32 $0x7, v9;
	v11 =	vadd.f32 v52, v11;
	_ =	sdelay $0x1  }
0x2a1: {  	v55 =	vor.u32 $0xB, v9;
	[tilespmem:s0+$0x100] =	vst v11  }
0x2a2: {  	v11 =	vld.idx.msk [tilespmem:v53+s29+$0x0], $0xffff  }
0x2a3: {  	v56 =	vor.u32 $0xF, v9  }
0x2a4: {  	v14 =	vld.idx.msk [tilespmem:v54+s29+$0x0], $0xffff  }
0x2a5: {  	v57 =	vor.u32 $0x13, v9  }
0x2a6: {  	v12 =	vld.idx.msk [tilespmem:v55+s29+$0x0], $0xffff  }
0x2a7: {  	v58 =	vor.u32 $0x17, v9;
	v11 =	vmul.f32 v11, v22  }
0x2a8: {  	v13 =	vld.idx.msk [tilespmem:v56+s29+$0x0], $0xffff  }
0x2a9: {  	v59 =	vor.u32 $0x1B, v9;
	v14 =	vmul.f32 v14, v20;
	v11 =	vadd.f32 v11, v5  }
0x2aa: {  	v17 =	vld.idx.msk [tilespmem:v57+s29+$0x0], $0xffff  }
0x2ab: {  	v9 =	vor.u32 $0x1F, v9;
	v12 =	vmul.f32 v12, v25;
	v11 =	vadd.f32 v14, v11  }
0x2ac: {  	v60 =	vld.idx.msk [tilespmem:v58+s29+$0x0], $0xffff  }
0x2ad: {  	v13 =	vmul.f32 v13, v16;
	v11 =	vadd.f32 v12, v11  }
0x2ae: {  	v61 =	vld.idx.msk [tilespmem:v59+s29+$0x0], $0xffff  }
0x2af: {  	v62 =	vmul.f32 v17, v23;
	v11 =	vadd.f32 v13, v11  }
0x2b0: {  	v9 =	vld.idx.msk [tilespmem:v9+s29+$0x0], $0xffff  }
0x2b1: {  	v63 =	vmul.f32 v60, v15;
	v11 =	vadd.f32 v62, v11;
	_ =	sdelay $0x1  }
0x2b2: {  	v12 =	vmul.f32 v61, v19;
	v11 =	vadd.f32 v63, v11  }
0x2b3: {  	s20 =	sshll.u32 s9, $0xD;
	s9 =	sadd.s32 $0x1, s9  }
0x2b4: {  	p0 =	sne.s32 s9, $0x20;
	v9 =	vmul.f32 v9, v10;
	v11 =	vadd.f32 v12, v11  }
.Ltmp7:
0x2b5: {  	_ = 	snop;
	(pc) =	sbr.rel @p0 .LBB2_2-.Ltmp7, $4  }
0x2b6: {  	s10 =	sadd.s32 s15, s20;
	v9 =	vadd.f32 v9, v11  }
0x2b7: {  	s10 =	sshrl.u32 s10, $0x3  }
0x2b8: {  	s21 =	sadd.s32 s1, s10;
	[tilespmem:s0+$0x180] =	vst v9  }
0x2b9: {  	[hbm4b:s21+s2] =	stream.linear.scatter [tilespmem:s30], [sflag:$0x4], $0x1000, $0x38;
	[tilespmem:$0x15810] =	vst v63  }
0x2ba: {  	_ =	swait.ge [sflag:s31], $0x8000  }
0x2bb: {  	[sflag:s31] =	ssyncset.done $0x0  }
0x2bc: {  	s18 =	simm.s32 $0x5;
	[sflag:s31] =	ssyncadd.s32 $0xFFFF8000  }
0x2bd: {  	_ =	swait.ge [sflag:s18], $0x1000  }
0x2be: {  	[sflag:s18] =	ssyncset.done $0x0  }
0x2bf: {  	s0 =	simm.s32 $0x400;
	s9 =	simm.s32 $0x0;
	[sflag:s18] =	ssyncadd.s32 $0xFFFFF000  }
0x2c0: {  	v9 =	vmov s0;
	v10 =	vld [tilespmem:s9+$0x2C00]  }
0x2c1: {  	v9 =	vshll.u32 v9, $0x5;
	v11 =	vld [tilespmem:s9+$0x2800]  }
0x2c2: {  	v9 =	vor.u32 v4, v9  }
0x2c3: {  	v12 =	vld [tilespmem:s9+$0x2400]  }
0x2c4: {  	v13 =	vor.u32 $0x4, v9;
	_ =	sdelay $0x1  }
0x2c5: {  	v14 =	vor.u32 $0x8, v9;
	v15 =	vsub.f32 $1.000000000e+00, v10;
	v16 =	vsub.f32 $1.000000000e+00, v11  }
0x2c6: {  	v17 =	vld.idx.msk [tilespmem:v9+s29+$0x0], $0xffff  }
0x2c7: {  	v18 =	vor.u32 $0xC, v9;
	v19 =	vsub.f32 $1.000000000e+00, v12;
	v20 =	vmul.f32 v15, v16  }
0x2c8: {  	v13 =	vld.idx.msk [tilespmem:v13+s29+$0x0], $0xffff  }
0x2c9: {  	v21 =	vor.u32 $0x10, v9;
	v22 =	vmul.f32 v20, v19  }
0x2ca: {  	v14 =	vld.idx.msk [tilespmem:v14+s29+$0x0], $0xffff;
	v15 =	vmul.f32 v15, v11  }
0x2cb: {  	v23 =	vor.u32 $0x14, v9;
	v20 =	vmul.f32 v20, v12;
	v17 =	vmul.f32 v22, v17  }
0x2cc: {  	v24 =	vor.u32 $0x18, v9;
	v18 =	vld.idx.msk [tilespmem:v18+s29+$0x0], $0xffff  }
0x2cd: {  	v25 =	vmul.f32 v15, v19;
	v13 =	vmul.f32 v20, v13;
	v17 =	vadd.f32 v17, v8  }
0x2ce: {  	v26 =	vor.u32 $0x1C, v9;
	v21 =	vld.idx.msk [tilespmem:v21+s29+$0x0], $0xffff;
	v16 =	vmul.f32 v16, v10  }
0x2cf: {  	v15 =	vmul.f32 v15, v12;
	v14 =	vmul.f32 v14, v25;
	v13 =	vadd.f32 v17, v13  }
0x2d0: {  	v51 =	vld.idx.msk [tilespmem:v23+s29+$0x0], $0xffff  }
0x2d1: {  	v23 =	vmul.f32 v16, v19;
	v52 =	vmul.f32 v18, v15;
	v13 =	vadd.f32 v13, v14  }
0x2d2: {  	v10 =	vmul.f32 v10, v11;
	v11 =	vld.idx.msk [tilespmem:v24+s29+$0x0], $0xffff  }
0x2d3: {  	v16 =	vmul.f32 v16, v12;
	v53 =	vmul.f32 v21, v23;
	v13 =	vadd.f32 v13, v52  }
0x2d4: {  	v54 =	vld.idx.msk [tilespmem:v26+s29+$0x0], $0xffff  }
0x2d5: {  	v19 =	vmul.f32 v10, v19;
	v55 =	vmul.f32 v51, v16;
	v13 =	vadd.f32 v13, v53;
	_ =	sdelay $0x1  }
0x2d6: {  	v10 =	vmul.f32 v10, v12;
	v11 =	vmul.f32 v11, v19;
	v56 =	vadd.f32 v13, v55;
	_ =	sdelay $0x1  }
0x2d7: {  	s20 =	simm.s32 $0x0;
	s21 =	simm.s32 $0x0;
	v58 =	vor.u32 $0x1, v9;
	v57 =	vmul.f32 v54, v10;
	v11 =	vadd.f32 v56, v11  }
0x2d8: {  	s0 =	sand.u32 $0xE00, s20;
	s9 =	sand.u32 $0x70, s21  }
0x2d9: {  	v59 =	vor.u32 $0x5, v9;
	s0 =	sor.u32 s9, s0;
	v11 =	vadd.f32 v11, v57  }
0x2da: {  	s11 =	sadd.s32 $0x13800, s0  }
0x2db: {  	[tilespmem:s11+$0x1000] =	vst v11;
	v11 =	vor.u32 $0x9, v9  }
0x2dc: {  	v13 =	vld.idx.msk [tilespmem:v58+s29+$0x0], $0xffff  }
0x2dd: {  	v60 =	vor.u32 $0xD, v9  }
0x2de: {  	v12 =	vld.idx.msk [tilespmem:v59+s29+$0x0], $0xffff  }
0x2df: {  	v61 =	vor.u32 $0x11, v9  }
0x2e0: {  	v11 =	vld.idx.msk [tilespmem:v11+s29+$0x0], $0xffff  }
0x2e1: {  	v62 =	vor.u32 $0x15, v9;
	v13 =	vmul.f32 v13, v22  }
0x2e2: {  	v14 =	vld.idx.msk [tilespmem:v60+s29+$0x0], $0xffff  }
0x2e3: {  	v63 =	vor.u32 $0x19, v9;
	v12 =	vmul.f32 v12, v20;
	v13 =	vadd.f32 v13, v7  }
0x2e4: {  	v17 =	vld.idx.msk [tilespmem:v61+s29+$0x0], $0xffff  }
0x2e5: {  	v28 =	vor.u32 $0x1D, v9;
	v12 =	vadd.f32 v12, v13;
	v11 =	vmul.f32 v11, v25  }
0x2e6: {  	v29 =	vld.idx.msk [tilespmem:v62+s29+$0x0], $0xffff  }
0x2e7: {  	v30 =	vmul.f32 v14, v15;
	v11 =	vadd.f32 v11, v12  }
0x2e8: {  	v31 =	vld.idx.msk [tilespmem:v63+s29+$0x0], $0xffff  }
0x2e9: {  	v32 =	vmul.f32 v17, v23;
	v11 =	vadd.f32 v30, v11  }
0x2ea: {  	v33 =	vld.idx.msk [tilespmem:v28+s29+$0x0], $0xffff  }
0x2eb: {  	v34 =	vmul.f32 v29, v16;
	v11 =	vadd.f32 v32, v11;
	_ =	sdelay $0x1  }
0x2ec: {  	v35 =	vmul.f32 v31, v19;
	v11 =	vadd.f32 v34, v11;
	_ =	sdelay $0x1  }
0x2ed: {  	v37 =	vor.u32 $0x2, v9;
	v36 =	vmul.f32 v33, v10;
	v11 =	vadd.f32 v35, v11;
	_ =	sdelay $0x1  }
0x2ee: {  	v38 =	vor.u32 $0x6, v9;
	v11 =	vadd.f32 v36, v11;
	_ =	sdelay $0x1  }
0x2ef: {  	[tilespmem:s11+$0x1080] =	vst v11;
	v11 =	vor.u32 $0xA, v9  }
0x2f0: {  	v13 =	vld.idx.msk [tilespmem:v37+s29+$0x0], $0xffff  }
0x2f1: {  	v39 =	vor.u32 $0xE, v9  }
0x2f2: {  	v12 =	vld.idx.msk [tilespmem:v38+s29+$0x0], $0xffff  }
0x2f3: {  	v40 =	vor.u32 $0x12, v9  }
0x2f4: {  	v11 =	vld.idx.msk [tilespmem:v11+s29+$0x0], $0xffff  }
0x2f5: {  	v41 =	vor.u32 $0x16, v9;
	v13 =	vmul.f32 v13, v22  }
0x2f6: {  	v14 =	vld.idx.msk [tilespmem:v39+s29+$0x0], $0xffff  }
0x2f7: {  	v42 =	vor.u32 $0x1A, v9;
	v12 =	vmul.f32 v12, v20;
	v13 =	vadd.f32 v13, v6  }
0x2f8: {  	v17 =	vld.idx.msk [tilespmem:v40+s29+$0x0], $0xffff  }
0x2f9: {  	v43 =	vor.u32 $0x1E, v9;
	v12 =	vadd.f32 v12, v13;
	v11 =	vmul.f32 v11, v25  }
0x2fa: {  	v44 =	vld.idx.msk [tilespmem:v41+s29+$0x0], $0xffff  }
0x2fb: {  	v45 =	vmul.f32 v14, v15;
	v11 =	vadd.f32 v11, v12  }
0x2fc: {  	v46 =	vld.idx.msk [tilespmem:v42+s29+$0x0], $0xffff  }
0x2fd: {  	v47 =	vmul.f32 v17, v23;
	v11 =	vadd.f32 v45, v11  }
0x2fe: {  	v48 =	vld.idx.msk [tilespmem:v43+s29+$0x0], $0xffff  }
0x2ff: {  	v49 =	vmul.f32 v44, v16;
	v11 =	vadd.f32 v47, v11;
	_ =	sdelay $0x1  }
0x300: {  	v50 =	vmul.f32 v46, v19;
	v11 =	vadd.f32 v49, v11;
	_ =	sdelay $0x1  }
0x301: {  	v52 =	vor.u32 $0x3, v9;
	v51 =	vmul.f32 v48, v10;
	v11 =	vadd.f32 v50, v11;
	_ =	sdelay $0x1  }
0x302: {  	v53 =	vor.u32 $0x7, v9;
	v11 =	vadd.f32 v51, v11;
	_ =	sdelay $0x1  }
0x303: {  	v54 =	vor.u32 $0xB, v9;
	[tilespmem:s11+$0x1100] =	vst v11  }
0x304: {  	v11 =	vld.idx.msk [tilespmem:v52+s29+$0x0], $0xffff  }
0x305: {  	v55 =	vor.u32 $0xF, v9  }
0x306: {  	v14 =	vld.idx.msk [tilespmem:v53+s29+$0x0], $0xffff  }
0x307: {  	v56 =	vor.u32 $0x13, v9  }
0x308: {  	v12 =	vld.idx.msk [tilespmem:v54+s29+$0x0], $0xffff  }
0x309: {  	v57 =	vor.u32 $0x17, v9;
	v11 =	vmul.f32 v11, v22  }
0x30a: {  	v13 =	vld.idx.msk [tilespmem:v55+s29+$0x0], $0xffff  }
0x30b: {  	v58 =	vor.u32 $0x1B, v9;
	v14 =	vmul.f32 v14, v20;
	v11 =	vadd.f32 v11, v5  }
0x30c: {  	v17 =	vld.idx.msk [tilespmem:v56+s29+$0x0], $0xffff  }
0x30d: {  	v9 =	vor.u32 $0x1F, v9;
	v12 =	vmul.f32 v12, v25;
	v11 =	vadd.f32 v14, v11  }
0x30e: {  	v59 =	vld.idx.msk [tilespmem:v57+s29+$0x0], $0xffff  }
0x30f: {  	v60 =	vmul.f32 v13, v15;
	v11 =	vadd.f32 v12, v11  }
0x310: {  	v61 =	vld.idx.msk [tilespmem:v58+s29+$0x0], $0xffff  }
0x311: {  	v62 =	vmul.f32 v17, v23;
	v11 =	vadd.f32 v60, v11  }
0x312: {  	v9 =	vld.idx.msk [tilespmem:v9+s29+$0x0], $0xffff  }
0x313: {  	v63 =	vmul.f32 v59, v16;
	v11 =	vadd.f32 v62, v11;
	_ =	sdelay $0x1  }
0x314: {  	v13 =	vmul.f32 v61, v19;
	v11 =	vadd.f32 v63, v11;
	_ =	sdelay $0x1  }
0x315: {  	v9 =	vmul.f32 v9, v10;
	v11 =	vadd.f32 v13, v11  }
0x316: {  	s12 =	simm.s32 $0x10  }
0x317: {  	s16 =	simm.s32 $0x80;
	s10 =	simm.s32 $0x410;
	s9 =	simm.s32 $0x40;
	v9 =	vadd.f32 v9, v11  }
.LBB2_18:
0x318: {  	s0 =	sshra.s32 s16, $0x2  }
0x319: {  	p0 =	sne.s32 s16, $0xFC0;
	v10 =	vmov s10;
	[tilespmem:s11+$0x1180] =	vst v9;
	s11 =	smov.u32 s16;
	s16 =	sadd.s32 $0x40, s16  }
0x31a: {  	v11 =	vld [tilespmem:s12+$0x2C00];
	v9 =	vshll.u32 v10, $0x5  }
0x31b: {  	v10 =	vld [tilespmem:s12+$0x2800];
	v9 =	vor.u32 v4, v9  }
0x31c: {  	v12 =	vor.u32 $0x4, v9;
	v13 =	vor.u32 $0x8, v9;
	v14 =	vor.u32 $0xC, v9  }
0x31d: {  	v16 =	vor.u32 $0x10, v9;
	v17 =	vor.u32 $0x14, v9;
	v18 =	vor.u32 $0x18, v9;
	v15 =	vld [tilespmem:s12+$0x2400];
	s12 =	smov.u32 s0  }
0x31e: {  	v19 =	vor.u32 $0x1C, v9  }
0x31f: {  	v20 =	vsub.f32 $1.000000000e+00, v11  }
0x320: {  	v21 =	vsub.f32 $1.000000000e+00, v10;
	v22 =	vmul.f32 v11, v10;
	v23 =	vld.idx.msk [tilespmem:v9+s29+$0x0], $0xffff  }
0x321: {  	v24 =	vmul.f32 v20, v10  }
0x322: {  	v25 =	vsub.f32 $1.000000000e+00, v15;
	v20 =	vmul.f32 v20, v21;
	v21 =	vmul.f32 v21, v11;
	v12 =	vld.idx.msk [tilespmem:v12+s29+$0x0], $0xffff;
	_ =	sdelay $0x1  }
0x323: {  	v11 =	vmul.f32 v20, v25;
	v10 =	vmul.f32 v21, v15;
	v26 =	vld.idx.msk [tilespmem:v13+s29+$0x0], $0xffff;
	_ =	sdelay $0x1  }
0x324: {  	v13 =	vmul.f32 v20, v15;
	v20 =	vmul.f32 v11, v23;
	v23 =	vld.idx.msk [tilespmem:v14+s29+$0x0], $0xffff;
	_ =	sdelay $0x1  }
0x325: {  	v14 =	vmul.f32 v24, v25;
	v27 =	vmul.f32 v13, v12;
	v20 =	vadd.f32 v20, v8;
	v28 =	vld.idx.msk [tilespmem:v16+s29+$0x0], $0xffff;
	_ =	sdelay $0x1  }
0x326: {  	v12 =	vmul.f32 v24, v15;
	v24 =	vmul.f32 v26, v14;
	v20 =	vadd.f32 v20, v27;
	v26 =	vld.idx.msk [tilespmem:v17+s29+$0x0], $0xffff;
	_ =	sdelay $0x1  }
0x327: {  	v16 =	vmul.f32 v21, v25;
	v17 =	vadd.f32 v20, v24;
	v20 =	vmul.f32 v23, v12;
	v18 =	vld.idx.msk [tilespmem:v18+s29+$0x0], $0xffff;
	_ =	sdelay $0x1  }
0x328: {  	v21 =	vmul.f32 v28, v16;
	v20 =	vadd.f32 v17, v20;
	v19 =	vld.idx.msk [tilespmem:v19+s29+$0x0], $0xffff;
	_ =	sdelay $0x1  }
0x329: {  	v17 =	vmul.f32 v22, v25;
	v20 =	vadd.f32 v20, v21;
	v21 =	vmul.f32 v26, v10;
	_ =	sdelay $0x1  }
0x32a: {  	v15 =	vmul.f32 v22, v15;
	v18 =	vmul.f32 v18, v17;
	v20 =	vadd.f32 v20, v21;
	_ =	sdelay $0x1  }
0x32b: {  	s0 =	sadd.s32 $0xFFFFFC00, s10;
	v19 =	vmul.f32 v19, v15;
	v18 =	vadd.f32 v20, v18;
	v20 =	vor.u32 $0x1, v9  }
0x32c: {  	s17 =	sand.u32 $0xE00, s9;
	s9 =	smov.u32 s11;
	s0 =	sand.u32 $0x70, s0  }
0x32d: {  	s0 =	sor.u32 s0, s17;
	v18 =	vadd.f32 v18, v19;
	v19 =	vor.u32 $0x5, v9  }
0x32e: {  	s11 =	sadd.s32 $0x13800, s0  }
0x32f: {  	[tilespmem:s11+$0x1000] =	vst v18;
	v18 =	vor.u32 $0x9, v9  }
0x330: {  	v20 =	vld.idx.msk [tilespmem:v20+s29+$0x0], $0xffff  }
0x331: {  	v21 =	vor.u32 $0xD, v9  }
0x332: {  	v19 =	vld.idx.msk [tilespmem:v19+s29+$0x0], $0xffff  }
0x333: {  	v22 =	vor.u32 $0x11, v9  }
0x334: {  	v18 =	vld.idx.msk [tilespmem:v18+s29+$0x0], $0xffff  }
0x335: {  	v23 =	vor.u32 $0x15, v9  }
0x336: {  	v20 =	vmul.f32 v20, v11;
	v21 =	vld.idx.msk [tilespmem:v21+s29+$0x0], $0xffff  }
0x337: {  	v24 =	vor.u32 $0x19, v9  }
0x338: {  	v20 =	vadd.f32 v20, v7;
	v19 =	vmul.f32 v19, v13;
	v22 =	vld.idx.msk [tilespmem:v22+s29+$0x0], $0xffff  }
0x339: {  	v25 =	vor.u32 $0x1D, v9  }
0x33a: {  	v19 =	vadd.f32 v19, v20;
	v18 =	vmul.f32 v18, v14;
	v20 =	vld.idx.msk [tilespmem:v23+s29+$0x0], $0xffff;
	_ =	sdelay $0x1  }
0x33b: {  	v18 =	vadd.f32 v18, v19;
	v19 =	vmul.f32 v21, v12;
	v21 =	vld.idx.msk [tilespmem:v24+s29+$0x0], $0xffff;
	_ =	sdelay $0x1  }
0x33c: {  	v18 =	vadd.f32 v19, v18;
	v19 =	vmul.f32 v22, v16;
	v22 =	vld.idx.msk [tilespmem:v25+s29+$0x0], $0xffff;
	_ =	sdelay $0x1  }
0x33d: {  	v18 =	vadd.f32 v19, v18;
	v19 =	vmul.f32 v20, v10;
	_ =	sdelay $0x1  }
0x33e: {  	v18 =	vadd.f32 v19, v18;
	v19 =	vmul.f32 v21, v17;
	_ =	sdelay $0x1  }
0x33f: {  	v20 =	vor.u32 $0x2, v9;
	v18 =	vadd.f32 v19, v18;
	v19 =	vmul.f32 v22, v15;
	_ =	sdelay $0x1  }
0x340: {  	v18 =	vadd.f32 v19, v18;
	v19 =	vor.u32 $0x6, v9;
	_ =	sdelay $0x1  }
0x341: {  	[tilespmem:s11+$0x1080] =	vst v18;
	v18 =	vor.u32 $0xA, v9  }
0x342: {  	v20 =	vld.idx.msk [tilespmem:v20+s29+$0x0], $0xffff  }
0x343: {  	v21 =	vor.u32 $0xE, v9  }
0x344: {  	v19 =	vld.idx.msk [tilespmem:v19+s29+$0x0], $0xffff  }
0x345: {  	v22 =	vor.u32 $0x12, v9  }
0x346: {  	v18 =	vld.idx.msk [tilespmem:v18+s29+$0x0], $0xffff  }
0x347: {  	v23 =	vor.u32 $0x16, v9  }
0x348: {  	v20 =	vmul.f32 v20, v11;
	v21 =	vld.idx.msk [tilespmem:v21+s29+$0x0], $0xffff  }
0x349: {  	v24 =	vor.u32 $0x1A, v9  }
0x34a: {  	v20 =	vadd.f32 v20, v6;
	v19 =	vmul.f32 v19, v13;
	v22 =	vld.idx.msk [tilespmem:v22+s29+$0x0], $0xffff  }
0x34b: {  	v25 =	vor.u32 $0x1E, v9  }
0x34c: {  	v19 =	vadd.f32 v19, v20;
	v18 =	vmul.f32 v18, v14;
	v20 =	vld.idx.msk [tilespmem:v23+s29+$0x0], $0xffff;
	_ =	sdelay $0x1  }
0x34d: {  	v18 =	vadd.f32 v18, v19;
	v19 =	vmul.f32 v21, v12;
	v21 =	vld.idx.msk [tilespmem:v24+s29+$0x0], $0xffff;
	_ =	sdelay $0x1  }
0x34e: {  	v18 =	vadd.f32 v19, v18;
	v19 =	vmul.f32 v22, v16;
	v22 =	vld.idx.msk [tilespmem:v25+s29+$0x0], $0xffff;
	_ =	sdelay $0x1  }
0x34f: {  	v18 =	vadd.f32 v19, v18;
	v19 =	vmul.f32 v20, v10;
	_ =	sdelay $0x1  }
0x350: {  	v18 =	vadd.f32 v19, v18;
	v19 =	vmul.f32 v21, v17;
	_ =	sdelay $0x1  }
0x351: {  	v20 =	vor.u32 $0x3, v9;
	v18 =	vadd.f32 v19, v18;
	v19 =	vmul.f32 v22, v15  }
0x352: {  	v21 =	vor.u32 $0x7, v9  }
0x353: {  	v18 =	vadd.f32 v19, v18;
	v19 =	vor.u32 $0xB, v9  }
0x354: {  	v22 =	vor.u32 $0xF, v9  }
0x355: {  	[tilespmem:s11+$0x1100] =	vst v18;
	v18 =	vor.u32 $0x13, v9  }
0x356: {  	v23 =	vor.u32 $0x17, v9;
	v20 =	vld.idx.msk [tilespmem:v20+s29+$0x0], $0xffff  }
0x357: {  	v24 =	vor.u32 $0x1B, v9;
	v21 =	vld.idx.msk [tilespmem:v21+s29+$0x0], $0xffff  }
0x358: {  	v9 =	vor.u32 $0x1F, v9;
	v19 =	vld.idx.msk [tilespmem:v19+s29+$0x0], $0xffff  }
0x359: {  	v22 =	vld.idx.msk [tilespmem:v22+s29+$0x0], $0xffff  }
0x35a: {  	v18 =	vld.idx.msk [tilespmem:v18+s29+$0x0], $0xffff  }
0x35b: {  	v23 =	vld.idx.msk [tilespmem:v23+s29+$0x0], $0xffff  }
0x35c: {  	v11 =	vmul.f32 v20, v11;
	v20 =	vld.idx.msk [tilespmem:v24+s29+$0x0], $0xffff  }
0x35d: {  	v13 =	vmul.f32 v21, v13;
	v9 =	vld.idx.msk [tilespmem:v9+s29+$0x0], $0xffff  }
0x35e: {  	v11 =	vadd.f32 v11, v5;
	v14 =	vmul.f32 v19, v14;
	_ =	sdelay $0x1  }
0x35f: {  	v11 =	vadd.f32 v13, v11;
	v13 =	vmul.f32 v18, v16  }
0x360: {  	v10 =	vmul.f32 v23, v10  }
0x361: {  	v12 =	vmul.f32 v22, v12;
	v11 =	vadd.f32 v14, v11;
	v14 =	vmul.f32 v20, v17;
	_ =	sdelay $0x1  }
0x362: {  	v11 =	vadd.f32 v12, v11;
	_ =	sdelay $0x1  }
0x363: {  	v11 =	vadd.f32 v13, v11;
	_ =	sdelay $0x1  }
0x364: {  	v10 =	vadd.f32 v10, v11  }
.Ltmp8:
0x365: {  	(pc) =	sbr.rel @p0 .LBB2_18-.Ltmp8, $3  }
0x366: {  	v9 =	vmul.f32 v9, v15;
	v10 =	vadd.f32 v14, v10;
	_ =	sdelay $0x1  }
0x367: {  	v9 =	vadd.f32 v9, v10  }
0x368: {  	s10 =	sadd.s32 $0x10, s10  }
0x369: {  	[tilespmem:s11+$0x1180] =	vst v9  }
0x36a: {  	v57 =	vmov s10;
	v10 =	vld [tilespmem:s12+$0x2C00]  }
0x36b: {  	v9 =	vshll.u32 v57, $0x5;
	v11 =	vld [tilespmem:s12+$0x2800]  }
0x36c: {  	v9 =	vor.u32 v4, v9  }
0x36d: {  	v12 =	vld [tilespmem:s12+$0x2400]  }
0x36e: {  	v13 =	vor.u32 $0x4, v9;
	_ =	sdelay $0x1  }
0x36f: {  	v14 =	vor.u32 $0x8, v9;
	v15 =	vsub.f32 $1.000000000e+00, v10;
	v16 =	vsub.f32 $1.000000000e+00, v11  }
0x370: {  	v17 =	vld.idx.msk [tilespmem:v9+s29+$0x0], $0xffff  }
0x371: {  	v18 =	vor.u32 $0xC, v9;
	v19 =	vsub.f32 $1.000000000e+00, v12;
	v20 =	vmul.f32 v15, v16  }
0x372: {  	v13 =	vld.idx.msk [tilespmem:v13+s29+$0x0], $0xffff  }
0x373: {  	v21 =	vor.u32 $0x10, v9;
	v22 =	vmul.f32 v20, v19  }
0x374: {  	v15 =	vmul.f32 v15, v11;
	v14 =	vld.idx.msk [tilespmem:v14+s29+$0x0], $0xffff  }
0x375: {  	v23 =	vor.u32 $0x14, v9;
	v20 =	vmul.f32 v20, v12;
	v17 =	vmul.f32 v22, v17  }
0x376: {  	v24 =	vor.u32 $0x18, v9;
	v18 =	vld.idx.msk [tilespmem:v18+s29+$0x0], $0xffff  }
0x377: {  	v25 =	vmul.f32 v15, v19;
	v13 =	vmul.f32 v20, v13;
	v8 =	vadd.f32 v17, v8  }
0x378: {  	v58 =	vor.u32 $0x1C, v9;
	v16 =	vmul.f32 v16, v10;
	v21 =	vld.idx.msk [tilespmem:v21+s29+$0x0], $0xffff  }
0x379: {  	v15 =	vmul.f32 v15, v12;
	v59 =	vmul.f32 v14, v25;
	v8 =	vadd.f32 v8, v13  }
0x37a: {  	v60 =	vld.idx.msk [tilespmem:v23+s29+$0x0], $0xffff  }
0x37b: {  	v23 =	vmul.f32 v16, v19;
	v61 =	vmul.f32 v18, v15;
	v8 =	vadd.f32 v8, v59  }
0x37c: {  	v10 =	vmul.f32 v10, v11;
	v62 =	vld.idx.msk [tilespmem:v24+s29+$0x0], $0xffff  }
0x37d: {  	v16 =	vmul.f32 v16, v12;
	v63 =	vmul.f32 v21, v23;
	v8 =	vadd.f32 v8, v61  }
0x37e: {  	v17 =	vld.idx.msk [tilespmem:v58+s29+$0x0], $0xffff  }
0x37f: {  	v21 =	vmul.f32 v10, v19;
	v24 =	vmul.f32 v60, v16;
	v8 =	vadd.f32 v8, v63;
	_ =	sdelay $0x1  }
0x380: {  	v10 =	vmul.f32 v10, v12;
	v11 =	vmul.f32 v62, v21;
	v8 =	vadd.f32 v8, v24;
	_ =	sdelay $0x1  }
0x381: {  	s0 =	sadd.s32 $0xFFFFFC00, s10;
	v27 =	vor.u32 $0x1, v9;
	v26 =	vmul.f32 v17, v10;
	v8 =	vadd.f32 v8, v11  }
0x382: {  	s9 =	sand.u32 $0xE00, s9;
	s0 =	sand.u32 $0x70, s0  }
0x383: {  	s0 =	sor.u32 s0, s9;
	v28 =	vor.u32 $0x5, v9;
	v8 =	vadd.f32 v8, v26  }
0x384: {  	s9 =	sadd.s32 $0x13800, s0  }
0x385: {  	v29 =	vor.u32 $0x9, v9;
	[tilespmem:s9+$0x1000] =	vst v8  }
0x386: {  	v12 =	vld.idx.msk [tilespmem:v27+s29+$0x0], $0xffff  }
0x387: {  	v30 =	vor.u32 $0xD, v9  }
0x388: {  	v11 =	vld.idx.msk [tilespmem:v28+s29+$0x0], $0xffff  }
0x389: {  	v31 =	vor.u32 $0x11, v9  }
0x38a: {  	v8 =	vld.idx.msk [tilespmem:v29+s29+$0x0], $0xffff  }
0x38b: {  	v32 =	vor.u32 $0x15, v9;
	v12 =	vmul.f32 v12, v22  }
0x38c: {  	v13 =	vld.idx.msk [tilespmem:v30+s29+$0x0], $0xffff  }
0x38d: {  	v33 =	vor.u32 $0x19, v9;
	v11 =	vmul.f32 v11, v20;
	v7 =	vadd.f32 v12, v7  }
0x38e: {  	v34 =	vld.idx.msk [tilespmem:v31+s29+$0x0], $0xffff  }
0x38f: {  	v35 =	vor.u32 $0x1D, v9;
	v8 =	vmul.f32 v8, v25;
	v7 =	vadd.f32 v11, v7  }
0x390: {  	v36 =	vld.idx.msk [tilespmem:v32+s29+$0x0], $0xffff  }
0x391: {  	v37 =	vmul.f32 v13, v15;
	v7 =	vadd.f32 v8, v7  }
0x392: {  	v38 =	vld.idx.msk [tilespmem:v33+s29+$0x0], $0xffff  }
0x393: {  	v39 =	vmul.f32 v34, v23;
	v7 =	vadd.f32 v37, v7  }
0x394: {  	v40 =	vld.idx.msk [tilespmem:v35+s29+$0x0], $0xffff  }
0x395: {  	v41 =	vmul.f32 v36, v16;
	v7 =	vadd.f32 v39, v7;
	_ =	sdelay $0x1  }
0x396: {  	v42 =	vmul.f32 v38, v21;
	v7 =	vadd.f32 v41, v7;
	_ =	sdelay $0x1  }
0x397: {  	v44 =	vor.u32 $0x2, v9;
	v43 =	vmul.f32 v40, v10;
	v7 =	vadd.f32 v42, v7;
	_ =	sdelay $0x1  }
0x398: {  	v45 =	vor.u32 $0x6, v9;
	v7 =	vadd.f32 v43, v7;
	_ =	sdelay $0x1  }
0x399: {  	[tilespmem:s9+$0x1080] =	vst v7;
	v7 =	vor.u32 $0xA, v9  }
0x39a: {  	v11 =	vld.idx.msk [tilespmem:v44+s29+$0x0], $0xffff  }
0x39b: {  	v46 =	vor.u32 $0xE, v9  }
0x39c: {  	v8 =	vld.idx.msk [tilespmem:v45+s29+$0x0], $0xffff  }
0x39d: {  	v47 =	vor.u32 $0x12, v9  }
0x39e: {  	v7 =	vld.idx.msk [tilespmem:v7+s29+$0x0], $0xffff  }
0x39f: {  	v48 =	vor.u32 $0x16, v9;
	v11 =	vmul.f32 v11, v22  }
0x3a0: {  	v12 =	vld.idx.msk [tilespmem:v46+s29+$0x0], $0xffff  }
0x3a1: {  	v49 =	vor.u32 $0x1A, v9;
	v8 =	vmul.f32 v8, v20;
	v6 =	vadd.f32 v11, v6  }
0x3a2: {  	v50 =	vld.idx.msk [tilespmem:v47+s29+$0x0], $0xffff  }
0x3a3: {  	v51 =	vor.u32 $0x1E, v9;
	v6 =	vadd.f32 v8, v6;
	v7 =	vmul.f32 v7, v25  }
0x3a4: {  	v52 =	vld.idx.msk [tilespmem:v48+s29+$0x0], $0xffff  }
0x3a5: {  	v6 =	vadd.f32 v7, v6;
	v7 =	vmul.f32 v12, v15  }
0x3a6: {  	v53 =	vld.idx.msk [tilespmem:v49+s29+$0x0], $0xffff  }
0x3a7: {  	v6 =	vadd.f32 v7, v6;
	v7 =	vmul.f32 v50, v23  }
0x3a8: {  	v54 =	vld.idx.msk [tilespmem:v51+s29+$0x0], $0xffff  }
0x3a9: {  	v6 =	vadd.f32 v7, v6;
	v7 =	vmul.f32 v52, v16;
	_ =	sdelay $0x1  }
0x3aa: {  	v6 =	vadd.f32 v7, v6;
	v7 =	vmul.f32 v53, v21;
	_ =	sdelay $0x1  }
0x3ab: {  	v55 =	vor.u32 $0x3, v9;
	v6 =	vadd.f32 v7, v6;
	v7 =	vmul.f32 v54, v10;
	_ =	sdelay $0x1  }
0x3ac: {  	v56 =	vor.u32 $0x7, v9;
	v6 =	vadd.f32 v7, v6;
	_ =	sdelay $0x1  }
0x3ad: {  	v7 =	vor.u32 $0xB, v9;
	[tilespmem:s9+$0x1100] =	vst v6  }
0x3ae: {  	v6 =	vld.idx.msk [tilespmem:v55+s29+$0x0], $0xffff  }
0x3af: {  	v57 =	vor.u32 $0xF, v9  }
0x3b0: {  	v11 =	vld.idx.msk [tilespmem:v56+s29+$0x0], $0xffff  }
0x3b1: {  	v58 =	vor.u32 $0x13, v9  }
0x3b2: {  	v7 =	vld.idx.msk [tilespmem:v7+s29+$0x0], $0xffff  }
0x3b3: {  	v59 =	vor.u32 $0x17, v9;
	v6 =	vmul.f32 v6, v22  }
0x3b4: {  	v8 =	vld.idx.msk [tilespmem:v57+s29+$0x0], $0xffff  }
0x3b5: {  	v60 =	vor.u32 $0x1B, v9;
	v11 =	vmul.f32 v11, v20;
	v5 =	vadd.f32 v6, v5  }
0x3b6: {  	v6 =	vld.idx.msk [tilespmem:v58+s29+$0x0], $0xffff  }
0x3b7: {  	v9 =	vor.u32 $0x1F, v9;
	v7 =	vmul.f32 v7, v25;
	v5 =	vadd.f32 v11, v5  }
0x3b8: {  	v61 =	vld.idx.msk [tilespmem:v59+s29+$0x0], $0xffff  }
0x3b9: {  	v5 =	vadd.f32 v7, v5;
	v7 =	vmul.f32 v8, v15  }
0x3ba: {  	v62 =	vld.idx.msk [tilespmem:v60+s29+$0x0], $0xffff  }
0x3bb: {  	v6 =	vmul.f32 v6, v23;
	v5 =	vadd.f32 v7, v5  }
0x3bc: {  	v7 =	vld.idx.msk [tilespmem:v9+s29+$0x0], $0xffff  }
0x3bd: {  	v63 =	vmul.f32 v61, v16;
	v5 =	vadd.f32 v6, v5;
	_ =	sdelay $0x1  }
0x3be: {  	v6 =	vmul.f32 v62, v21;
	v5 =	vadd.f32 v63, v5;
	_ =	sdelay $0x1  }
0x3bf: {  	v5 =	vadd.f32 v6, v5;
	v6 =	vmul.f32 v7, v10;
	_ =	sdelay $0x1  }
0x3c0: {  	v5 =	vadd.f32 v6, v5;
	_ =	sdelay $0x1  }
0x3c1: {  	s17 =	rddreg [dreg:$0x7];
	s19 =	simm.s32 $0x4;
	[tilespmem:s9+$0x1180] =	vst v5  }
0x3c2: {  	[hbm4b:s17+s2] =	stream.linear.scatter [tilespmem:s3], [sflag:$0x5], $0x1000, $0x38;
	[tilespmem:$0x15810] =	vst v63  }
0x3c3: {  	_ =	swait.ge [sflag:s19], $0x1000  }
0x3c4: {  	[sflag:s19] =	ssyncset.done $0x0  }
0x3c5: {  	[sflag:s19] =	ssyncadd.s32 $0xFFFFF000  }
0x3c6: {  	_ =	swait.ge [sflag:s18], $0x1000  }
0x3c7: {  	s20 =	rddreg [dreg:$0x9]  }
0x3c8: {  	s21 =	rddreg [dreg:$0x8];
	s9 =	sadd.s32 $0x1, s20  }
0x3c9: {  	p0 =	sne.s32 s9, s21  }
.Ltmp9:
0x3ca: {  	_ = 	snop;
	(pc) =	sbr.rel @p0 .LBB2_1-.Ltmp9, $3  }
0x3cb: {  	_ =	sdelay $0x1  }
0x3cc: {  	[sflag:s18] =	ssyncset.done $0x0  }
0x3cd: {  	[sflag:s18] =	ssyncadd.s32 $0xFFFFF000  }
0x3ce: {  	_ =	sfence.sel $0x180000  }
0x3cf: {  	[bflag:$0x0] =	sbarrier.arrive $0xFFFF  }
0x3d0: {  	_ =	strace $0x9000004A  }
0x3d1: {  	s0 =	stileid.u32;
	[bflag:$0x2] =	sbarrier.arrive $0xFFFF  }
0x3d2: {  	p0 =	sne.s32 s0, $0x0;
	s0 =	rddreg [dreg:$0x2]  }
0x3d3: {  	s0 =	sadd.s32 @!p0 $0x100000, s0  }
0x3d4: {  	[sflag:s0] =	ssyncadd.tile.s32 @!p0 $0x1;
	_ =	shalt  }
.Lfunc_end2:
_tile_overlayer_lowered:
.L_overlay_start_2:
0x3d5: {  	(tag) =	ssettag $0x2  }
0x3d6: {  	s0 =	rddreg [dreg:$0x0];
	s2 =	stileid.u32  }
0x3d7: {  	s1 =	rddreg [dreg:$0x1];
	p0 =	sne.s32 s2, $0x0  }
0x3d8: {  	s3 =	rddreg [dreg:$0x2];
	[bflag:$0x3] =	sbarrier.arrive $0xFFFF;
	s2 =	simm.s32 @!p0 $0x1C06  }
0x3d9: {  	[timem:s3], [sflag:s2] =	dma.local @!p0 [hbm:s0], s1  }
0x3da: {  	s0 =	simm.s32 @!p0 $0x6  }
0x3db: {  	_ =	swait.ge @!p0 [sflag:s0], s1  }
0x3dc: {  	s1 =	ssub.s32 @!p0 $0x0, s1;
	[sflag:s0] =	ssyncset.done @!p0 $0x0  }
0x3dd: {  	[sflag:s0] =	ssyncadd.s32 @!p0 s1  }
0x3de: {  	[bflag:$0x3] =	sbarrier.arrive $0xFFFF  }
0x3df: {  	_ =	shalt  }

</sc_bundles>
